<compile_context>
chip_gen: v7x
topology: tpu7x:2x2x1
jax: 0.10.2.dev20260603
libtpu: 0.0.44.dev20260713+nightly
codegen_flags: <defaults>
</compile_context>

<pallas_src>
import functools

import jax
import jax.numpy as jnp
from jax import lax
from jax.experimental import pallas as pl
from jax.experimental.pallas import tpu as pltpu
from jax.experimental.pallas import tpu_sc as plsc

_LAMDA = 1e-05
_SLOPE = 0.01

_NC = 2
_NS = 16
_NW = _NC * _NS
_CHUNK = 128


def _leaky(x):
    return jnp.where(x >= 0, x, _SLOPE * x)




_NBUF = 5
_CB = 120


def _sc_gather_all(table, idx_p, idx_b, r_a, r_b):
    p = len(idx_p)
    d = table.shape[1]
    rw_a = r_a // _NW
    nch_a = rw_a // _CHUNK
    rw_b = r_b // _NW
    nch_b = rw_b // _CB
    assert nch_a % _NBUF == 0 and nch_b % _NBUF == 0

    mesh = plsc.VectorSubcoreMesh(
        core_axis_name="c", subcore_axis_name="s",
        num_cores=_NC, num_subcores=_NS,
    )

    @functools.partial(
        pl.kernel,
        out_type=(
            [jax.ShapeDtypeStruct((r_a, d), table.dtype)] * p
            + [jax.ShapeDtypeStruct((r_b, d), table.dtype)]
        ),
        mesh=mesh,
        scratch_types=(
            [pltpu.VMEM((p * rw_a,), jnp.int32),
             pltpu.VMEM((rw_b,), jnp.int32)]
            + [pltpu.VMEM((_CHUNK, d), table.dtype)] * _NBUF
            + [pltpu.SemaphoreType.DMA] * (2 * _NBUF)
        ),
    )
    def gather_k(table_hbm, *rest):
        idxp_hbm = rest[:p]
        idxb_hbm = rest[p]
        outp_hbm = rest[p + 1:2 * p + 1]
        outb_hbm = rest[2 * p + 1]
        sc = rest[2 * p + 2:]
        idxa_v, idxb_v = sc[0], sc[1]
        bufs = sc[2:2 + _NBUF]
        semg = sc[2 + _NBUF:2 + 2 * _NBUF]
        semw = sc[2 + 2 * _NBUF:]
        wid = lax.axis_index("s") * _NC + lax.axis_index("c")
        base_a = wid * rw_a
        base_b = wid * rw_b

        for j in range(p):
            pltpu.sync_copy(idxp_hbm[j].at[pl.ds(base_a, rw_a)],
                            idxa_v.at[pl.ds(j * rw_a, rw_a)])
        pltpu.sync_copy(idxb_hbm.at[pl.ds(base_b, rw_b)], idxb_v)

        def pipe(nch, gather_mk, write_mk):
            ng = nch // _NBUF
            for b in range(_NBUF):
                gather_mk(b, b).start()

            def body(g, carry):
                for b in range(_NBUF):
                    ch = g * _NBUF + b
                    gather_mk(ch, b).wait()
                    write_mk(ch, b).start()

                @pl.when(g < ng - 1)
                def _():
                    for b in range(_NBUF):
                        ch = g * _NBUF + b
                        write_mk(ch, b).wait()
                        gather_mk(ch + _NBUF, b).start()

                return carry

            lax.fori_loop(0, ng, body, 0)
            for b in range(_NBUF):
                write_mk((ng - 1) * _NBUF + b, b).wait()

        for j in range(p):
            def ga(ch, b, j=j):
                return pltpu.make_async_copy(
                    table_hbm.at[idxa_v.at[
                        pl.ds(j * rw_a + ch * _CHUNK, _CHUNK)]],
                    bufs[b], semg[b])

            def wa(ch, b, j=j):
                return pltpu.make_async_copy(
                    bufs[b],
                    outp_hbm[j].at[pl.ds(base_a + ch * _CHUNK, _CHUNK)],
                    semw[b])

            pipe(nch_a, ga, wa)

        def gb(ch, b):
            return pltpu.make_async_copy(
                table_hbm.at[idxb_v.at[pl.ds(ch * _CB, _CB)]],
                bufs[b].at[pl.ds(0, _CB)], semg[b])

        def wb(ch, b):
            return pltpu.make_async_copy(
                bufs[b].at[pl.ds(0, _CB)],
                outb_hbm.at[pl.ds(base_b + ch * _CB, _CB)], semw[b])

        pipe(nch_b, gb, wb)

    return gather_k(table, *idx_p, idx_b)




def _fused_body(bb, k, p, t, f, nb, b_total, *refs):
    (raw_refs, (hl_ref, feat_ref, m_ref, lp_ref,
                wt_ref, bt_ref,
                wg_ref, bg_ref, wb_ref, bbias_ref, wav_ref, bav_ref,
                wac_ref, bac_ref, wgate_ref, bgate_ref, wpa_ref,
                ww_ref, bw_ref, out_ref, tout_ref, l_ref)) = (
        refs[:p], refs[p:])
    i = pl.program_id(0)
    bbk = bb * k
    f32 = jnp.float32

    wt = wt_ref[...]
    bt = bt_ref[...]
    wtpa = jnp.dot(wt, wpa_ref[...], preferred_element_type=f32)
    segs = [r[...] for r in raw_refs]
    scores = jnp.concatenate(
        [jnp.dot(s, wtpa, preferred_element_type=f32) for s in segs], axis=1
    )
    smax = jnp.max(scores, axis=1, keepdims=True)
    e = jnp.exp(scores - smax)
    pa = e / jnp.sum(e, axis=1, keepdims=True)
    m = m_ref[...]
    w = pa * m
    z = segs[0] * w[:, 0:1]
    for j in range(1, p):
        z = z + segs[j] * w[:, j:j + 1]
    wsum = jnp.sum(w, axis=1, keepdims=True)
    t_p = (jnp.dot(z, wt, preferred_element_type=f32) + bt * wsum) / (
        jnp.sum(m, axis=1, keepdims=True) + 1e-10)

    gamma = _leaky(jnp.dot(t_p, wg_ref[...], preferred_element_type=f32)
                   + bg_ref[...])
    beta = _leaky(jnp.dot(t_p, wb_ref[...], preferred_element_type=f32)
                  + bbias_ref[...])
    hl = hl_ref[...]
    p_x = (gamma + 1.0) * hl + beta

    gsel = (lax.broadcasted_iota(jnp.int32, (bb, bbk), 1) // k
            == lax.broadcasted_iota(jnp.int32, (bb, bbk), 0)).astype(f32)
    rsel = (lax.broadcasted_iota(jnp.int32, (bbk, bb), 0) // k
            == lax.broadcasted_iota(jnp.int32, (bbk, bb), 1)).astype(f32)
    onek = (lax.broadcasted_iota(jnp.int32, (bbk, k), 0) % k
            == lax.broadcasted_iota(jnp.int32, (bbk, k), 1)).astype(f32)
    tsel = (lax.broadcasted_iota(jnp.int32, (k, bbk), 1) % k
            == lax.broadcasted_iota(jnp.int32, (k, bbk), 0)).astype(f32)

    gsum = jnp.dot(gsel, gamma * gamma, preferred_element_type=f32)
    bsum = jnp.dot(gsel, beta * beta, preferred_element_type=f32)
    partial = jnp.sum(jnp.sqrt(gsum)) + jnp.sum(jnp.sqrt(bsum))

    feat = feat_ref[...]
    bav = bav_ref[...]
    q = jnp.dot(feat, wav_ref[...], preferred_element_type=f32) + bav
    katt = jnp.dot(p_x, wav_ref[...], preferred_element_type=f32) + bav
    q_rep = jnp.dot(rsel, q, preferred_element_type=f32)
    s_col = jnp.sum(q_rep * katt, axis=1, keepdims=True)
    s_mat = jnp.dot(gsel, s_col * onek, preferred_element_type=f32)
    amax = jnp.max(s_mat, axis=1, keepdims=True)
    ae = jnp.exp(s_mat - amax)
    aw = ae / jnp.sum(ae, axis=1, keepdims=True)

    alpha = jnp.exp(-_LAMDA * lp_ref[...])
    waw = jnp.dot(aw, tsel, preferred_element_type=f32) * gsel
    wal = jnp.dot(alpha, tsel, preferred_element_type=f32) * gsel
    attn_in = jnp.dot(waw, p_x, preferred_element_type=f32)
    a_x = jnp.dot(wal, p_x, preferred_element_type=f32)

    attn_output = jnp.dot(attn_in, wac_ref[...],
                          preferred_element_type=f32) + bac_ref[...]
    g1 = wgate_ref[0:f, :]
    g2 = wgate_ref[f:2 * f, :]
    gate = jax.nn.sigmoid(
        jnp.dot(a_x, g1, preferred_element_type=f32)
        + jnp.dot(attn_output, g2, preferred_element_type=f32)
        + bgate_ref[...]
    )
    fused = gate * a_x + (1.0 - gate) * attn_output
    update = feat + fused
    out_ref[...] = _leaky(jnp.dot(update, ww_ref[...],
                                  preferred_element_type=f32) + bw_ref[...])
    tout_ref[...] = jnp.dot(feat, wt, preferred_element_type=f32) + bt

    prev = jnp.where(i == 0, jnp.zeros((1, 1), f32), l_ref[...])
    tot = prev + partial
    l_ref[...] = jnp.where(i == nb - 1, tot / b_total, tot)


def _fused(out_p, out_b, masks2, lp, wt, bt, wg, bg, wb, bbias,
           wav, bav, wac, bac, wgate, bgate, wpa, ww, bw):
    b, k = lp.shape
    p = masks2.shape[1]
    f = out_b.shape[1]
    t = wt.shape[1]
    o = ww.shape[1]
    bb = 200 if b % 200 == 0 else 8
    nb = b // bb
    bbk = bb * k
    feat_off = (b * k) // bb

    body = functools.partial(_fused_body, bb, k, p, t, f, nb, b)
    full = lambda i: (0, 0)
    out, tout, lfilm = pl.pallas_call(
        body,
        grid=(nb,),
        in_specs=[
            pl.BlockSpec((bbk, f), lambda i: (i, 0))
            for _ in range(p)
        ] + [
            pl.BlockSpec((bbk, f), lambda i: (i, 0)),
            pl.BlockSpec((bb, f), lambda i: (feat_off + i, 0)),
            pl.BlockSpec((bbk, p), lambda i: (i, 0)),
            pl.BlockSpec((bb, k), lambda i: (i, 0)),
            pl.BlockSpec(wt.shape, full),
            pl.BlockSpec(bt.shape, full),
            pl.BlockSpec(wg.shape, full),
            pl.BlockSpec(bg.shape, full),
            pl.BlockSpec(wb.shape, full),
            pl.BlockSpec(bbias.shape, full),
            pl.BlockSpec(wav.shape, full),
            pl.BlockSpec(bav.shape, full),
            pl.BlockSpec(wac.shape, full),
            pl.BlockSpec(bac.shape, full),
            pl.BlockSpec(wgate.shape, full),
            pl.BlockSpec(bgate.shape, full),
            pl.BlockSpec(wpa.shape, full),
            pl.BlockSpec(ww.shape, full),
            pl.BlockSpec(bw.shape, full),
        ],
        out_specs=[
            pl.BlockSpec((bb, o), lambda i: (i, 0)),
            pl.BlockSpec((bb, t), lambda i: (i, 0)),
            pl.BlockSpec((1, 1), full),
        ],
        out_shape=[
            jax.ShapeDtypeStruct((b, o), jnp.float32),
            jax.ShapeDtypeStruct((b, t), jnp.float32),
            jax.ShapeDtypeStruct((1, 1), jnp.float32),
        ],
    )(*out_p, out_b, out_b, masks2, lp, wt, bt, wg, bg, wb, bbias, wav, bav,
      wac, bac, wgate, bgate, wpa, ww, bw)
    return out, tout, lfilm




def kernel(embed, idx, paths, masks, neighs, W_w, b_w, W_t, b_t, W_g, b_g,
           W_b, b_b, W_av, b_av, W_ac, b_ac, W_gate, b_gate, W_pa, b_pa):
    n, f = embed.shape
    b, k, p = paths.shape
    t = W_t.shape[1]

    unit_a = _NW * _CHUNK * _NBUF
    r_a = ((b * k + unit_a - 1) // unit_a) * unit_a
    unit_b = _NW * _CB * _NBUF
    r_b = ((b * k + b + unit_b - 1) // unit_b) * unit_b
    zpad_a = jnp.zeros((r_a - b * k,), jnp.int32)
    idx_p = [jnp.concatenate([paths[:, :, j].reshape(-1), zpad_a])
             for j in range(p)]
    idx_b = jnp.concatenate(
        [neighs[:, :, 0].reshape(-1), idx,
         jnp.zeros((r_b - b * k - b,), jnp.int32)])
    *out_p, out_b = _sc_gather_all(embed, idx_p, idx_b, r_a, r_b)

    masks2 = masks.reshape(b * k, p)
    lp = neighs[:, :, 1].astype(jnp.float32)

    out, tout, lfilm = _fused(
        out_p, out_b, masks2, lp,
        W_t, b_t.reshape(1, t),
        W_g, b_g.reshape(1, f), W_b, b_b.reshape(1, f),
        W_av, b_av.reshape(1, -1), W_ac, b_ac.reshape(1, f),
        W_gate, b_gate.reshape(1, 1), W_pa,
        W_w, b_w.reshape(1, -1),
    )
    return out, tout, lfilm[0, 0]

# --- scband reference (transcript-rebuilt; emitter-appended) ---
"""Pipeline reference for scband-advanced-layer-35081292874140 (READ-ONLY COPY).

The authoritative reference and input builder live on the scoring server;
editing this copy changes nothing except your own understanding.
"""

import jax, jax.numpy as jnp
import numpy as np

N = 100000
B = 10000
K = 16
P = 4
IN_FEAT = 128
OUT_FEAT = 128
T_EMBED = 64
HEADS = 4
LAMDA = 1e-05


def setup_inputs(seed: int = 0) -> dict:
    key = jax.random.key(seed)
    ks = jax.random.split(key, 24)
    s = 0.05
    inp = {}
    inp["embed"] = jax.random.normal(ks[0], (N, IN_FEAT), dtype=jnp.float32)
    inp["idx"] = jax.random.randint(ks[1], (B,), 0, N, dtype=jnp.int32)
    inp["paths"] = jax.random.randint(ks[2], (B, K, P), 0, N, dtype=jnp.int32)
    inp["masks"] = jax.random.uniform(ks[3], (B, K, P), dtype=jnp.float32)
    inp["neighs"] = jax.random.randint(ks[4], (B, K, 2), 0, N, dtype=jnp.int32)
    inp["W_w"] = s * jax.random.normal(ks[5], (IN_FEAT, OUT_FEAT), dtype=jnp.float32)
    inp["b_w"] = jnp.zeros((OUT_FEAT,), dtype=jnp.float32)
    inp["W_t"] = s * jax.random.normal(ks[6], (IN_FEAT, T_EMBED), dtype=jnp.float32)
    inp["b_t"] = jnp.zeros((T_EMBED,), dtype=jnp.float32)
    inp["W_g"] = s * jax.random.normal(ks[7], (T_EMBED, IN_FEAT), dtype=jnp.float32)
    inp["b_g"] = jnp.zeros((IN_FEAT,), dtype=jnp.float32)
    inp["W_b"] = s * jax.random.normal(ks[8], (T_EMBED, IN_FEAT), dtype=jnp.float32)
    inp["b_b"] = jnp.zeros((IN_FEAT,), dtype=jnp.float32)
    inp["W_av"] = s * jax.random.normal(ks[9], (IN_FEAT, IN_FEAT // HEADS), dtype=jnp.float32)
    inp["b_av"] = jnp.zeros((IN_FEAT // HEADS,), dtype=jnp.float32)
    inp["W_ac"] = s * jax.random.normal(ks[10], (IN_FEAT, IN_FEAT), dtype=jnp.float32)
    inp["b_ac"] = jnp.zeros((IN_FEAT,), dtype=jnp.float32)
    inp["W_gate"] = s * jax.random.normal(ks[11], (2 * IN_FEAT, 1), dtype=jnp.float32)
    inp["b_gate"] = jnp.zeros((1,), dtype=jnp.float32)
    inp["W_pa"] = s * jax.random.normal(ks[12], (T_EMBED, 1), dtype=jnp.float32)
    inp["b_pa"] = jnp.zeros((1,), dtype=jnp.float32)
    return inp


def reference(embed, idx, paths, masks, neighs, W_w, b_w, W_t, b_t, W_g, b_g, W_b, b_b, W_av, b_av, W_ac, b_ac, W_gate, b_gate, W_pa, b_pa):
    t_x = embed @ W_t + b_t
    tp = t_x[paths]
    pa = jax.nn.softmax(tp @ W_pa + b_pa, axis=-2)
    t_p = jnp.sum(tp * pa * masks[..., None], axis=-2)
    t_p = t_p / (jnp.sum(masks, axis=2, keepdims=True) + 1e-10)
    feat = embed[idx]
    h_l = embed[neighs[:, :, 0]]
    gamma = jax.nn.leaky_relu(t_p @ W_g + b_g, negative_slope=0.01)
    beta = jax.nn.leaky_relu(t_p @ W_b + b_b, negative_slope=0.01)
    p_x = (gamma + 1.0) * h_l + beta
    L_film = (jnp.sum(jnp.linalg.norm(gamma, axis=1)) + jnp.sum(jnp.linalg.norm(beta, axis=1))) / gamma.shape[0]
    attn_q = (feat @ W_av + b_av)[:, None, :]
    attn_k = p_x @ W_av + b_av
    attn_scores = jnp.sum(attn_q * attn_k, axis=-1)
    attn_weights = jax.nn.softmax(attn_scores, axis=1)[:, :, None]
    attn_output = jnp.sum(attn_weights * p_x, axis=1) @ W_ac + b_ac
    l_p = neighs[:, :, 1][:, :, None].astype(jnp.float32)
    alpha = jnp.exp(-LAMDA * l_p)
    a_x = jnp.sum(alpha * p_x, axis=1)
    combined = jnp.concatenate([a_x, attn_output], axis=1)
    gate_val = jax.nn.sigmoid(combined @ W_gate + b_gate)
    fused = gate_val * a_x + (1.0 - gate_val) * attn_output
    update = feat + fused
    output = jax.nn.leaky_relu(update @ W_w + b_w, negative_slope=0.01)
    return (output, t_x[idx], L_film)

if __name__ == "__main__":
    import jax
    _d = setup_inputs()
    print(jax.jit(kernel)(*tuple(_d.values())))

</pallas_src>

<mosaic_0001>
#map = affine_map<(d0, d1) -> (0, 0)>
#map1 = affine_map<(d0, d1) -> (0)>
module attributes {stable_mosaic.version = 14 : i64} {
  func.func @gather_k(%arg0: i32, %arg1: i32, %arg2: memref<100000x128xf32, #tpu.memory_space<hbm>>, %arg3: memref<163840xi32, #tpu.memory_space<hbm>>, %arg4: memref<163840xi32, #tpu.memory_space<hbm>>, %arg5: memref<163840xi32, #tpu.memory_space<hbm>>, %arg6: memref<163840xi32, #tpu.memory_space<hbm>>, %arg7: memref<172800xi32, #tpu.memory_space<hbm>>, %arg8: memref<163840x128xf32, #tpu.memory_space<hbm>>, %arg9: memref<163840x128xf32, #tpu.memory_space<hbm>>, %arg10: memref<163840x128xf32, #tpu.memory_space<hbm>>, %arg11: memref<163840x128xf32, #tpu.memory_space<hbm>>, %arg12: memref<172800x128xf32, #tpu.memory_space<hbm>>, %arg13: memref<20480xi32, #tpu.memory_space<vmem>>, %arg14: memref<5400xi32, #tpu.memory_space<vmem>>, %arg15: memref<128x128xf32, #tpu.memory_space<vmem>>, %arg16: memref<128x128xf32, #tpu.memory_space<vmem>>, %arg17: memref<128x128xf32, #tpu.memory_space<vmem>>, %arg18: memref<128x128xf32, #tpu.memory_space<vmem>>, %arg19: memref<128x128xf32, #tpu.memory_space<vmem>>, %arg20: memref<!tpu.dma_semaphore, #tpu.memory_space<semaphore_mem>>, %arg21: memref<!tpu.dma_semaphore, #tpu.memory_space<semaphore_mem>>, %arg22: memref<!tpu.dma_semaphore, #tpu.memory_space<semaphore_mem>>, %arg23: memref<!tpu.dma_semaphore, #tpu.memory_space<semaphore_mem>>, %arg24: memref<!tpu.dma_semaphore, #tpu.memory_space<semaphore_mem>>, %arg25: memref<!tpu.dma_semaphore, #tpu.memory_space<semaphore_mem>>, %arg26: memref<!tpu.dma_semaphore, #tpu.memory_space<semaphore_mem>>, %arg27: memref<!tpu.dma_semaphore, #tpu.memory_space<semaphore_mem>>, %arg28: memref<!tpu.dma_semaphore, #tpu.memory_space<semaphore_mem>>, %arg29: memref<!tpu.dma_semaphore, #tpu.memory_space<semaphore_mem>>) attributes {dimension_semantics = [#tpu.dimension_semantics<core_parallel>, #tpu.dimension_semantics<subcore_parallel>], iteration_bounds = array<i64: 2, 16>, scalar_prefetch = 0 : i64, scratch_operands = 17 : i64, tpu.core_type = #tpu.core_type<sc_vector_subcore>, window_params = [{transform_indices = #map}, {transform_indices = #map1}, {transform_indices = #map1}, {transform_indices = #map1}, {transform_indices = #map1}, {transform_indices = #map1}, {transform_indices = #map}, {transform_indices = #map}, {transform_indices = #map}, {transform_indices = #map}, {transform_indices = #map}]} {
    %mul3A = arith.constant 2 : i32
    %mul3A_0 = arith.muli %arg1, %mul3A : i32
    %add3A = arith.addi %mul3A_0, %arg0 : i32
    %mul3A_1 = arith.constant 5120 : i32
    %mul3A_2 = arith.muli %add3A, %mul3A_1 : i32
    %mul3A_3 = arith.constant 5400 : i32
    %mul3A_4 = arith.muli %add3A, %mul3A_3 : i32
    "tpu.region"() ({
      %run_scoped3A = tpu.sem_alloc : memref<!tpu.dma_semaphore, #tpu.memory_space<semaphore_mem>>
      %dma_start3A_352 = arith.constant 0 : i32
      %dma_start3A_353 = tpu.memref_slice %arg13[%dma_start3A_352] : memref<20480xi32, #tpu.memory_space<vmem>> -> memref<5120xi32, #tpu.memory_space<vmem>>
      %dma_start3A_354 = tpu.memref_slice %arg3[%mul3A_2] : memref<163840xi32, #tpu.memory_space<hbm>> -> memref<5120xi32, #tpu.memory_space<hbm>>
      %dma_start3A_355 = arith.constant 0 : i32
      %dma_start3A_356 = tpu.memref_slice %arg13[%dma_start3A_355] : memref<20480xi32, #tpu.memory_space<vmem>> -> memref<5120xi32, #tpu.memory_space<vmem>>
      %dma_start3A_357 = tpu.memref_slice %arg3[%mul3A_2] : memref<163840xi32, #tpu.memory_space<hbm>> -> memref<5120xi32, #tpu.memory_space<hbm>>
      tpu.enqueue_dma source(%dma_start3A_357 : memref<5120xi32, #tpu.memory_space<hbm>>) target(%dma_start3A_356 : memref<5120xi32, #tpu.memory_space<vmem>>) target_semaphore(%run_scoped3A : memref<!tpu.dma_semaphore, #tpu.memory_space<semaphore_mem>>)
      %dma_wait3A_358 = arith.constant 0 : i32
      %dma_wait3A_359 = tpu.memref_slice %arg13[%dma_wait3A_358] : memref<20480xi32, #tpu.memory_space<vmem>> -> memref<5120xi32, #tpu.memory_space<vmem>>
      %dma_wait3A_360 = tpu.memref_slice %arg3[%mul3A_2] : memref<163840xi32, #tpu.memory_space<hbm>> -> memref<5120xi32, #tpu.memory_space<hbm>>
      %dma_wait3A_361 = arith.constant 0 : i32
      %dma_wait3A_362 = tpu.memref_slice %arg13[%dma_wait3A_361] : memref<20480xi32, #tpu.memory_space<vmem>> -> memref<5120xi32, #tpu.memory_space<vmem>>
      %dma_wait3A_363 = tpu.memref_slice %arg3[%mul3A_2] : memref<163840xi32, #tpu.memory_space<hbm>> -> memref<5120xi32, #tpu.memory_space<hbm>>
      tpu.wait_dma2 semaphore(%run_scoped3A : memref<!tpu.dma_semaphore, #tpu.memory_space<semaphore_mem>>) src(%dma_wait3A_363 : memref<5120xi32, #tpu.memory_space<hbm>>) dst(%dma_wait3A_362 : memref<5120xi32, #tpu.memory_space<vmem>>)
      tpu.yield
    }) : () -> ()
    "tpu.region"() ({
      %run_scoped3A = tpu.sem_alloc : memref<!tpu.dma_semaphore, #tpu.memory_space<semaphore_mem>>
      %dma_start3A_352 = arith.constant 5120 : i32
      %dma_start3A_353 = tpu.memref_slice %arg13[%dma_start3A_352] : memref<20480xi32, #tpu.memory_space<vmem>> -> memref<5120xi32, #tpu.memory_space<vmem>>
      %dma_start3A_354 = tpu.memref_slice %arg4[%mul3A_2] : memref<163840xi32, #tpu.memory_space<hbm>> -> memref<5120xi32, #tpu.memory_space<hbm>>
      %dma_start3A_355 = arith.constant 5120 : i32
      %dma_start3A_356 = tpu.memref_slice %arg13[%dma_start3A_355] : memref<20480xi32, #tpu.memory_space<vmem>> -> memref<5120xi32, #tpu.memory_space<vmem>>
      %dma_start3A_357 = tpu.memref_slice %arg4[%mul3A_2] : memref<163840xi32, #tpu.memory_space<hbm>> -> memref<5120xi32, #tpu.memory_space<hbm>>
      tpu.enqueue_dma source(%dma_start3A_357 : memref<5120xi32, #tpu.memory_space<hbm>>) target(%dma_start3A_356 : memref<5120xi32, #tpu.memory_space<vmem>>) target_semaphore(%run_scoped3A : memref<!tpu.dma_semaphore, #tpu.memory_space<semaphore_mem>>)
      %dma_wait3A_358 = arith.constant 5120 : i32
      %dma_wait3A_359 = tpu.memref_slice %arg13[%dma_wait3A_358] : memref<20480xi32, #tpu.memory_space<vmem>> -> memref<5120xi32, #tpu.memory_space<vmem>>
      %dma_wait3A_360 = tpu.memref_slice %arg4[%mul3A_2] : memref<163840xi32, #tpu.memory_space<hbm>> -> memref<5120xi32, #tpu.memory_space<hbm>>
      %dma_wait3A_361 = arith.constant 5120 : i32
      %dma_wait3A_362 = tpu.memref_slice %arg13[%dma_wait3A_361] : memref<20480xi32, #tpu.memory_space<vmem>> -> memref<5120xi32, #tpu.memory_space<vmem>>
      %dma_wait3A_363 = tpu.memref_slice %arg4[%mul3A_2] : memref<163840xi32, #tpu.memory_space<hbm>> -> memref<5120xi32, #tpu.memory_space<hbm>>
      tpu.wait_dma2 semaphore(%run_scoped3A : memref<!tpu.dma_semaphore, #tpu.memory_space<semaphore_mem>>) src(%dma_wait3A_363 : memref<5120xi32, #tpu.memory_space<hbm>>) dst(%dma_wait3A_362 : memref<5120xi32, #tpu.memory_space<vmem>>)
      tpu.yield
    }) : () -> ()
    "tpu.region"() ({
      %run_scoped3A = tpu.sem_alloc : memref<!tpu.dma_semaphore, #tpu.memory_space<semaphore_mem>>
      %dma_start3A_352 = arith.constant 10240 : i32
      %dma_start3A_353 = tpu.memref_slice %arg13[%dma_start3A_352] : memref<20480xi32, #tpu.memory_space<vmem>> -> memref<5120xi32, #tpu.memory_space<vmem>>
      %dma_start3A_354 = tpu.memref_slice %arg5[%mul3A_2] : memref<163840xi32, #tpu.memory_space<hbm>> -> memref<5120xi32, #tpu.memory_space<hbm>>
      %dma_start3A_355 = arith.constant 10240 : i32
      %dma_start3A_356 = tpu.memref_slice %arg13[%dma_start3A_355] : memref<20480xi32, #tpu.memory_space<vmem>> -> memref<5120xi32, #tpu.memory_space<vmem>>
      %dma_start3A_357 = tpu.memref_slice %arg5[%mul3A_2] : memref<163840xi32, #tpu.memory_space<hbm>> -> memref<5120xi32, #tpu.memory_space<hbm>>
      tpu.enqueue_dma source(%dma_start3A_357 : memref<5120xi32, #tpu.memory_space<hbm>>) target(%dma_start3A_356 : memref<5120xi32, #tpu.memory_space<vmem>>) target_semaphore(%run_scoped3A : memref<!tpu.dma_semaphore, #tpu.memory_space<semaphore_mem>>)
      %dma_wait3A_358 = arith.constant 10240 : i32
      %dma_wait3A_359 = tpu.memref_slice %arg13[%dma_wait3A_358] : memref<20480xi32, #tpu.memory_space<vmem>> -> memref<5120xi32, #tpu.memory_space<vmem>>
      %dma_wait3A_360 = tpu.memref_slice %arg5[%mul3A_2] : memref<163840xi32, #tpu.memory_space<hbm>> -> memref<5120xi32, #tpu.memory_space<hbm>>
      %dma_wait3A_361 = arith.constant 10240 : i32
      %dma_wait3A_362 = tpu.memref_slice %arg13[%dma_wait3A_361] : memref<20480xi32, #tpu.memory_space<vmem>> -> memref<5120xi32, #tpu.memory_space<vmem>>
      %dma_wait3A_363 = tpu.memref_slice %arg5[%mul3A_2] : memref<163840xi32, #tpu.memory_space<hbm>> -> memref<5120xi32, #tpu.memory_space<hbm>>
      tpu.wait_dma2 semaphore(%run_scoped3A : memref<!tpu.dma_semaphore, #tpu.memory_space<semaphore_mem>>) src(%dma_wait3A_363 : memref<5120xi32, #tpu.memory_space<hbm>>) dst(%dma_wait3A_362 : memref<5120xi32, #tpu.memory_space<vmem>>)
      tpu.yield
    }) : () -> ()
    "tpu.region"() ({
      %run_scoped3A = tpu.sem_alloc : memref<!tpu.dma_semaphore, #tpu.memory_space<semaphore_mem>>
      %dma_start3A_352 = arith.constant 15360 : i32
      %dma_start3A_353 = tpu.memref_slice %arg13[%dma_start3A_352] : memref<20480xi32, #tpu.memory_space<vmem>> -> memref<5120xi32, #tpu.memory_space<vmem>>
      %dma_start3A_354 = tpu.memref_slice %arg6[%mul3A_2] : memref<163840xi32, #tpu.memory_space<hbm>> -> memref<5120xi32, #tpu.memory_space<hbm>>
      %dma_start3A_355 = arith.constant 15360 : i32
      %dma_start3A_356 = tpu.memref_slice %arg13[%dma_start3A_355] : memref<20480xi32, #tpu.memory_space<vmem>> -> memref<5120xi32, #tpu.memory_space<vmem>>
      %dma_start3A_357 = tpu.memref_slice %arg6[%mul3A_2] : memref<163840xi32, #tpu.memory_space<hbm>> -> memref<5120xi32, #tpu.memory_space<hbm>>
      tpu.enqueue_dma source(%dma_start3A_357 : memref<5120xi32, #tpu.memory_space<hbm>>) target(%dma_start3A_356 : memref<5120xi32, #tpu.memory_space<vmem>>) target_semaphore(%run_scoped3A : memref<!tpu.dma_semaphore, #tpu.memory_space<semaphore_mem>>)
      %dma_wait3A_358 = arith.constant 15360 : i32
      %dma_wait3A_359 = tpu.memref_slice %arg13[%dma_wait3A_358] : memref<20480xi32, #tpu.memory_space<vmem>> -> memref<5120xi32, #tpu.memory_space<vmem>>
      %dma_wait3A_360 = tpu.memref_slice %arg6[%mul3A_2] : memref<163840xi32, #tpu.memory_space<hbm>> -> memref<5120xi32, #tpu.memory_space<hbm>>
      %dma_wait3A_361 = arith.constant 15360 : i32
      %dma_wait3A_362 = tpu.memref_slice %arg13[%dma_wait3A_361] : memref<20480xi32, #tpu.memory_space<vmem>> -> memref<5120xi32, #tpu.memory_space<vmem>>
      %dma_wait3A_363 = tpu.memref_slice %arg6[%mul3A_2] : memref<163840xi32, #tpu.memory_space<hbm>> -> memref<5120xi32, #tpu.memory_space<hbm>>
      tpu.wait_dma2 semaphore(%run_scoped3A : memref<!tpu.dma_semaphore, #tpu.memory_space<semaphore_mem>>) src(%dma_wait3A_363 : memref<5120xi32, #tpu.memory_space<hbm>>) dst(%dma_wait3A_362 : memref<5120xi32, #tpu.memory_space<vmem>>)
      tpu.yield
    }) : () -> ()
    "tpu.region"() ({
      %run_scoped3A = tpu.sem_alloc : memref<!tpu.dma_semaphore, #tpu.memory_space<semaphore_mem>>
      %dma_start3A_352 = tpu.memref_slice %arg7[%mul3A_4] : memref<172800xi32, #tpu.memory_space<hbm>> -> memref<5400xi32, #tpu.memory_space<hbm>>
      %dma_start3A_353 = tpu.memref_slice %arg7[%mul3A_4] : memref<172800xi32, #tpu.memory_space<hbm>> -> memref<5400xi32, #tpu.memory_space<hbm>>
      tpu.enqueue_dma source(%dma_start3A_353 : memref<5400xi32, #tpu.memory_space<hbm>>) target(%arg14 : memref<5400xi32, #tpu.memory_space<vmem>>) target_semaphore(%run_scoped3A : memref<!tpu.dma_semaphore, #tpu.memory_space<semaphore_mem>>)
      %dma_wait3A_354 = tpu.memref_slice %arg7[%mul3A_4] : memref<172800xi32, #tpu.memory_space<hbm>> -> memref<5400xi32, #tpu.memory_space<hbm>>
      %dma_wait3A_355 = tpu.memref_slice %arg7[%mul3A_4] : memref<172800xi32, #tpu.memory_space<hbm>> -> memref<5400xi32, #tpu.memory_space<hbm>>
      tpu.wait_dma2 semaphore(%run_scoped3A : memref<!tpu.dma_semaphore, #tpu.memory_space<semaphore_mem>>) src(%dma_wait3A_355 : memref<5400xi32, #tpu.memory_space<hbm>>) dst(%arg14 : memref<5400xi32, #tpu.memory_space<vmem>>)
      tpu.yield
    }) : () -> ()
    %dma_start3A = arith.constant 0 : i32
    %dma_start3A_5 = tpu.memref_slice %arg13[%dma_start3A] : memref<20480xi32, #tpu.memory_space<vmem>> -> memref<128xi32, #tpu.memory_space<vmem>>
    %dma_start3A_6 = arith.constant 0 : i32
    %dma_start3A_7 = arith.constant 0 : i32
    %dma_start3A_8 = tpu.memref_slice %arg2[%dma_start3A_6, %dma_start3A_7] : memref<100000x128xf32, #tpu.memory_space<hbm>> -> memref<100000x128xf32, #tpu.memory_space<hbm>>
    tpu.enqueue_indirect_dma source(%dma_start3A_8 : memref<100000x128xf32, #tpu.memory_space<hbm>>) target(%arg15 : memref<128x128xf32, #tpu.memory_space<vmem>>) offsets(%dma_start3A_5 : memref<128xi32, #tpu.memory_space<vmem>>) semaphore(%arg20 : memref<!tpu.dma_semaphore, #tpu.memory_space<semaphore_mem>>)
    %dma_start3A_9 = arith.constant 128 : i32
    %dma_start3A_10 = tpu.memref_slice %arg13[%dma_start3A_9] : memref<20480xi32, #tpu.memory_space<vmem>> -> memref<128xi32, #tpu.memory_space<vmem>>
    %dma_start3A_11 = arith.constant 0 : i32
    %dma_start3A_12 = arith.constant 0 : i32
    %dma_start3A_13 = tpu.memref_slice %arg2[%dma_start3A_11, %dma_start3A_12] : memref<100000x128xf32, #tpu.memory_space<hbm>> -> memref<100000x128xf32, #tpu.memory_space<hbm>>
    tpu.enqueue_indirect_dma source(%dma_start3A_13 : memref<100000x128xf32, #tpu.memory_space<hbm>>) target(%arg16 : memref<128x128xf32, #tpu.memory_space<vmem>>) offsets(%dma_start3A_10 : memref<128xi32, #tpu.memory_space<vmem>>) semaphore(%arg21 : memref<!tpu.dma_semaphore, #tpu.memory_space<semaphore_mem>>)
    %dma_start3A_14 = arith.constant 256 : i32
    %dma_start3A_15 = tpu.memref_slice %arg13[%dma_start3A_14] : memref<20480xi32, #tpu.memory_space<vmem>> -> memref<128xi32, #tpu.memory_space<vmem>>
    %dma_start3A_16 = arith.constant 0 : i32
    %dma_start3A_17 = arith.constant 0 : i32
    %dma_start3A_18 = tpu.memref_slice %arg2[%dma_start3A_16, %dma_start3A_17] : memref<100000x128xf32, #tpu.memory_space<hbm>> -> memref<100000x128xf32, #tpu.memory_space<hbm>>
    tpu.enqueue_indirect_dma source(%dma_start3A_18 : memref<100000x128xf32, #tpu.memory_space<hbm>>) target(%arg17 : memref<128x128xf32, #tpu.memory_space<vmem>>) offsets(%dma_start3A_15 : memref<128xi32, #tpu.memory_space<vmem>>) semaphore(%arg22 : memref<!tpu.dma_semaphore, #tpu.memory_space<semaphore_mem>>)
    %dma_start3A_19 = arith.constant 384 : i32
    %dma_start3A_20 = tpu.memref_slice %arg13[%dma_start3A_19] : memref<20480xi32, #tpu.memory_space<vmem>> -> memref<128xi32, #tpu.memory_space<vmem>>
    %dma_start3A_21 = arith.constant 0 : i32
    %dma_start3A_22 = arith.constant 0 : i32
    %dma_start3A_23 = tpu.memref_slice %arg2[%dma_start3A_21, %dma_start3A_22] : memref<100000x128xf32, #tpu.memory_space<hbm>> -> memref<100000x128xf32, #tpu.memory_space<hbm>>
    tpu.enqueue_indirect_dma source(%dma_start3A_23 : memref<100000x128xf32, #tpu.memory_space<hbm>>) target(%arg18 : memref<128x128xf32, #tpu.memory_space<vmem>>) offsets(%dma_start3A_20 : memref<128xi32, #tpu.memory_space<vmem>>) semaphore(%arg23 : memref<!tpu.dma_semaphore, #tpu.memory_space<semaphore_mem>>)
    %dma_start3A_24 = arith.constant 512 : i32
    %dma_start3A_25 = tpu.memref_slice %arg13[%dma_start3A_24] : memref<20480xi32, #tpu.memory_space<vmem>> -> memref<128xi32, #tpu.memory_space<vmem>>
    %dma_start3A_26 = arith.constant 0 : i32
    %dma_start3A_27 = arith.constant 0 : i32
    %dma_start3A_28 = tpu.memref_slice %arg2[%dma_start3A_26, %dma_start3A_27] : memref<100000x128xf32, #tpu.memory_space<hbm>> -> memref<100000x128xf32, #tpu.memory_space<hbm>>
    tpu.enqueue_indirect_dma source(%dma_start3A_28 : memref<100000x128xf32, #tpu.memory_space<hbm>>) target(%arg19 : memref<128x128xf32, #tpu.memory_space<vmem>>) offsets(%dma_start3A_25 : memref<128xi32, #tpu.memory_space<vmem>>) semaphore(%arg24 : memref<!tpu.dma_semaphore, #tpu.memory_space<semaphore_mem>>)
    %scan3A = arith.constant 0 : i32
    %scan3A_29 = arith.constant 0 : i32
    %scan3A_30 = arith.constant 8 : i32
    %scan3A_31 = arith.addi %scan3A_29, %scan3A_30 : i32
    %scan3A_32 = arith.constant 1 : i32
    scf.for %scan3A_352 = %scan3A_29 to %scan3A_31 step %scan3A_32  : i32 {
      %mul3A_353 = arith.constant 5 : i32
      %mul3A_354 = arith.muli %scan3A_352, %mul3A_353 : i32
      %add3A_355 = arith.constant 0 : i32
      %add3A_356 = arith.addi %mul3A_354, %add3A_355 : i32
      %mul3A_357 = arith.constant 128 : i32
      %mul3A_358 = arith.muli %add3A_356, %mul3A_357 : i32
      %add3A_359 = arith.constant 0 : i32
      %add3A_360 = arith.addi %add3A_359, %mul3A_358 : i32
      %dma_wait3A_361 = tpu.memref_slice %arg13[%add3A_360] : memref<20480xi32, #tpu.memory_space<vmem>> -> memref<128xi32, #tpu.memory_space<vmem>>
      %dma_wait3A_362 = arith.constant 0 : i32
      %dma_wait3A_363 = arith.constant 0 : i32
      %dma_wait3A_364 = tpu.memref_slice %arg2[%dma_wait3A_362, %dma_wait3A_363] : memref<100000x128xf32, #tpu.memory_space<hbm>> -> memref<100000x128xf32, #tpu.memory_space<hbm>>
      tpu.wait_indirect_dma semaphore(%arg20 : memref<!tpu.dma_semaphore, #tpu.memory_space<semaphore_mem>>) src(%dma_wait3A_364 : memref<100000x128xf32, #tpu.memory_space<hbm>>) dst(%arg15 : memref<128x128xf32, #tpu.memory_space<vmem>>)
      %mul3A_365 = arith.constant 128 : i32
      %mul3A_366 = arith.muli %add3A_356, %mul3A_365 : i32
      %add3A_367 = arith.addi %mul3A_2, %mul3A_366 : i32
      %dma_start3A_368 = arith.constant 0 : i32
      %dma_start3A_369 = tpu.memref_slice %arg8[%add3A_367, %dma_start3A_368] : memref<163840x128xf32, #tpu.memory_space<hbm>> -> memref<128x128xf32, #tpu.memory_space<hbm>>
      %dma_start3A_370 = arith.constant 0 : i32
      %dma_start3A_371 = tpu.memref_slice %arg8[%add3A_367, %dma_start3A_370] : memref<163840x128xf32, #tpu.memory_space<hbm>> -> memref<128x128xf32, #tpu.memory_space<hbm>>
      tpu.enqueue_dma source(%arg15 : memref<128x128xf32, #tpu.memory_space<vmem>>) target(%dma_start3A_371 : memref<128x128xf32, #tpu.memory_space<hbm>>) target_semaphore(%arg25 : memref<!tpu.dma_semaphore, #tpu.memory_space<semaphore_mem>>)
      %mul3A_372 = arith.constant 5 : i32
      %mul3A_373 = arith.muli %scan3A_352, %mul3A_372 : i32
      %add3A_374 = arith.constant 1 : i32
      %add3A_375 = arith.addi %mul3A_373, %add3A_374 : i32
      %mul3A_376 = arith.constant 128 : i32
      %mul3A_377 = arith.muli %add3A_375, %mul3A_376 : i32
      %add3A_378 = arith.constant 0 : i32
      %add3A_379 = arith.addi %add3A_378, %mul3A_377 : i32
      %dma_wait3A_380 = tpu.memref_slice %arg13[%add3A_379] : memref<20480xi32, #tpu.memory_space<vmem>> -> memref<128xi32, #tpu.memory_space<vmem>>
      %dma_wait3A_381 = arith.constant 0 : i32
      %dma_wait3A_382 = arith.constant 0 : i32
      %dma_wait3A_383 = tpu.memref_slice %arg2[%dma_wait3A_381, %dma_wait3A_382] : memref<100000x128xf32, #tpu.memory_space<hbm>> -> memref<100000x128xf32, #tpu.memory_space<hbm>>
      tpu.wait_indirect_dma semaphore(%arg21 : memref<!tpu.dma_semaphore, #tpu.memory_space<semaphore_mem>>) src(%dma_wait3A_383 : memref<100000x128xf32, #tpu.memory_space<hbm>>) dst(%arg16 : memref<128x128xf32, #tpu.memory_space<vmem>>)
      %mul3A_384 = arith.constant 128 : i32
      %mul3A_385 = arith.muli %add3A_375, %mul3A_384 : i32
      %add3A_386 = arith.addi %mul3A_2, %mul3A_385 : i32
      %dma_start3A_387 = arith.constant 0 : i32
      %dma_start3A_388 = tpu.memref_slice %arg8[%add3A_386, %dma_start3A_387] : memref<163840x128xf32, #tpu.memory_space<hbm>> -> memref<128x128xf32, #tpu.memory_space<hbm>>
      %dma_start3A_389 = arith.constant 0 : i32
      %dma_start3A_390 = tpu.memref_slice %arg8[%add3A_386, %dma_start3A_389] : memref<163840x128xf32, #tpu.memory_space<hbm>> -> memref<128x128xf32, #tpu.memory_space<hbm>>
      tpu.enqueue_dma source(%arg16 : memref<128x128xf32, #tpu.memory_space<vmem>>) target(%dma_start3A_390 : memref<128x128xf32, #tpu.memory_space<hbm>>) target_semaphore(%arg26 : memref<!tpu.dma_semaphore, #tpu.memory_space<semaphore_mem>>)
      %mul3A_391 = arith.constant 5 : i32
      %mul3A_392 = arith.muli %scan3A_352, %mul3A_391 : i32
      %add3A_393 = arith.constant 2 : i32
      %add3A_394 = arith.addi %mul3A_392, %add3A_393 : i32
      %mul3A_395 = arith.constant 128 : i32
      %mul3A_396 = arith.muli %add3A_394, %mul3A_395 : i32
      %add3A_397 = arith.constant 0 : i32
      %add3A_398 = arith.addi %add3A_397, %mul3A_396 : i32
      %dma_wait3A_399 = tpu.memref_slice %arg13[%add3A_398] : memref<20480xi32, #tpu.memory_space<vmem>> -> memref<128xi32, #tpu.memory_space<vmem>>
      %dma_wait3A_400 = arith.constant 0 : i32
      %dma_wait3A_401 = arith.constant 0 : i32
      %dma_wait3A_402 = tpu.memref_slice %arg2[%dma_wait3A_400, %dma_wait3A_401] : memref<100000x128xf32, #tpu.memory_space<hbm>> -> memref<100000x128xf32, #tpu.memory_space<hbm>>
      tpu.wait_indirect_dma semaphore(%arg22 : memref<!tpu.dma_semaphore, #tpu.memory_space<semaphore_mem>>) src(%dma_wait3A_402 : memref<100000x128xf32, #tpu.memory_space<hbm>>) dst(%arg17 : memref<128x128xf32, #tpu.memory_space<vmem>>)
      %mul3A_403 = arith.constant 128 : i32
      %mul3A_404 = arith.muli %add3A_394, %mul3A_403 : i32
      %add3A_405 = arith.addi %mul3A_2, %mul3A_404 : i32
      %dma_start3A_406 = arith.constant 0 : i32
      %dma_start3A_407 = tpu.memref_slice %arg8[%add3A_405, %dma_start3A_406] : memref<163840x128xf32, #tpu.memory_space<hbm>> -> memref<128x128xf32, #tpu.memory_space<hbm>>
      %dma_start3A_408 = arith.constant 0 : i32
      %dma_start3A_409 = tpu.memref_slice %arg8[%add3A_405, %dma_start3A_408] : memref<163840x128xf32, #tpu.memory_space<hbm>> -> memref<128x128xf32, #tpu.memory_space<hbm>>
      tpu.enqueue_dma source(%arg17 : memref<128x128xf32, #tpu.memory_space<vmem>>) target(%dma_start3A_409 : memref<128x128xf32, #tpu.memory_space<hbm>>) target_semaphore(%arg27 : memref<!tpu.dma_semaphore, #tpu.memory_space<semaphore_mem>>)
      %mul3A_410 = arith.constant 5 : i32
      %mul3A_411 = arith.muli %scan3A_352, %mul3A_410 : i32
      %add3A_412 = arith.constant 3 : i32
      %add3A_413 = arith.addi %mul3A_411, %add3A_412 : i32
      %mul3A_414 = arith.constant 128 : i32
      %mul3A_415 = arith.muli %add3A_413, %mul3A_414 : i32
      %add3A_416 = arith.constant 0 : i32
      %add3A_417 = arith.addi %add3A_416, %mul3A_415 : i32
      %dma_wait3A_418 = tpu.memref_slice %arg13[%add3A_417] : memref<20480xi32, #tpu.memory_space<vmem>> -> memref<128xi32, #tpu.memory_space<vmem>>
      %dma_wait3A_419 = arith.constant 0 : i32
      %dma_wait3A_420 = arith.constant 0 : i32
      %dma_wait3A_421 = tpu.memref_slice %arg2[%dma_wait3A_419, %dma_wait3A_420] : memref<100000x128xf32, #tpu.memory_space<hbm>> -> memref<100000x128xf32, #tpu.memory_space<hbm>>
      tpu.wait_indirect_dma semaphore(%arg23 : memref<!tpu.dma_semaphore, #tpu.memory_space<semaphore_mem>>) src(%dma_wait3A_421 : memref<100000x128xf32, #tpu.memory_space<hbm>>) dst(%arg18 : memref<128x128xf32, #tpu.memory_space<vmem>>)
      %mul3A_422 = arith.constant 128 : i32
      %mul3A_423 = arith.muli %add3A_413, %mul3A_422 : i32
      %add3A_424 = arith.addi %mul3A_2, %mul3A_423 : i32
      %dma_start3A_425 = arith.constant 0 : i32
      %dma_start3A_426 = tpu.memref_slice %arg8[%add3A_424, %dma_start3A_425] : memref<163840x128xf32, #tpu.memory_space<hbm>> -> memref<128x128xf32, #tpu.memory_space<hbm>>
      %dma_start3A_427 = arith.constant 0 : i32
      %dma_start3A_428 = tpu.memref_slice %arg8[%add3A_424, %dma_start3A_427] : memref<163840x128xf32, #tpu.memory_space<hbm>> -> memref<128x128xf32, #tpu.memory_space<hbm>>
      tpu.enqueue_dma source(%arg18 : memref<128x128xf32, #tpu.memory_space<vmem>>) target(%dma_start3A_428 : memref<128x128xf32, #tpu.memory_space<hbm>>) target_semaphore(%arg28 : memref<!tpu.dma_semaphore, #tpu.memory_space<semaphore_mem>>)
      %mul3A_429 = arith.constant 5 : i32
      %mul3A_430 = arith.muli %scan3A_352, %mul3A_429 : i32
      %add3A_431 = arith.constant 4 : i32
      %add3A_432 = arith.addi %mul3A_430, %add3A_431 : i32
      %mul3A_433 = arith.constant 128 : i32
      %mul3A_434 = arith.muli %add3A_432, %mul3A_433 : i32
      %add3A_435 = arith.constant 0 : i32
      %add3A_436 = arith.addi %add3A_435, %mul3A_434 : i32
      %dma_wait3A_437 = tpu.memref_slice %arg13[%add3A_436] : memref<20480xi32, #tpu.memory_space<vmem>> -> memref<128xi32, #tpu.memory_space<vmem>>
      %dma_wait3A_438 = arith.constant 0 : i32
      %dma_wait3A_439 = arith.constant 0 : i32
      %dma_wait3A_440 = tpu.memref_slice %arg2[%dma_wait3A_438, %dma_wait3A_439] : memref<100000x128xf32, #tpu.memory_space<hbm>> -> memref<100000x128xf32, #tpu.memory_space<hbm>>
      tpu.wait_indirect_dma semaphore(%arg24 : memref<!tpu.dma_semaphore, #tpu.memory_space<semaphore_mem>>) src(%dma_wait3A_440 : memref<100000x128xf32, #tpu.memory_space<hbm>>) dst(%arg19 : memref<128x128xf32, #tpu.memory_space<vmem>>)
      %mul3A_441 = arith.constant 128 : i32
      %mul3A_442 = arith.muli %add3A_432, %mul3A_441 : i32
      %add3A_443 = arith.addi %mul3A_2, %mul3A_442 : i32
      %dma_start3A_444 = arith.constant 0 : i32
      %dma_start3A_445 = tpu.memref_slice %arg8[%add3A_443, %dma_start3A_444] : memref<163840x128xf32, #tpu.memory_space<hbm>> -> memref<128x128xf32, #tpu.memory_space<hbm>>
      %dma_start3A_446 = arith.constant 0 : i32
      %dma_start3A_447 = tpu.memref_slice %arg8[%add3A_443, %dma_start3A_446] : memref<163840x128xf32, #tpu.memory_space<hbm>> -> memref<128x128xf32, #tpu.memory_space<hbm>>
      tpu.enqueue_dma source(%arg19 : memref<128x128xf32, #tpu.memory_space<vmem>>) target(%dma_start3A_447 : memref<128x128xf32, #tpu.memory_space<hbm>>) target_semaphore(%arg29 : memref<!tpu.dma_semaphore, #tpu.memory_space<semaphore_mem>>)
      %lt3A = arith.constant 7 : i32
      %lt3A_448 = arith.cmpi slt, %scan3A_352, %lt3A : i32
      %convert_element_type3A = arith.extui %lt3A_448 : i1 to i32
      %cond3A = arith.constant 0 : i32
      %cond3A_449 = arith.cmpi ne, %convert_element_type3A, %cond3A : i32
      scf.if %cond3A_449 {
        %mul3A_450 = arith.constant 5 : i32
        %mul3A_451 = arith.muli %scan3A_352, %mul3A_450 : i32
        %add3A_452 = arith.constant 0 : i32
        %add3A_453 = arith.addi %mul3A_451, %add3A_452 : i32
        %mul3A_454 = arith.constant 128 : i32
        %mul3A_455 = arith.muli %add3A_453, %mul3A_454 : i32
        %add3A_456 = arith.addi %mul3A_2, %mul3A_455 : i32
        %dma_wait3A_457 = arith.constant 0 : i32
        %dma_wait3A_458 = tpu.memref_slice %arg8[%add3A_456, %dma_wait3A_457] : memref<163840x128xf32, #tpu.memory_space<hbm>> -> memref<128x128xf32, #tpu.memory_space<hbm>>
        %dma_wait3A_459 = arith.constant 0 : i32
        %dma_wait3A_460 = tpu.memref_slice %arg8[%add3A_456, %dma_wait3A_459] : memref<163840x128xf32, #tpu.memory_space<hbm>> -> memref<128x128xf32, #tpu.memory_space<hbm>>
        tpu.wait_dma2 semaphore(%arg25 : memref<!tpu.dma_semaphore, #tpu.memory_space<semaphore_mem>>) src(%arg15 : memref<128x128xf32, #tpu.memory_space<vmem>>) dst(%dma_wait3A_460 : memref<128x128xf32, #tpu.memory_space<hbm>>)
        %add3A_461 = arith.constant 5 : i32
        %add3A_462 = arith.addi %add3A_453, %add3A_461 : i32
        %mul3A_463 = arith.constant 128 : i32
        %mul3A_464 = arith.muli %add3A_462, %mul3A_463 : i32
        %add3A_465 = arith.constant 0 : i32
        %add3A_466 = arith.addi %add3A_465, %mul3A_464 : i32
        %dma_start3A_467 = tpu.memref_slice %arg13[%add3A_466] : memref<20480xi32, #tpu.memory_space<vmem>> -> memref<128xi32, #tpu.memory_space<vmem>>
        %dma_start3A_468 = arith.constant 0 : i32
        %dma_start3A_469 = arith.constant 0 : i32
        %dma_start3A_470 = tpu.memref_slice %arg2[%dma_start3A_468, %dma_start3A_469] : memref<100000x128xf32, #tpu.memory_space<hbm>> -> memref<100000x128xf32, #tpu.memory_space<hbm>>
        tpu.enqueue_indirect_dma source(%dma_start3A_470 : memref<100000x128xf32, #tpu.memory_space<hbm>>) target(%arg15 : memref<128x128xf32, #tpu.memory_space<vmem>>) offsets(%dma_start3A_467 : memref<128xi32, #tpu.memory_space<vmem>>) semaphore(%arg20 : memref<!tpu.dma_semaphore, #tpu.memory_space<semaphore_mem>>)
        %mul3A_471 = arith.constant 5 : i32
        %mul3A_472 = arith.muli %scan3A_352, %mul3A_471 : i32
        %add3A_473 = arith.constant 1 : i32
        %add3A_474 = arith.addi %mul3A_472, %add3A_473 : i32
        %mul3A_475 = arith.constant 128 : i32
        %mul3A_476 = arith.muli %add3A_474, %mul3A_475 : i32
        %add3A_477 = arith.addi %mul3A_2, %mul3A_476 : i32
        %dma_wait3A_478 = arith.constant 0 : i32
        %dma_wait3A_479 = tpu.memref_slice %arg8[%add3A_477, %dma_wait3A_478] : memref<163840x128xf32, #tpu.memory_space<hbm>> -> memref<128x128xf32, #tpu.memory_space<hbm>>
        %dma_wait3A_480 = arith.constant 0 : i32
        %dma_wait3A_481 = tpu.memref_slice %arg8[%add3A_477, %dma_wait3A_480] : memref<163840x128xf32, #tpu.memory_space<hbm>> -> memref<128x128xf32, #tpu.memory_space<hbm>>
        tpu.wait_dma2 semaphore(%arg26 : memref<!tpu.dma_semaphore, #tpu.memory_space<semaphore_mem>>) src(%arg16 : memref<128x128xf32, #tpu.memory_space<vmem>>) dst(%dma_wait3A_481 : memref<128x128xf32, #tpu.memory_space<hbm>>)
        %add3A_482 = arith.constant 5 : i32
        %add3A_483 = arith.addi %add3A_474, %add3A_482 : i32
        %mul3A_484 = arith.constant 128 : i32
        %mul3A_485 = arith.muli %add3A_483, %mul3A_484 : i32
        %add3A_486 = arith.constant 0 : i32
        %add3A_487 = arith.addi %add3A_486, %mul3A_485 : i32
        %dma_start3A_488 = tpu.memref_slice %arg13[%add3A_487] : memref<20480xi32, #tpu.memory_space<vmem>> -> memref<128xi32, #tpu.memory_space<vmem>>
        %dma_start3A_489 = arith.constant 0 : i32
        %dma_start3A_490 = arith.constant 0 : i32
        %dma_start3A_491 = tpu.memref_slice %arg2[%dma_start3A_489, %dma_start3A_490] : memref<100000x128xf32, #tpu.memory_space<hbm>> -> memref<100000x128xf32, #tpu.memory_space<hbm>>
        tpu.enqueue_indirect_dma source(%dma_start3A_491 : memref<100000x128xf32, #tpu.memory_space<hbm>>) target(%arg16 : memref<128x128xf32, #tpu.memory_space<vmem>>) offsets(%dma_start3A_488 : memref<128xi32, #tpu.memory_space<vmem>>) semaphore(%arg21 : memref<!tpu.dma_semaphore, #tpu.memory_space<semaphore_mem>>)
        %mul3A_492 = arith.constant 5 : i32
        %mul3A_493 = arith.muli %scan3A_352, %mul3A_492 : i32
        %add3A_494 = arith.constant 2 : i32
        %add3A_495 = arith.addi %mul3A_493, %add3A_494 : i32
        %mul3A_496 = arith.constant 128 : i32
        %mul3A_497 = arith.muli %add3A_495, %mul3A_496 : i32
        %add3A_498 = arith.addi %mul3A_2, %mul3A_497 : i32
        %dma_wait3A_499 = arith.constant 0 : i32
        %dma_wait3A_500 = tpu.memref_slice %arg8[%add3A_498, %dma_wait3A_499] : memref<163840x128xf32, #tpu.memory_space<hbm>> -> memref<128x128xf32, #tpu.memory_space<hbm>>
        %dma_wait3A_501 = arith.constant 0 : i32
        %dma_wait3A_502 = tpu.memref_slice %arg8[%add3A_498, %dma_wait3A_501] : memref<163840x128xf32, #tpu.memory_space<hbm>> -> memref<128x128xf32, #tpu.memory_space<hbm>>
        tpu.wait_dma2 semaphore(%arg27 : memref<!tpu.dma_semaphore, #tpu.memory_space<semaphore_mem>>) src(%arg17 : memref<128x128xf32, #tpu.memory_space<vmem>>) dst(%dma_wait3A_502 : memref<128x128xf32, #tpu.memory_space<hbm>>)
        %add3A_503 = arith.constant 5 : i32
        %add3A_504 = arith.addi %add3A_495, %add3A_503 : i32
        %mul3A_505 = arith.constant 128 : i32
        %mul3A_506 = arith.muli %add3A_504, %mul3A_505 : i32
        %add3A_507 = arith.constant 0 : i32
        %add3A_508 = arith.addi %add3A_507, %mul3A_506 : i32
        %dma_start3A_509 = tpu.memref_slice %arg13[%add3A_508] : memref<20480xi32, #tpu.memory_space<vmem>> -> memref<128xi32, #tpu.memory_space<vmem>>
        %dma_start3A_510 = arith.constant 0 : i32
        %dma_start3A_511 = arith.constant 0 : i32
        %dma_start3A_512 = tpu.memref_slice %arg2[%dma_start3A_510, %dma_start3A_511] : memref<100000x128xf32, #tpu.memory_space<hbm>> -> memref<100000x128xf32, #tpu.memory_space<hbm>>
        tpu.enqueue_indirect_dma source(%dma_start3A_512 : memref<100000x128xf32, #tpu.memory_space<hbm>>) target(%arg17 : memref<128x128xf32, #tpu.memory_space<vmem>>) offsets(%dma_start3A_509 : memref<128xi32, #tpu.memory_space<vmem>>) semaphore(%arg22 : memref<!tpu.dma_semaphore, #tpu.memory_space<semaphore_mem>>)
        %mul3A_513 = arith.constant 5 : i32
        %mul3A_514 = arith.muli %scan3A_352, %mul3A_513 : i32
        %add3A_515 = arith.constant 3 : i32
        %add3A_516 = arith.addi %mul3A_514, %add3A_515 : i32
        %mul3A_517 = arith.constant 128 : i32
        %mul3A_518 = arith.muli %add3A_516, %mul3A_517 : i32
        %add3A_519 = arith.addi %mul3A_2, %mul3A_518 : i32
        %dma_wait3A_520 = arith.constant 0 : i32
        %dma_wait3A_521 = tpu.memref_slice %arg8[%add3A_519, %dma_wait3A_520] : memref<163840x128xf32, #tpu.memory_space<hbm>> -> memref<128x128xf32, #tpu.memory_space<hbm>>
        %dma_wait3A_522 = arith.constant 0 : i32
        %dma_wait3A_523 = tpu.memref_slice %arg8[%add3A_519, %dma_wait3A_522] : memref<163840x128xf32, #tpu.memory_space<hbm>> -> memref<128x128xf32, #tpu.memory_space<hbm>>
        tpu.wait_dma2 semaphore(%arg28 : memref<!tpu.dma_semaphore, #tpu.memory_space<semaphore_mem>>) src(%arg18 : memref<128x128xf32, #tpu.memory_space<vmem>>) dst(%dma_wait3A_523 : memref<128x128xf32, #tpu.memory_space<hbm>>)
        %add3A_524 = arith.constant 5 : i32
        %add3A_525 = arith.addi %add3A_516, %add3A_524 : i32
        %mul3A_526 = arith.constant 128 : i32
        %mul3A_527 = arith.muli %add3A_525, %mul3A_526 : i32
        %add3A_528 = arith.constant 0 : i32
        %add3A_529 = arith.addi %add3A_528, %mul3A_527 : i32
        %dma_start3A_530 = tpu.memref_slice %arg13[%add3A_529] : memref<20480xi32, #tpu.memory_space<vmem>> -> memref<128xi32, #tpu.memory_space<vmem>>
        %dma_start3A_531 = arith.constant 0 : i32
        %dma_start3A_532 = arith.constant 0 : i32
        %dma_start3A_533 = tpu.memref_slice %arg2[%dma_start3A_531, %dma_start3A_532] : memref<100000x128xf32, #tpu.memory_space<hbm>> -> memref<100000x128xf32, #tpu.memory_space<hbm>>
        tpu.enqueue_indirect_dma source(%dma_start3A_533 : memref<100000x128xf32, #tpu.memory_space<hbm>>) target(%arg18 : memref<128x128xf32, #tpu.memory_space<vmem>>) offsets(%dma_start3A_530 : memref<128xi32, #tpu.memory_space<vmem>>) semaphore(%arg23 : memref<!tpu.dma_semaphore, #tpu.memory_space<semaphore_mem>>)
        %mul3A_534 = arith.constant 5 : i32
        %mul3A_535 = arith.muli %scan3A_352, %mul3A_534 : i32
        %add3A_536 = arith.constant 4 : i32
        %add3A_537 = arith.addi %mul3A_535, %add3A_536 : i32
        %mul3A_538 = arith.constant 128 : i32
        %mul3A_539 = arith.muli %add3A_537, %mul3A_538 : i32
        %add3A_540 = arith.addi %mul3A_2, %mul3A_539 : i32
        %dma_wait3A_541 = arith.constant 0 : i32
        %dma_wait3A_542 = tpu.memref_slice %arg8[%add3A_540, %dma_wait3A_541] : memref<163840x128xf32, #tpu.memory_space<hbm>> -> memref<128x128xf32, #tpu.memory_space<hbm>>
        %dma_wait3A_543 = arith.constant 0 : i32
        %dma_wait3A_544 = tpu.memref_slice %arg8[%add3A_540, %dma_wait3A_543] : memref<163840x128xf32, #tpu.memory_space<hbm>> -> memref<128x128xf32, #tpu.memory_space<hbm>>
        tpu.wait_dma2 semaphore(%arg29 : memref<!tpu.dma_semaphore, #tpu.memory_space<semaphore_mem>>) src(%arg19 : memref<128x128xf32, #tpu.memory_space<vmem>>) dst(%dma_wait3A_544 : memref<128x128xf32, #tpu.memory_space<hbm>>)
        %add3A_545 = arith.constant 5 : i32
        %add3A_546 = arith.addi %add3A_537, %add3A_545 : i32
        %mul3A_547 = arith.constant 128 : i32
        %mul3A_548 = arith.muli %add3A_546, %mul3A_547 : i32
        %add3A_549 = arith.constant 0 : i32
        %add3A_550 = arith.addi %add3A_549, %mul3A_548 : i32
        %dma_start3A_551 = tpu.memref_slice %arg13[%add3A_550] : memref<20480xi32, #tpu.memory_space<vmem>> -> memref<128xi32, #tpu.memory_space<vmem>>
        %dma_start3A_552 = arith.constant 0 : i32
        %dma_start3A_553 = arith.constant 0 : i32
        %dma_start3A_554 = tpu.memref_slice %arg2[%dma_start3A_552, %dma_start3A_553] : memref<100000x128xf32, #tpu.memory_space<hbm>> -> memref<100000x128xf32, #tpu.memory_space<hbm>>
        tpu.enqueue_indirect_dma source(%dma_start3A_554 : memref<100000x128xf32, #tpu.memory_space<hbm>>) target(%arg19 : memref<128x128xf32, #tpu.memory_space<vmem>>) offsets(%dma_start3A_551 : memref<128xi32, #tpu.memory_space<vmem>>) semaphore(%arg24 : memref<!tpu.dma_semaphore, #tpu.memory_space<semaphore_mem>>)
      } else {
      }
    }
    %scan3A_33 = arith.constant 8 : i32
    %add3A_34 = arith.constant 4480 : i32
    %add3A_35 = arith.addi %mul3A_2, %add3A_34 : i32
    %dma_wait3A = arith.constant 0 : i32
    %dma_wait3A_36 = tpu.memref_slice %arg8[%add3A_35, %dma_wait3A] : memref<163840x128xf32, #tpu.memory_space<hbm>> -> memref<128x128xf32, #tpu.memory_space<hbm>>
    %dma_wait3A_37 = arith.constant 0 : i32
    %dma_wait3A_38 = tpu.memref_slice %arg8[%add3A_35, %dma_wait3A_37] : memref<163840x128xf32, #tpu.memory_space<hbm>> -> memref<128x128xf32, #tpu.memory_space<hbm>>
    tpu.wait_dma2 semaphore(%arg25 : memref<!tpu.dma_semaphore, #tpu.memory_space<semaphore_mem>>) src(%arg15 : memref<128x128xf32, #tpu.memory_space<vmem>>) dst(%dma_wait3A_38 : memref<128x128xf32, #tpu.memory_space<hbm>>)
    %add3A_39 = arith.constant 4608 : i32
    %add3A_40 = arith.addi %mul3A_2, %add3A_39 : i32
    %dma_wait3A_41 = arith.constant 0 : i32
    %dma_wait3A_42 = tpu.memref_slice %arg8[%add3A_40, %dma_wait3A_41] : memref<163840x128xf32, #tpu.memory_space<hbm>> -> memref<128x128xf32, #tpu.memory_space<hbm>>
    %dma_wait3A_43 = arith.constant 0 : i32
    %dma_wait3A_44 = tpu.memref_slice %arg8[%add3A_40, %dma_wait3A_43] : memref<163840x128xf32, #tpu.memory_space<hbm>> -> memref<128x128xf32, #tpu.memory_space<hbm>>
    tpu.wait_dma2 semaphore(%arg26 : memref<!tpu.dma_semaphore, #tpu.memory_space<semaphore_mem>>) src(%arg16 : memref<128x128xf32, #tpu.memory_space<vmem>>) dst(%dma_wait3A_44 : memref<128x128xf32, #tpu.memory_space<hbm>>)
    %add3A_45 = arith.constant 4736 : i32
    %add3A_46 = arith.addi %mul3A_2, %add3A_45 : i32
    %dma_wait3A_47 = arith.constant 0 : i32
    %dma_wait3A_48 = tpu.memref_slice %arg8[%add3A_46, %dma_wait3A_47] : memref<163840x128xf32, #tpu.memory_space<hbm>> -> memref<128x128xf32, #tpu.memory_space<hbm>>
    %dma_wait3A_49 = arith.constant 0 : i32
    %dma_wait3A_50 = tpu.memref_slice %arg8[%add3A_46, %dma_wait3A_49] : memref<163840x128xf32, #tpu.memory_space<hbm>> -> memref<128x128xf32, #tpu.memory_space<hbm>>
    tpu.wait_dma2 semaphore(%arg27 : memref<!tpu.dma_semaphore, #tpu.memory_space<semaphore_mem>>) src(%arg17 : memref<128x128xf32, #tpu.memory_space<vmem>>) dst(%dma_wait3A_50 : memref<128x128xf32, #tpu.memory_space<hbm>>)
    %add3A_51 = arith.constant 4864 : i32
    %add3A_52 = arith.addi %mul3A_2, %add3A_51 : i32
    %dma_wait3A_53 = arith.constant 0 : i32
    %dma_wait3A_54 = tpu.memref_slice %arg8[%add3A_52, %dma_wait3A_53] : memref<163840x128xf32, #tpu.memory_space<hbm>> -> memref<128x128xf32, #tpu.memory_space<hbm>>
    %dma_wait3A_55 = arith.constant 0 : i32
    %dma_wait3A_56 = tpu.memref_slice %arg8[%add3A_52, %dma_wait3A_55] : memref<163840x128xf32, #tpu.memory_space<hbm>> -> memref<128x128xf32, #tpu.memory_space<hbm>>
    tpu.wait_dma2 semaphore(%arg28 : memref<!tpu.dma_semaphore, #tpu.memory_space<semaphore_mem>>) src(%arg18 : memref<128x128xf32, #tpu.memory_space<vmem>>) dst(%dma_wait3A_56 : memref<128x128xf32, #tpu.memory_space<hbm>>)
    %add3A_57 = arith.constant 4992 : i32
    %add3A_58 = arith.addi %mul3A_2, %add3A_57 : i32
    %dma_wait3A_59 = arith.constant 0 : i32
    %dma_wait3A_60 = tpu.memref_slice %arg8[%add3A_58, %dma_wait3A_59] : memref<163840x128xf32, #tpu.memory_space<hbm>> -> memref<128x128xf32, #tpu.memory_space<hbm>>
    %dma_wait3A_61 = arith.constant 0 : i32
    %dma_wait3A_62 = tpu.memref_slice %arg8[%add3A_58, %dma_wait3A_61] : memref<163840x128xf32, #tpu.memory_space<hbm>> -> memref<128x128xf32, #tpu.memory_space<hbm>>
    tpu.wait_dma2 semaphore(%arg29 : memref<!tpu.dma_semaphore, #tpu.memory_space<semaphore_mem>>) src(%arg19 : memref<128x128xf32, #tpu.memory_space<vmem>>) dst(%dma_wait3A_62 : memref<128x128xf32, #tpu.memory_space<hbm>>)
    %dma_start3A_63 = arith.constant 5120 : i32
    %dma_start3A_64 = tpu.memref_slice %arg13[%dma_start3A_63] : memref<20480xi32, #tpu.memory_space<vmem>> -> memref<128xi32, #tpu.memory_space<vmem>>
    %dma_start3A_65 = arith.constant 0 : i32
    %dma_start3A_66 = arith.constant 0 : i32
    %dma_start3A_67 = tpu.memref_slice %arg2[%dma_start3A_65, %dma_start3A_66] : memref<100000x128xf32, #tpu.memory_space<hbm>> -> memref<100000x128xf32, #tpu.memory_space<hbm>>
    tpu.enqueue_indirect_dma source(%dma_start3A_67 : memref<100000x128xf32, #tpu.memory_space<hbm>>) target(%arg15 : memref<128x128xf32, #tpu.memory_space<vmem>>) offsets(%dma_start3A_64 : memref<128xi32, #tpu.memory_space<vmem>>) semaphore(%arg20 : memref<!tpu.dma_semaphore, #tpu.memory_space<semaphore_mem>>)
    %dma_start3A_68 = arith.constant 5248 : i32
    %dma_start3A_69 = tpu.memref_slice %arg13[%dma_start3A_68] : memref<20480xi32, #tpu.memory_space<vmem>> -> memref<128xi32, #tpu.memory_space<vmem>>
    %dma_start3A_70 = arith.constant 0 : i32
    %dma_start3A_71 = arith.constant 0 : i32
    %dma_start3A_72 = tpu.memref_slice %arg2[%dma_start3A_70, %dma_start3A_71] : memref<100000x128xf32, #tpu.memory_space<hbm>> -> memref<100000x128xf32, #tpu.memory_space<hbm>>
    tpu.enqueue_indirect_dma source(%dma_start3A_72 : memref<100000x128xf32, #tpu.memory_space<hbm>>) target(%arg16 : memref<128x128xf32, #tpu.memory_space<vmem>>) offsets(%dma_start3A_69 : memref<128xi32, #tpu.memory_space<vmem>>) semaphore(%arg21 : memref<!tpu.dma_semaphore, #tpu.memory_space<semaphore_mem>>)
    %dma_start3A_73 = arith.constant 5376 : i32
    %dma_start3A_74 = tpu.memref_slice %arg13[%dma_start3A_73] : memref<20480xi32, #tpu.memory_space<vmem>> -> memref<128xi32, #tpu.memory_space<vmem>>
    %dma_start3A_75 = arith.constant 0 : i32
    %dma_start3A_76 = arith.constant 0 : i32
    %dma_start3A_77 = tpu.memref_slice %arg2[%dma_start3A_75, %dma_start3A_76] : memref<100000x128xf32, #tpu.memory_space<hbm>> -> memref<100000x128xf32, #tpu.memory_space<hbm>>
    tpu.enqueue_indirect_dma source(%dma_start3A_77 : memref<100000x128xf32, #tpu.memory_space<hbm>>) target(%arg17 : memref<128x128xf32, #tpu.memory_space<vmem>>) offsets(%dma_start3A_74 : memref<128xi32, #tpu.memory_space<vmem>>) semaphore(%arg22 : memref<!tpu.dma_semaphore, #tpu.memory_space<semaphore_mem>>)
    %dma_start3A_78 = arith.constant 5504 : i32
    %dma_start3A_79 = tpu.memref_slice %arg13[%dma_start3A_78] : memref<20480xi32, #tpu.memory_space<vmem>> -> memref<128xi32, #tpu.memory_space<vmem>>
    %dma_start3A_80 = arith.constant 0 : i32
    %dma_start3A_81 = arith.constant 0 : i32
    %dma_start3A_82 = tpu.memref_slice %arg2[%dma_start3A_80, %dma_start3A_81] : memref<100000x128xf32, #tpu.memory_space<hbm>> -> memref<100000x128xf32, #tpu.memory_space<hbm>>
    tpu.enqueue_indirect_dma source(%dma_start3A_82 : memref<100000x128xf32, #tpu.memory_space<hbm>>) target(%arg18 : memref<128x128xf32, #tpu.memory_space<vmem>>) offsets(%dma_start3A_79 : memref<128xi32, #tpu.memory_space<vmem>>) semaphore(%arg23 : memref<!tpu.dma_semaphore, #tpu.memory_space<semaphore_mem>>)
    %dma_start3A_83 = arith.constant 5632 : i32
    %dma_start3A_84 = tpu.memref_slice %arg13[%dma_start3A_83] : memref<20480xi32, #tpu.memory_space<vmem>> -> memref<128xi32, #tpu.memory_space<vmem>>
    %dma_start3A_85 = arith.constant 0 : i32
    %dma_start3A_86 = arith.constant 0 : i32
    %dma_start3A_87 = tpu.memref_slice %arg2[%dma_start3A_85, %dma_start3A_86] : memref<100000x128xf32, #tpu.memory_space<hbm>> -> memref<100000x128xf32, #tpu.memory_space<hbm>>
    tpu.enqueue_indirect_dma source(%dma_start3A_87 : memref<100000x128xf32, #tpu.memory_space<hbm>>) target(%arg19 : memref<128x128xf32, #tpu.memory_space<vmem>>) offsets(%dma_start3A_84 : memref<128xi32, #tpu.memory_space<vmem>>) semaphore(%arg24 : memref<!tpu.dma_semaphore, #tpu.memory_space<semaphore_mem>>)
    %scan3A_88 = arith.constant 0 : i32
    %scan3A_89 = arith.constant 0 : i32
    %scan3A_90 = arith.constant 8 : i32
    %scan3A_91 = arith.addi %scan3A_89, %scan3A_90 : i32
    %scan3A_92 = arith.constant 1 : i32
    scf.for %scan3A_352 = %scan3A_89 to %scan3A_91 step %scan3A_92  : i32 {
      %mul3A_353 = arith.constant 5 : i32
      %mul3A_354 = arith.muli %scan3A_352, %mul3A_353 : i32
      %add3A_355 = arith.constant 0 : i32
      %add3A_356 = arith.addi %mul3A_354, %add3A_355 : i32
      %mul3A_357 = arith.constant 128 : i32
      %mul3A_358 = arith.muli %add3A_356, %mul3A_357 : i32
      %add3A_359 = arith.constant 5120 : i32
      %add3A_360 = arith.addi %add3A_359, %mul3A_358 : i32
      %dma_wait3A_361 = tpu.memref_slice %arg13[%add3A_360] : memref<20480xi32, #tpu.memory_space<vmem>> -> memref<128xi32, #tpu.memory_space<vmem>>
      %dma_wait3A_362 = arith.constant 0 : i32
      %dma_wait3A_363 = arith.constant 0 : i32
      %dma_wait3A_364 = tpu.memref_slice %arg2[%dma_wait3A_362, %dma_wait3A_363] : memref<100000x128xf32, #tpu.memory_space<hbm>> -> memref<100000x128xf32, #tpu.memory_space<hbm>>
      tpu.wait_indirect_dma semaphore(%arg20 : memref<!tpu.dma_semaphore, #tpu.memory_space<semaphore_mem>>) src(%dma_wait3A_364 : memref<100000x128xf32, #tpu.memory_space<hbm>>) dst(%arg15 : memref<128x128xf32, #tpu.memory_space<vmem>>)
      %mul3A_365 = arith.constant 128 : i32
      %mul3A_366 = arith.muli %add3A_356, %mul3A_365 : i32
      %add3A_367 = arith.addi %mul3A_2, %mul3A_366 : i32
      %dma_start3A_368 = arith.constant 0 : i32
      %dma_start3A_369 = tpu.memref_slice %arg9[%add3A_367, %dma_start3A_368] : memref<163840x128xf32, #tpu.memory_space<hbm>> -> memref<128x128xf32, #tpu.memory_space<hbm>>
      %dma_start3A_370 = arith.constant 0 : i32
      %dma_start3A_371 = tpu.memref_slice %arg9[%add3A_367, %dma_start3A_370] : memref<163840x128xf32, #tpu.memory_space<hbm>> -> memref<128x128xf32, #tpu.memory_space<hbm>>
      tpu.enqueue_dma source(%arg15 : memref<128x128xf32, #tpu.memory_space<vmem>>) target(%dma_start3A_371 : memref<128x128xf32, #tpu.memory_space<hbm>>) target_semaphore(%arg25 : memref<!tpu.dma_semaphore, #tpu.memory_space<semaphore_mem>>)
      %mul3A_372 = arith.constant 5 : i32
      %mul3A_373 = arith.muli %scan3A_352, %mul3A_372 : i32
      %add3A_374 = arith.constant 1 : i32
      %add3A_375 = arith.addi %mul3A_373, %add3A_374 : i32
      %mul3A_376 = arith.constant 128 : i32
      %mul3A_377 = arith.muli %add3A_375, %mul3A_376 : i32
      %add3A_378 = arith.constant 5120 : i32
      %add3A_379 = arith.addi %add3A_378, %mul3A_377 : i32
      %dma_wait3A_380 = tpu.memref_slice %arg13[%add3A_379] : memref<20480xi32, #tpu.memory_space<vmem>> -> memref<128xi32, #tpu.memory_space<vmem>>
      %dma_wait3A_381 = arith.constant 0 : i32
      %dma_wait3A_382 = arith.constant 0 : i32
      %dma_wait3A_383 = tpu.memref_slice %arg2[%dma_wait3A_381, %dma_wait3A_382] : memref<100000x128xf32, #tpu.memory_space<hbm>> -> memref<100000x128xf32, #tpu.memory_space<hbm>>
      tpu.wait_indirect_dma semaphore(%arg21 : memref<!tpu.dma_semaphore, #tpu.memory_space<semaphore_mem>>) src(%dma_wait3A_383 : memref<100000x128xf32, #tpu.memory_space<hbm>>) dst(%arg16 : memref<128x128xf32, #tpu.memory_space<vmem>>)
      %mul3A_384 = arith.constant 128 : i32
      %mul3A_385 = arith.muli %add3A_375, %mul3A_384 : i32
      %add3A_386 = arith.addi %mul3A_2, %mul3A_385 : i32
      %dma_start3A_387 = arith.constant 0 : i32
      %dma_start3A_388 = tpu.memref_slice %arg9[%add3A_386, %dma_start3A_387] : memref<163840x128xf32, #tpu.memory_space<hbm>> -> memref<128x128xf32, #tpu.memory_space<hbm>>
      %dma_start3A_389 = arith.constant 0 : i32
      %dma_start3A_390 = tpu.memref_slice %arg9[%add3A_386, %dma_start3A_389] : memref<163840x128xf32, #tpu.memory_space<hbm>> -> memref<128x128xf32, #tpu.memory_space<hbm>>
      tpu.enqueue_dma source(%arg16 : memref<128x128xf32, #tpu.memory_space<vmem>>) target(%dma_start3A_390 : memref<128x128xf32, #tpu.memory_space<hbm>>) target_semaphore(%arg26 : memref<!tpu.dma_semaphore, #tpu.memory_space<semaphore_mem>>)
      %mul3A_391 = arith.constant 5 : i32
      %mul3A_392 = arith.muli %scan3A_352, %mul3A_391 : i32
      %add3A_393 = arith.constant 2 : i32
      %add3A_394 = arith.addi %mul3A_392, %add3A_393 : i32
      %mul3A_395 = arith.constant 128 : i32
      %mul3A_396 = arith.muli %add3A_394, %mul3A_395 : i32
      %add3A_397 = arith.constant 5120 : i32
      %add3A_398 = arith.addi %add3A_397, %mul3A_396 : i32
      %dma_wait3A_399 = tpu.memref_slice %arg13[%add3A_398] : memref<20480xi32, #tpu.memory_space<vmem>> -> memref<128xi32, #tpu.memory_space<vmem>>
      %dma_wait3A_400 = arith.constant 0 : i32
      %dma_wait3A_401 = arith.constant 0 : i32
      %dma_wait3A_402 = tpu.memref_slice %arg2[%dma_wait3A_400, %dma_wait3A_401] : memref<100000x128xf32, #tpu.memory_space<hbm>> -> memref<100000x128xf32, #tpu.memory_space<hbm>>
      tpu.wait_indirect_dma semaphore(%arg22 : memref<!tpu.dma_semaphore, #tpu.memory_space<semaphore_mem>>) src(%dma_wait3A_402 : memref<100000x128xf32, #tpu.memory_space<hbm>>) dst(%arg17 : memref<128x128xf32, #tpu.memory_space<vmem>>)
      %mul3A_403 = arith.constant 128 : i32
      %mul3A_404 = arith.muli %add3A_394, %mul3A_403 : i32
      %add3A_405 = arith.addi %mul3A_2, %mul3A_404 : i32
      %dma_start3A_406 = arith.constant 0 : i32
      %dma_start3A_407 = tpu.memref_slice %arg9[%add3A_405, %dma_start3A_406] : memref<163840x128xf32, #tpu.memory_space<hbm>> -> memref<128x128xf32, #tpu.memory_space<hbm>>
      %dma_start3A_408 = arith.constant 0 : i32
      %dma_start3A_409 = tpu.memref_slice %arg9[%add3A_405, %dma_start3A_408] : memref<163840x128xf32, #tpu.memory_space<hbm>> -> memref<128x128xf32, #tpu.memory_space<hbm>>
      tpu.enqueue_dma source(%arg17 : memref<128x128xf32, #tpu.memory_space<vmem>>) target(%dma_start3A_409 : memref<128x128xf32, #tpu.memory_space<hbm>>) target_semaphore(%arg27 : memref<!tpu.dma_semaphore, #tpu.memory_space<semaphore_mem>>)
      %mul3A_410 = arith.constant 5 : i32
      %mul3A_411 = arith.muli %scan3A_352, %mul3A_410 : i32
      %add3A_412 = arith.constant 3 : i32
      %add3A_413 = arith.addi %mul3A_411, %add3A_412 : i32
      %mul3A_414 = arith.constant 128 : i32
      %mul3A_415 = arith.muli %add3A_413, %mul3A_414 : i32
      %add3A_416 = arith.constant 5120 : i32
      %add3A_417 = arith.addi %add3A_416, %mul3A_415 : i32
      %dma_wait3A_418 = tpu.memref_slice %arg13[%add3A_417] : memref<20480xi32, #tpu.memory_space<vmem>> -> memref<128xi32, #tpu.memory_space<vmem>>
      %dma_wait3A_419 = arith.constant 0 : i32
      %dma_wait3A_420 = arith.constant 0 : i32
      %dma_wait3A_421 = tpu.memref_slice %arg2[%dma_wait3A_419, %dma_wait3A_420] : memref<100000x128xf32, #tpu.memory_space<hbm>> -> memref<100000x128xf32, #tpu.memory_space<hbm>>
      tpu.wait_indirect_dma semaphore(%arg23 : memref<!tpu.dma_semaphore, #tpu.memory_space<semaphore_mem>>) src(%dma_wait3A_421 : memref<100000x128xf32, #tpu.memory_space<hbm>>) dst(%arg18 : memref<128x128xf32, #tpu.memory_space<vmem>>)
      %mul3A_422 = arith.constant 128 : i32
      %mul3A_423 = arith.muli %add3A_413, %mul3A_422 : i32
      %add3A_424 = arith.addi %mul3A_2, %mul3A_423 : i32
      %dma_start3A_425 = arith.constant 0 : i32
      %dma_start3A_426 = tpu.memref_slice %arg9[%add3A_424, %dma_start3A_425] : memref<163840x128xf32, #tpu.memory_space<hbm>> -> memref<128x128xf32, #tpu.memory_space<hbm>>
      %dma_start3A_427 = arith.constant 0 : i32
      %dma_start3A_428 = tpu.memref_slice %arg9[%add3A_424, %dma_start3A_427] : memref<163840x128xf32, #tpu.memory_space<hbm>> -> memref<128x128xf32, #tpu.memory_space<hbm>>
      tpu.enqueue_dma source(%arg18 : memref<128x128xf32, #tpu.memory_space<vmem>>) target(%dma_start3A_428 : memref<128x128xf32, #tpu.memory_space<hbm>>) target_semaphore(%arg28 : memref<!tpu.dma_semaphore, #tpu.memory_space<semaphore_mem>>)
      %mul3A_429 = arith.constant 5 : i32
      %mul3A_430 = arith.muli %scan3A_352, %mul3A_429 : i32
      %add3A_431 = arith.constant 4 : i32
      %add3A_432 = arith.addi %mul3A_430, %add3A_431 : i32
      %mul3A_433 = arith.constant 128 : i32
      %mul3A_434 = arith.muli %add3A_432, %mul3A_433 : i32
      %add3A_435 = arith.constant 5120 : i32
      %add3A_436 = arith.addi %add3A_435, %mul3A_434 : i32
      %dma_wait3A_437 = tpu.memref_slice %arg13[%add3A_436] : memref<20480xi32, #tpu.memory_space<vmem>> -> memref<128xi32, #tpu.memory_space<vmem>>
      %dma_wait3A_438 = arith.constant 0 : i32
      %dma_wait3A_439 = arith.constant 0 : i32
      %dma_wait3A_440 = tpu.memref_slice %arg2[%dma_wait3A_438, %dma_wait3A_439] : memref<100000x128xf32, #tpu.memory_space<hbm>> -> memref<100000x128xf32, #tpu.memory_space<hbm>>
      tpu.wait_indirect_dma semaphore(%arg24 : memref<!tpu.dma_semaphore, #tpu.memory_space<semaphore_mem>>) src(%dma_wait3A_440 : memref<100000x128xf32, #tpu.memory_space<hbm>>) dst(%arg19 : memref<128x128xf32, #tpu.memory_space<vmem>>)
      %mul3A_441 = arith.constant 128 : i32
      %mul3A_442 = arith.muli %add3A_432, %mul3A_441 : i32
      %add3A_443 = arith.addi %mul3A_2, %mul3A_442 : i32
      %dma_start3A_444 = arith.constant 0 : i32
      %dma_start3A_445 = tpu.memref_slice %arg9[%add3A_443, %dma_start3A_444] : memref<163840x128xf32, #tpu.memory_space<hbm>> -> memref<128x128xf32, #tpu.memory_space<hbm>>
      %dma_start3A_446 = arith.constant 0 : i32
      %dma_start3A_447 = tpu.memref_slice %arg9[%add3A_443, %dma_start3A_446] : memref<163840x128xf32, #tpu.memory_space<hbm>> -> memref<128x128xf32, #tpu.memory_space<hbm>>
      tpu.enqueue_dma source(%arg19 : memref<128x128xf32, #tpu.memory_space<vmem>>) target(%dma_start3A_447 : memref<128x128xf32, #tpu.memory_space<hbm>>) target_semaphore(%arg29 : memref<!tpu.dma_semaphore, #tpu.memory_space<semaphore_mem>>)
      %lt3A = arith.constant 7 : i32
      %lt3A_448 = arith.cmpi slt, %scan3A_352, %lt3A : i32
      %convert_element_type3A = arith.extui %lt3A_448 : i1 to i32
      %cond3A = arith.constant 0 : i32
      %cond3A_449 = arith.cmpi ne, %convert_element_type3A, %cond3A : i32
      scf.if %cond3A_449 {
        %mul3A_450 = arith.constant 5 : i32
        %mul3A_451 = arith.muli %scan3A_352, %mul3A_450 : i32
        %add3A_452 = arith.constant 0 : i32
        %add3A_453 = arith.addi %mul3A_451, %add3A_452 : i32
        %mul3A_454 = arith.constant 128 : i32
        %mul3A_455 = arith.muli %add3A_453, %mul3A_454 : i32
        %add3A_456 = arith.addi %mul3A_2, %mul3A_455 : i32
        %dma_wait3A_457 = arith.constant 0 : i32
        %dma_wait3A_458 = tpu.memref_slice %arg9[%add3A_456, %dma_wait3A_457] : memref<163840x128xf32, #tpu.memory_space<hbm>> -> memref<128x128xf32, #tpu.memory_space<hbm>>
        %dma_wait3A_459 = arith.constant 0 : i32
        %dma_wait3A_460 = tpu.memref_slice %arg9[%add3A_456, %dma_wait3A_459] : memref<163840x128xf32, #tpu.memory_space<hbm>> -> memref<128x128xf32, #tpu.memory_space<hbm>>
        tpu.wait_dma2 semaphore(%arg25 : memref<!tpu.dma_semaphore, #tpu.memory_space<semaphore_mem>>) src(%arg15 : memref<128x128xf32, #tpu.memory_space<vmem>>) dst(%dma_wait3A_460 : memref<128x128xf32, #tpu.memory_space<hbm>>)
        %add3A_461 = arith.constant 5 : i32
        %add3A_462 = arith.addi %add3A_453, %add3A_461 : i32
        %mul3A_463 = arith.constant 128 : i32
        %mul3A_464 = arith.muli %add3A_462, %mul3A_463 : i32
        %add3A_465 = arith.constant 5120 : i32
        %add3A_466 = arith.addi %add3A_465, %mul3A_464 : i32
        %dma_start3A_467 = tpu.memref_slice %arg13[%add3A_466] : memref<20480xi32, #tpu.memory_space<vmem>> -> memref<128xi32, #tpu.memory_space<vmem>>
        %dma_start3A_468 = arith.constant 0 : i32
        %dma_start3A_469 = arith.constant 0 : i32
        %dma_start3A_470 = tpu.memref_slice %arg2[%dma_start3A_468, %dma_start3A_469] : memref<100000x128xf32, #tpu.memory_space<hbm>> -> memref<100000x128xf32, #tpu.memory_space<hbm>>
        tpu.enqueue_indirect_dma source(%dma_start3A_470 : memref<100000x128xf32, #tpu.memory_space<hbm>>) target(%arg15 : memref<128x128xf32, #tpu.memory_space<vmem>>) offsets(%dma_start3A_467 : memref<128xi32, #tpu.memory_space<vmem>>) semaphore(%arg20 : memref<!tpu.dma_semaphore, #tpu.memory_space<semaphore_mem>>)
        %mul3A_471 = arith.constant 5 : i32
        %mul3A_472 = arith.muli %scan3A_352, %mul3A_471 : i32
        %add3A_473 = arith.constant 1 : i32
        %add3A_474 = arith.addi %mul3A_472, %add3A_473 : i32
        %mul3A_475 = arith.constant 128 : i32
        %mul3A_476 = arith.muli %add3A_474, %mul3A_475 : i32
        %add3A_477 = arith.addi %mul3A_2, %mul3A_476 : i32
        %dma_wait3A_478 = arith.constant 0 : i32
        %dma_wait3A_479 = tpu.memref_slice %arg9[%add3A_477, %dma_wait3A_478] : memref<163840x128xf32, #tpu.memory_space<hbm>> -> memref<128x128xf32, #tpu.memory_space<hbm>>
        %dma_wait3A_480 = arith.constant 0 : i32
        %dma_wait3A_481 = tpu.memref_slice %arg9[%add3A_477, %dma_wait3A_480] : memref<163840x128xf32, #tpu.memory_space<hbm>> -> memref<128x128xf32, #tpu.memory_space<hbm>>
        tpu.wait_dma2 semaphore(%arg26 : memref<!tpu.dma_semaphore, #tpu.memory_space<semaphore_mem>>) src(%arg16 : memref<128x128xf32, #tpu.memory_space<vmem>>) dst(%dma_wait3A_481 : memref<128x128xf32, #tpu.memory_space<hbm>>)
        %add3A_482 = arith.constant 5 : i32
        %add3A_483 = arith.addi %add3A_474, %add3A_482 : i32
        %mul3A_484 = arith.constant 128 : i32
        %mul3A_485 = arith.muli %add3A_483, %mul3A_484 : i32
        %add3A_486 = arith.constant 5120 : i32
        %add3A_487 = arith.addi %add3A_486, %mul3A_485 : i32
        %dma_start3A_488 = tpu.memref_slice %arg13[%add3A_487] : memref<20480xi32, #tpu.memory_space<vmem>> -> memref<128xi32, #tpu.memory_space<vmem>>
        %dma_start3A_489 = arith.constant 0 : i32
        %dma_start3A_490 = arith.constant 0 : i32
        %dma_start3A_491 = tpu.memref_slice %arg2[%dma_start3A_489, %dma_start3A_490] : memref<100000x128xf32, #tpu.memory_space<hbm>> -> memref<100000x128xf32, #tpu.memory_space<hbm>>
        tpu.enqueue_indirect_dma source(%dma_start3A_491 : memref<100000x128xf32, #tpu.memory_space<hbm>>) target(%arg16 : memref<128x128xf32, #tpu.memory_space<vmem>>) offsets(%dma_start3A_488 : memref<128xi32, #tpu.memory_space<vmem>>) semaphore(%arg21 : memref<!tpu.dma_semaphore, #tpu.memory_space<semaphore_mem>>)
        %mul3A_492 = arith.constant 5 : i32
        %mul3A_493 = arith.muli %scan3A_352, %mul3A_492 : i32
        %add3A_494 = arith.constant 2 : i32
        %add3A_495 = arith.addi %mul3A_493, %add3A_494 : i32
        %mul3A_496 = arith.constant 128 : i32
        %mul3A_497 = arith.muli %add3A_495, %mul3A_496 : i32
        %add3A_498 = arith.addi %mul3A_2, %mul3A_497 : i32
        %dma_wait3A_499 = arith.constant 0 : i32
        %dma_wait3A_500 = tpu.memref_slice %arg9[%add3A_498, %dma_wait3A_499] : memref<163840x128xf32, #tpu.memory_space<hbm>> -> memref<128x128xf32, #tpu.memory_space<hbm>>
        %dma_wait3A_501 = arith.constant 0 : i32
        %dma_wait3A_502 = tpu.memref_slice %arg9[%add3A_498, %dma_wait3A_501] : memref<163840x128xf32, #tpu.memory_space<hbm>> -> memref<128x128xf32, #tpu.memory_space<hbm>>
        tpu.wait_dma2 semaphore(%arg27 : memref<!tpu.dma_semaphore, #tpu.memory_space<semaphore_mem>>) src(%arg17 : memref<128x128xf32, #tpu.memory_space<vmem>>) dst(%dma_wait3A_502 : memref<128x128xf32, #tpu.memory_space<hbm>>)
        %add3A_503 = arith.constant 5 : i32
        %add3A_504 = arith.addi %add3A_495, %add3A_503 : i32
        %mul3A_505 = arith.constant 128 : i32
        %mul3A_506 = arith.muli %add3A_504, %mul3A_505 : i32
        %add3A_507 = arith.constant 5120 : i32
        %add3A_508 = arith.addi %add3A_507, %mul3A_506 : i32
        %dma_start3A_509 = tpu.memref_slice %arg13[%add3A_508] : memref<20480xi32, #tpu.memory_space<vmem>> -> memref<128xi32, #tpu.memory_space<vmem>>
        %dma_start3A_510 = arith.constant 0 : i32
        %dma_start3A_511 = arith.constant 0 : i32
        %dma_start3A_512 = tpu.memref_slice %arg2[%dma_start3A_510, %dma_start3A_511] : memref<100000x128xf32, #tpu.memory_space<hbm>> -> memref<100000x128xf32, #tpu.memory_space<hbm>>
        tpu.enqueue_indirect_dma source(%dma_start3A_512 : memref<100000x128xf32, #tpu.memory_space<hbm>>) target(%arg17 : memref<128x128xf32, #tpu.memory_space<vmem>>) offsets(%dma_start3A_509 : memref<128xi32, #tpu.memory_space<vmem>>) semaphore(%arg22 : memref<!tpu.dma_semaphore, #tpu.memory_space<semaphore_mem>>)
        %mul3A_513 = arith.constant 5 : i32
        %mul3A_514 = arith.muli %scan3A_352, %mul3A_513 : i32
        %add3A_515 = arith.constant 3 : i32
        %add3A_516 = arith.addi %mul3A_514, %add3A_515 : i32
        %mul3A_517 = arith.constant 128 : i32
        %mul3A_518 = arith.muli %add3A_516, %mul3A_517 : i32
        %add3A_519 = arith.addi %mul3A_2, %mul3A_518 : i32
        %dma_wait3A_520 = arith.constant 0 : i32
        %dma_wait3A_521 = tpu.memref_slice %arg9[%add3A_519, %dma_wait3A_520] : memref<163840x128xf32, #tpu.memory_space<hbm>> -> memref<128x128xf32, #tpu.memory_space<hbm>>
        %dma_wait3A_522 = arith.constant 0 : i32
        %dma_wait3A_523 = tpu.memref_slice %arg9[%add3A_519, %dma_wait3A_522] : memref<163840x128xf32, #tpu.memory_space<hbm>> -> memref<128x128xf32, #tpu.memory_space<hbm>>
        tpu.wait_dma2 semaphore(%arg28 : memref<!tpu.dma_semaphore, #tpu.memory_space<semaphore_mem>>) src(%arg18 : memref<128x128xf32, #tpu.memory_space<vmem>>) dst(%dma_wait3A_523 : memref<128x128xf32, #tpu.memory_space<hbm>>)
        %add3A_524 = arith.constant 5 : i32
        %add3A_525 = arith.addi %add3A_516, %add3A_524 : i32
        %mul3A_526 = arith.constant 128 : i32
        %mul3A_527 = arith.muli %add3A_525, %mul3A_526 : i32
        %add3A_528 = arith.constant 5120 : i32
        %add3A_529 = arith.addi %add3A_528, %mul3A_527 : i32
        %dma_start3A_530 = tpu.memref_slice %arg13[%add3A_529] : memref<20480xi32, #tpu.memory_space<vmem>> -> memref<128xi32, #tpu.memory_space<vmem>>
        %dma_start3A_531 = arith.constant 0 : i32
        %dma_start3A_532 = arith.constant 0 : i32
        %dma_start3A_533 = tpu.memref_slice %arg2[%dma_start3A_531, %dma_start3A_532] : memref<100000x128xf32, #tpu.memory_space<hbm>> -> memref<100000x128xf32, #tpu.memory_space<hbm>>
        tpu.enqueue_indirect_dma source(%dma_start3A_533 : memref<100000x128xf32, #tpu.memory_space<hbm>>) target(%arg18 : memref<128x128xf32, #tpu.memory_space<vmem>>) offsets(%dma_start3A_530 : memref<128xi32, #tpu.memory_space<vmem>>) semaphore(%arg23 : memref<!tpu.dma_semaphore, #tpu.memory_space<semaphore_mem>>)
        %mul3A_534 = arith.constant 5 : i32
        %mul3A_535 = arith.muli %scan3A_352, %mul3A_534 : i32
        %add3A_536 = arith.constant 4 : i32
        %add3A_537 = arith.addi %mul3A_535, %add3A_536 : i32
        %mul3A_538 = arith.constant 128 : i32
        %mul3A_539 = arith.muli %add3A_537, %mul3A_538 : i32
        %add3A_540 = arith.addi %mul3A_2, %mul3A_539 : i32
        %dma_wait3A_541 = arith.constant 0 : i32
        %dma_wait3A_542 = tpu.memref_slice %arg9[%add3A_540, %dma_wait3A_541] : memref<163840x128xf32, #tpu.memory_space<hbm>> -> memref<128x128xf32, #tpu.memory_space<hbm>>
        %dma_wait3A_543 = arith.constant 0 : i32
        %dma_wait3A_544 = tpu.memref_slice %arg9[%add3A_540, %dma_wait3A_543] : memref<163840x128xf32, #tpu.memory_space<hbm>> -> memref<128x128xf32, #tpu.memory_space<hbm>>
        tpu.wait_dma2 semaphore(%arg29 : memref<!tpu.dma_semaphore, #tpu.memory_space<semaphore_mem>>) src(%arg19 : memref<128x128xf32, #tpu.memory_space<vmem>>) dst(%dma_wait3A_544 : memref<128x128xf32, #tpu.memory_space<hbm>>)
        %add3A_545 = arith.constant 5 : i32
        %add3A_546 = arith.addi %add3A_537, %add3A_545 : i32
        %mul3A_547 = arith.constant 128 : i32
        %mul3A_548 = arith.muli %add3A_546, %mul3A_547 : i32
        %add3A_549 = arith.constant 5120 : i32
        %add3A_550 = arith.addi %add3A_549, %mul3A_548 : i32
        %dma_start3A_551 = tpu.memref_slice %arg13[%add3A_550] : memref<20480xi32, #tpu.memory_space<vmem>> -> memref<128xi32, #tpu.memory_space<vmem>>
        %dma_start3A_552 = arith.constant 0 : i32
        %dma_start3A_553 = arith.constant 0 : i32
        %dma_start3A_554 = tpu.memref_slice %arg2[%dma_start3A_552, %dma_start3A_553] : memref<100000x128xf32, #tpu.memory_space<hbm>> -> memref<100000x128xf32, #tpu.memory_space<hbm>>
        tpu.enqueue_indirect_dma source(%dma_start3A_554 : memref<100000x128xf32, #tpu.memory_space<hbm>>) target(%arg19 : memref<128x128xf32, #tpu.memory_space<vmem>>) offsets(%dma_start3A_551 : memref<128xi32, #tpu.memory_space<vmem>>) semaphore(%arg24 : memref<!tpu.dma_semaphore, #tpu.memory_space<semaphore_mem>>)
      } else {
      }
    }
    %scan3A_93 = arith.constant 8 : i32
    %add3A_94 = arith.constant 4480 : i32
    %add3A_95 = arith.addi %mul3A_2, %add3A_94 : i32
    %dma_wait3A_96 = arith.constant 0 : i32
    %dma_wait3A_97 = tpu.memref_slice %arg9[%add3A_95, %dma_wait3A_96] : memref<163840x128xf32, #tpu.memory_space<hbm>> -> memref<128x128xf32, #tpu.memory_space<hbm>>
    %dma_wait3A_98 = arith.constant 0 : i32
    %dma_wait3A_99 = tpu.memref_slice %arg9[%add3A_95, %dma_wait3A_98] : memref<163840x128xf32, #tpu.memory_space<hbm>> -> memref<128x128xf32, #tpu.memory_space<hbm>>
    tpu.wait_dma2 semaphore(%arg25 : memref<!tpu.dma_semaphore, #tpu.memory_space<semaphore_mem>>) src(%arg15 : memref<128x128xf32, #tpu.memory_space<vmem>>) dst(%dma_wait3A_99 : memref<128x128xf32, #tpu.memory_space<hbm>>)
    %add3A_100 = arith.constant 4608 : i32
    %add3A_101 = arith.addi %mul3A_2, %add3A_100 : i32
    %dma_wait3A_102 = arith.constant 0 : i32
    %dma_wait3A_103 = tpu.memref_slice %arg9[%add3A_101, %dma_wait3A_102] : memref<163840x128xf32, #tpu.memory_space<hbm>> -> memref<128x128xf32, #tpu.memory_space<hbm>>
    %dma_wait3A_104 = arith.constant 0 : i32
    %dma_wait3A_105 = tpu.memref_slice %arg9[%add3A_101, %dma_wait3A_104] : memref<163840x128xf32, #tpu.memory_space<hbm>> -> memref<128x128xf32, #tpu.memory_space<hbm>>
    tpu.wait_dma2 semaphore(%arg26 : memref<!tpu.dma_semaphore, #tpu.memory_space<semaphore_mem>>) src(%arg16 : memref<128x128xf32, #tpu.memory_space<vmem>>) dst(%dma_wait3A_105 : memref<128x128xf32, #tpu.memory_space<hbm>>)
    %add3A_106 = arith.constant 4736 : i32
    %add3A_107 = arith.addi %mul3A_2, %add3A_106 : i32
    %dma_wait3A_108 = arith.constant 0 : i32
    %dma_wait3A_109 = tpu.memref_slice %arg9[%add3A_107, %dma_wait3A_108] : memref<163840x128xf32, #tpu.memory_space<hbm>> -> memref<128x128xf32, #tpu.memory_space<hbm>>
    %dma_wait3A_110 = arith.constant 0 : i32
    %dma_wait3A_111 = tpu.memref_slice %arg9[%add3A_107, %dma_wait3A_110] : memref<163840x128xf32, #tpu.memory_space<hbm>> -> memref<128x128xf32, #tpu.memory_space<hbm>>
    tpu.wait_dma2 semaphore(%arg27 : memref<!tpu.dma_semaphore, #tpu.memory_space<semaphore_mem>>) src(%arg17 : memref<128x128xf32, #tpu.memory_space<vmem>>) dst(%dma_wait3A_111 : memref<128x128xf32, #tpu.memory_space<hbm>>)
    %add3A_112 = arith.constant 4864 : i32
    %add3A_113 = arith.addi %mul3A_2, %add3A_112 : i32
    %dma_wait3A_114 = arith.constant 0 : i32
    %dma_wait3A_115 = tpu.memref_slice %arg9[%add3A_113, %dma_wait3A_114] : memref<163840x128xf32, #tpu.memory_space<hbm>> -> memref<128x128xf32, #tpu.memory_space<hbm>>
    %dma_wait3A_116 = arith.constant 0 : i32
    %dma_wait3A_117 = tpu.memref_slice %arg9[%add3A_113, %dma_wait3A_116] : memref<163840x128xf32, #tpu.memory_space<hbm>> -> memref<128x128xf32, #tpu.memory_space<hbm>>
    tpu.wait_dma2 semaphore(%arg28 : memref<!tpu.dma_semaphore, #tpu.memory_space<semaphore_mem>>) src(%arg18 : memref<128x128xf32, #tpu.memory_space<vmem>>) dst(%dma_wait3A_117 : memref<128x128xf32, #tpu.memory_space<hbm>>)
    %add3A_118 = arith.constant 4992 : i32
    %add3A_119 = arith.addi %mul3A_2, %add3A_118 : i32
    %dma_wait3A_120 = arith.constant 0 : i32
    %dma_wait3A_121 = tpu.memref_slice %arg9[%add3A_119, %dma_wait3A_120] : memref<163840x128xf32, #tpu.memory_space<hbm>> -> memref<128x128xf32, #tpu.memory_space<hbm>>
    %dma_wait3A_122 = arith.constant 0 : i32
    %dma_wait3A_123 = tpu.memref_slice %arg9[%add3A_119, %dma_wait3A_122] : memref<163840x128xf32, #tpu.memory_space<hbm>> -> memref<128x128xf32, #tpu.memory_space<hbm>>
    tpu.wait_dma2 semaphore(%arg29 : memref<!tpu.dma_semaphore, #tpu.memory_space<semaphore_mem>>) src(%arg19 : memref<128x128xf32, #tpu.memory_space<vmem>>) dst(%dma_wait3A_123 : memref<128x128xf32, #tpu.memory_space<hbm>>)
    %dma_start3A_124 = arith.constant 10240 : i32
    %dma_start3A_125 = tpu.memref_slice %arg13[%dma_start3A_124] : memref<20480xi32, #tpu.memory_space<vmem>> -> memref<128xi32, #tpu.memory_space<vmem>>
    %dma_start3A_126 = arith.constant 0 : i32
    %dma_start3A_127 = arith.constant 0 : i32
    %dma_start3A_128 = tpu.memref_slice %arg2[%dma_start3A_126, %dma_start3A_127] : memref<100000x128xf32, #tpu.memory_space<hbm>> -> memref<100000x128xf32, #tpu.memory_space<hbm>>
    tpu.enqueue_indirect_dma source(%dma_start3A_128 : memref<100000x128xf32, #tpu.memory_space<hbm>>) target(%arg15 : memref<128x128xf32, #tpu.memory_space<vmem>>) offsets(%dma_start3A_125 : memref<128xi32, #tpu.memory_space<vmem>>) semaphore(%arg20 : memref<!tpu.dma_semaphore, #tpu.memory_space<semaphore_mem>>)
    %dma_start3A_129 = arith.constant 10368 : i32
    %dma_start3A_130 = tpu.memref_slice %arg13[%dma_start3A_129] : memref<20480xi32, #tpu.memory_space<vmem>> -> memref<128xi32, #tpu.memory_space<vmem>>
    %dma_start3A_131 = arith.constant 0 : i32
    %dma_start3A_132 = arith.constant 0 : i32
    %dma_start3A_133 = tpu.memref_slice %arg2[%dma_start3A_131, %dma_start3A_132] : memref<100000x128xf32, #tpu.memory_space<hbm>> -> memref<100000x128xf32, #tpu.memory_space<hbm>>
    tpu.enqueue_indirect_dma source(%dma_start3A_133 : memref<100000x128xf32, #tpu.memory_space<hbm>>) target(%arg16 : memref<128x128xf32, #tpu.memory_space<vmem>>) offsets(%dma_start3A_130 : memref<128xi32, #tpu.memory_space<vmem>>) semaphore(%arg21 : memref<!tpu.dma_semaphore, #tpu.memory_space<semaphore_mem>>)
    %dma_start3A_134 = arith.constant 10496 : i32
    %dma_start3A_135 = tpu.memref_slice %arg13[%dma_start3A_134] : memref<20480xi32, #tpu.memory_space<vmem>> -> memref<128xi32, #tpu.memory_space<vmem>>
    %dma_start3A_136 = arith.constant 0 : i32
    %dma_start3A_137 = arith.constant 0 : i32
    %dma_start3A_138 = tpu.memref_slice %arg2[%dma_start3A_136, %dma_start3A_137] : memref<100000x128xf32, #tpu.memory_space<hbm>> -> memref<100000x128xf32, #tpu.memory_space<hbm>>
    tpu.enqueue_indirect_dma source(%dma_start3A_138 : memref<100000x128xf32, #tpu.memory_space<hbm>>) target(%arg17 : memref<128x128xf32, #tpu.memory_space<vmem>>) offsets(%dma_start3A_135 : memref<128xi32, #tpu.memory_space<vmem>>) semaphore(%arg22 : memref<!tpu.dma_semaphore, #tpu.memory_space<semaphore_mem>>)
    %dma_start3A_139 = arith.constant 10624 : i32
    %dma_start3A_140 = tpu.memref_slice %arg13[%dma_start3A_139] : memref<20480xi32, #tpu.memory_space<vmem>> -> memref<128xi32, #tpu.memory_space<vmem>>
    %dma_start3A_141 = arith.constant 0 : i32
    %dma_start3A_142 = arith.constant 0 : i32
    %dma_start3A_143 = tpu.memref_slice %arg2[%dma_start3A_141, %dma_start3A_142] : memref<100000x128xf32, #tpu.memory_space<hbm>> -> memref<100000x128xf32, #tpu.memory_space<hbm>>
    tpu.enqueue_indirect_dma source(%dma_start3A_143 : memref<100000x128xf32, #tpu.memory_space<hbm>>) target(%arg18 : memref<128x128xf32, #tpu.memory_space<vmem>>) offsets(%dma_start3A_140 : memref<128xi32, #tpu.memory_space<vmem>>) semaphore(%arg23 : memref<!tpu.dma_semaphore, #tpu.memory_space<semaphore_mem>>)
    %dma_start3A_144 = arith.constant 10752 : i32
    %dma_start3A_145 = tpu.memref_slice %arg13[%dma_start3A_144] : memref<20480xi32, #tpu.memory_space<vmem>> -> memref<128xi32, #tpu.memory_space<vmem>>
    %dma_start3A_146 = arith.constant 0 : i32
    %dma_start3A_147 = arith.constant 0 : i32
    %dma_start3A_148 = tpu.memref_slice %arg2[%dma_start3A_146, %dma_start3A_147] : memref<100000x128xf32, #tpu.memory_space<hbm>> -> memref<100000x128xf32, #tpu.memory_space<hbm>>
    tpu.enqueue_indirect_dma source(%dma_start3A_148 : memref<100000x128xf32, #tpu.memory_space<hbm>>) target(%arg19 : memref<128x128xf32, #tpu.memory_space<vmem>>) offsets(%dma_start3A_145 : memref<128xi32, #tpu.memory_space<vmem>>) semaphore(%arg24 : memref<!tpu.dma_semaphore, #tpu.memory_space<semaphore_mem>>)
    %scan3A_149 = arith.constant 0 : i32
    %scan3A_150 = arith.constant 0 : i32
    %scan3A_151 = arith.constant 8 : i32
    %scan3A_152 = arith.addi %scan3A_150, %scan3A_151 : i32
    %scan3A_153 = arith.constant 1 : i32
    scf.for %scan3A_352 = %scan3A_150 to %scan3A_152 step %scan3A_153  : i32 {
      %mul3A_353 = arith.constant 5 : i32
      %mul3A_354 = arith.muli %scan3A_352, %mul3A_353 : i32
      %add3A_355 = arith.constant 0 : i32
      %add3A_356 = arith.addi %mul3A_354, %add3A_355 : i32
      %mul3A_357 = arith.constant 128 : i32
      %mul3A_358 = arith.muli %add3A_356, %mul3A_357 : i32
      %add3A_359 = arith.constant 10240 : i32
      %add3A_360 = arith.addi %add3A_359, %mul3A_358 : i32
      %dma_wait3A_361 = tpu.memref_slice %arg13[%add3A_360] : memref<20480xi32, #tpu.memory_space<vmem>> -> memref<128xi32, #tpu.memory_space<vmem>>
      %dma_wait3A_362 = arith.constant 0 : i32
      %dma_wait3A_363 = arith.constant 0 : i32
      %dma_wait3A_364 = tpu.memref_slice %arg2[%dma_wait3A_362, %dma_wait3A_363] : memref<100000x128xf32, #tpu.memory_space<hbm>> -> memref<100000x128xf32, #tpu.memory_space<hbm>>
      tpu.wait_indirect_dma semaphore(%arg20 : memref<!tpu.dma_semaphore, #tpu.memory_space<semaphore_mem>>) src(%dma_wait3A_364 : memref<100000x128xf32, #tpu.memory_space<hbm>>) dst(%arg15 : memref<128x128xf32, #tpu.memory_space<vmem>>)
      %mul3A_365 = arith.constant 128 : i32
      %mul3A_366 = arith.muli %add3A_356, %mul3A_365 : i32
      %add3A_367 = arith.addi %mul3A_2, %mul3A_366 : i32
      %dma_start3A_368 = arith.constant 0 : i32
      %dma_start3A_369 = tpu.memref_slice %arg10[%add3A_367, %dma_start3A_368] : memref<163840x128xf32, #tpu.memory_space<hbm>> -> memref<128x128xf32, #tpu.memory_space<hbm>>
      %dma_start3A_370 = arith.constant 0 : i32
      %dma_start3A_371 = tpu.memref_slice %arg10[%add3A_367, %dma_start3A_370] : memref<163840x128xf32, #tpu.memory_space<hbm>> -> memref<128x128xf32, #tpu.memory_space<hbm>>
      tpu.enqueue_dma source(%arg15 : memref<128x128xf32, #tpu.memory_space<vmem>>) target(%dma_start3A_371 : memref<128x128xf32, #tpu.memory_space<hbm>>) target_semaphore(%arg25 : memref<!tpu.dma_semaphore, #tpu.memory_space<semaphore_mem>>)
      %mul3A_372 = arith.constant 5 : i32
      %mul3A_373 = arith.muli %scan3A_352, %mul3A_372 : i32
      %add3A_374 = arith.constant 1 : i32
      %add3A_375 = arith.addi %mul3A_373, %add3A_374 : i32
      %mul3A_376 = arith.constant 128 : i32
      %mul3A_377 = arith.muli %add3A_375, %mul3A_376 : i32
      %add3A_378 = arith.constant 10240 : i32
      %add3A_379 = arith.addi %add3A_378, %mul3A_377 : i32
      %dma_wait3A_380 = tpu.memref_slice %arg13[%add3A_379] : memref<20480xi32, #tpu.memory_space<vmem>> -> memref<128xi32, #tpu.memory_space<vmem>>
      %dma_wait3A_381 = arith.constant 0 : i32
      %dma_wait3A_382 = arith.constant 0 : i32
      %dma_wait3A_383 = tpu.memref_slice %arg2[%dma_wait3A_381, %dma_wait3A_382] : memref<100000x128xf32, #tpu.memory_space<hbm>> -> memref<100000x128xf32, #tpu.memory_space<hbm>>
      tpu.wait_indirect_dma semaphore(%arg21 : memref<!tpu.dma_semaphore, #tpu.memory_space<semaphore_mem>>) src(%dma_wait3A_383 : memref<100000x128xf32, #tpu.memory_space<hbm>>) dst(%arg16 : memref<128x128xf32, #tpu.memory_space<vmem>>)
      %mul3A_384 = arith.constant 128 : i32
      %mul3A_385 = arith.muli %add3A_375, %mul3A_384 : i32
      %add3A_386 = arith.addi %mul3A_2, %mul3A_385 : i32
      %dma_start3A_387 = arith.constant 0 : i32
      %dma_start3A_388 = tpu.memref_slice %arg10[%add3A_386, %dma_start3A_387] : memref<163840x128xf32, #tpu.memory_space<hbm>> -> memref<128x128xf32, #tpu.memory_space<hbm>>
      %dma_start3A_389 = arith.constant 0 : i32
      %dma_start3A_390 = tpu.memref_slice %arg10[%add3A_386, %dma_start3A_389] : memref<163840x128xf32, #tpu.memory_space<hbm>> -> memref<128x128xf32, #tpu.memory_space<hbm>>
      tpu.enqueue_dma source(%arg16 : memref<128x128xf32, #tpu.memory_space<vmem>>) target(%dma_start3A_390 : memref<128x128xf32, #tpu.memory_space<hbm>>) target_semaphore(%arg26 : memref<!tpu.dma_semaphore, #tpu.memory_space<semaphore_mem>>)
      %mul3A_391 = arith.constant 5 : i32
      %mul3A_392 = arith.muli %scan3A_352, %mul3A_391 : i32
      %add3A_393 = arith.constant 2 : i32
      %add3A_394 = arith.addi %mul3A_392, %add3A_393 : i32
      %mul3A_395 = arith.constant 128 : i32
      %mul3A_396 = arith.muli %add3A_394, %mul3A_395 : i32
      %add3A_397 = arith.constant 10240 : i32
      %add3A_398 = arith.addi %add3A_397, %mul3A_396 : i32
      %dma_wait3A_399 = tpu.memref_slice %arg13[%add3A_398] : memref<20480xi32, #tpu.memory_space<vmem>> -> memref<128xi32, #tpu.memory_space<vmem>>
      %dma_wait3A_400 = arith.constant 0 : i32
      %dma_wait3A_401 = arith.constant 0 : i32
      %dma_wait3A_402 = tpu.memref_slice %arg2[%dma_wait3A_400, %dma_wait3A_401] : memref<100000x128xf32, #tpu.memory_space<hbm>> -> memref<100000x128xf32, #tpu.memory_space<hbm>>
      tpu.wait_indirect_dma semaphore(%arg22 : memref<!tpu.dma_semaphore, #tpu.memory_space<semaphore_mem>>) src(%dma_wait3A_402 : memref<100000x128xf32, #tpu.memory_space<hbm>>) dst(%arg17 : memref<128x128xf32, #tpu.memory_space<vmem>>)
      %mul3A_403 = arith.constant 128 : i32
      %mul3A_404 = arith.muli %add3A_394, %mul3A_403 : i32
      %add3A_405 = arith.addi %mul3A_2, %mul3A_404 : i32
      %dma_start3A_406 = arith.constant 0 : i32
      %dma_start3A_407 = tpu.memref_slice %arg10[%add3A_405, %dma_start3A_406] : memref<163840x128xf32, #tpu.memory_space<hbm>> -> memref<128x128xf32, #tpu.memory_space<hbm>>
      %dma_start3A_408 = arith.constant 0 : i32
      %dma_start3A_409 = tpu.memref_slice %arg10[%add3A_405, %dma_start3A_408] : memref<163840x128xf32, #tpu.memory_space<hbm>> -> memref<128x128xf32, #tpu.memory_space<hbm>>
      tpu.enqueue_dma source(%arg17 : memref<128x128xf32, #tpu.memory_space<vmem>>) target(%dma_start3A_409 : memref<128x128xf32, #tpu.memory_space<hbm>>) target_semaphore(%arg27 : memref<!tpu.dma_semaphore, #tpu.memory_space<semaphore_mem>>)
      %mul3A_410 = arith.constant 5 : i32
      %mul3A_411 = arith.muli %scan3A_352, %mul3A_410 : i32
      %add3A_412 = arith.constant 3 : i32
      %add3A_413 = arith.addi %mul3A_411, %add3A_412 : i32
      %mul3A_414 = arith.constant 128 : i32
      %mul3A_415 = arith.muli %add3A_413, %mul3A_414 : i32
      %add3A_416 = arith.constant 10240 : i32
      %add3A_417 = arith.addi %add3A_416, %mul3A_415 : i32
      %dma_wait3A_418 = tpu.memref_slice %arg13[%add3A_417] : memref<20480xi32, #tpu.memory_space<vmem>> -> memref<128xi32, #tpu.memory_space<vmem>>
      %dma_wait3A_419 = arith.constant 0 : i32
      %dma_wait3A_420 = arith.constant 0 : i32
      %dma_wait3A_421 = tpu.memref_slice %arg2[%dma_wait3A_419, %dma_wait3A_420] : memref<100000x128xf32, #tpu.memory_space<hbm>> -> memref<100000x128xf32, #tpu.memory_space<hbm>>
      tpu.wait_indirect_dma semaphore(%arg23 : memref<!tpu.dma_semaphore, #tpu.memory_space<semaphore_mem>>) src(%dma_wait3A_421 : memref<100000x128xf32, #tpu.memory_space<hbm>>) dst(%arg18 : memref<128x128xf32, #tpu.memory_space<vmem>>)
      %mul3A_422 = arith.constant 128 : i32
      %mul3A_423 = arith.muli %add3A_413, %mul3A_422 : i32
      %add3A_424 = arith.addi %mul3A_2, %mul3A_423 : i32
      %dma_start3A_425 = arith.constant 0 : i32
      %dma_start3A_426 = tpu.memref_slice %arg10[%add3A_424, %dma_start3A_425] : memref<163840x128xf32, #tpu.memory_space<hbm>> -> memref<128x128xf32, #tpu.memory_space<hbm>>
      %dma_start3A_427 = arith.constant 0 : i32
      %dma_start3A_428 = tpu.memref_slice %arg10[%add3A_424, %dma_start3A_427] : memref<163840x128xf32, #tpu.memory_space<hbm>> -> memref<128x128xf32, #tpu.memory_space<hbm>>
      tpu.enqueue_dma source(%arg18 : memref<128x128xf32, #tpu.memory_space<vmem>>) target(%dma_start3A_428 : memref<128x128xf32, #tpu.memory_space<hbm>>) target_semaphore(%arg28 : memref<!tpu.dma_semaphore, #tpu.memory_space<semaphore_mem>>)
      %mul3A_429 = arith.constant 5 : i32
      %mul3A_430 = arith.muli %scan3A_352, %mul3A_429 : i32
      %add3A_431 = arith.constant 4 : i32
      %add3A_432 = arith.addi %mul3A_430, %add3A_431 : i32
      %mul3A_433 = arith.constant 128 : i32
      %mul3A_434 = arith.muli %add3A_432, %mul3A_433 : i32
      %add3A_435 = arith.constant 10240 : i32
      %add3A_436 = arith.addi %add3A_435, %mul3A_434 : i32
      %dma_wait3A_437 = tpu.memref_slice %arg13[%add3A_436] : memref<20480xi32, #tpu.memory_space<vmem>> -> memref<128xi32, #tpu.memory_space<vmem>>
      %dma_wait3A_438 = arith.constant 0 : i32
      %dma_wait3A_439 = arith.constant 0 : i32
      %dma_wait3A_440 = tpu.memref_slice %arg2[%dma_wait3A_438, %dma_wait3A_439] : memref<100000x128xf32, #tpu.memory_space<hbm>> -> memref<100000x128xf32, #tpu.memory_space<hbm>>
      tpu.wait_indirect_dma semaphore(%arg24 : memref<!tpu.dma_semaphore, #tpu.memory_space<semaphore_mem>>) src(%dma_wait3A_440 : memref<100000x128xf32, #tpu.memory_space<hbm>>) dst(%arg19 : memref<128x128xf32, #tpu.memory_space<vmem>>)
      %mul3A_441 = arith.constant 128 : i32
      %mul3A_442 = arith.muli %add3A_432, %mul3A_441 : i32
      %add3A_443 = arith.addi %mul3A_2, %mul3A_442 : i32
      %dma_start3A_444 = arith.constant 0 : i32
      %dma_start3A_445 = tpu.memref_slice %arg10[%add3A_443, %dma_start3A_444] : memref<163840x128xf32, #tpu.memory_space<hbm>> -> memref<128x128xf32, #tpu.memory_space<hbm>>
      %dma_start3A_446 = arith.constant 0 : i32
      %dma_start3A_447 = tpu.memref_slice %arg10[%add3A_443, %dma_start3A_446] : memref<163840x128xf32, #tpu.memory_space<hbm>> -> memref<128x128xf32, #tpu.memory_space<hbm>>
      tpu.enqueue_dma source(%arg19 : memref<128x128xf32, #tpu.memory_space<vmem>>) target(%dma_start3A_447 : memref<128x128xf32, #tpu.memory_space<hbm>>) target_semaphore(%arg29 : memref<!tpu.dma_semaphore, #tpu.memory_space<semaphore_mem>>)
      %lt3A = arith.constant 7 : i32
      %lt3A_448 = arith.cmpi slt, %scan3A_352, %lt3A : i32
      %convert_element_type3A = arith.extui %lt3A_448 : i1 to i32
      %cond3A = arith.constant 0 : i32
      %cond3A_449 = arith.cmpi ne, %convert_element_type3A, %cond3A : i32
      scf.if %cond3A_449 {
        %mul3A_450 = arith.constant 5 : i32
        %mul3A_451 = arith.muli %scan3A_352, %mul3A_450 : i32
        %add3A_452 = arith.constant 0 : i32
        %add3A_453 = arith.addi %mul3A_451, %add3A_452 : i32
        %mul3A_454 = arith.constant 128 : i32
        %mul3A_455 = arith.muli %add3A_453, %mul3A_454 : i32
        %add3A_456 = arith.addi %mul3A_2, %mul3A_455 : i32
        %dma_wait3A_457 = arith.constant 0 : i32
        %dma_wait3A_458 = tpu.memref_slice %arg10[%add3A_456, %dma_wait3A_457] : memref<163840x128xf32, #tpu.memory_space<hbm>> -> memref<128x128xf32, #tpu.memory_space<hbm>>
        %dma_wait3A_459 = arith.constant 0 : i32
        %dma_wait3A_460 = tpu.memref_slice %arg10[%add3A_456, %dma_wait3A_459] : memref<163840x128xf32, #tpu.memory_space<hbm>> -> memref<128x128xf32, #tpu.memory_space<hbm>>
        tpu.wait_dma2 semaphore(%arg25 : memref<!tpu.dma_semaphore, #tpu.memory_space<semaphore_mem>>) src(%arg15 : memref<128x128xf32, #tpu.memory_space<vmem>>) dst(%dma_wait3A_460 : memref<128x128xf32, #tpu.memory_space<hbm>>)
        %add3A_461 = arith.constant 5 : i32
        %add3A_462 = arith.addi %add3A_453, %add3A_461 : i32
        %mul3A_463 = arith.constant 128 : i32
        %mul3A_464 = arith.muli %add3A_462, %mul3A_463 : i32
        %add3A_465 = arith.constant 10240 : i32
        %add3A_466 = arith.addi %add3A_465, %mul3A_464 : i32
        %dma_start3A_467 = tpu.memref_slice %arg13[%add3A_466] : memref<20480xi32, #tpu.memory_space<vmem>> -> memref<128xi32, #tpu.memory_space<vmem>>
        %dma_start3A_468 = arith.constant 0 : i32
        %dma_start3A_469 = arith.constant 0 : i32
        %dma_start3A_470 = tpu.memref_slice %arg2[%dma_start3A_468, %dma_start3A_469] : memref<100000x128xf32, #tpu.memory_space<hbm>> -> memref<100000x128xf32, #tpu.memory_space<hbm>>
        tpu.enqueue_indirect_dma source(%dma_start3A_470 : memref<100000x128xf32, #tpu.memory_space<hbm>>) target(%arg15 : memref<128x128xf32, #tpu.memory_space<vmem>>) offsets(%dma_start3A_467 : memref<128xi32, #tpu.memory_space<vmem>>) semaphore(%arg20 : memref<!tpu.dma_semaphore, #tpu.memory_space<semaphore_mem>>)
        %mul3A_471 = arith.constant 5 : i32
        %mul3A_472 = arith.muli %scan3A_352, %mul3A_471 : i32
        %add3A_473 = arith.constant 1 : i32
        %add3A_474 = arith.addi %mul3A_472, %add3A_473 : i32
        %mul3A_475 = arith.constant 128 : i32
        %mul3A_476 = arith.muli %add3A_474, %mul3A_475 : i32
        %add3A_477 = arith.addi %mul3A_2, %mul3A_476 : i32
        %dma_wait3A_478 = arith.constant 0 : i32
        %dma_wait3A_479 = tpu.memref_slice %arg10[%add3A_477, %dma_wait3A_478] : memref<163840x128xf32, #tpu.memory_space<hbm>> -> memref<128x128xf32, #tpu.memory_space<hbm>>
        %dma_wait3A_480 = arith.constant 0 : i32
        %dma_wait3A_481 = tpu.memref_slice %arg10[%add3A_477, %dma_wait3A_480] : memref<163840x128xf32, #tpu.memory_space<hbm>> -> memref<128x128xf32, #tpu.memory_space<hbm>>
        tpu.wait_dma2 semaphore(%arg26 : memref<!tpu.dma_semaphore, #tpu.memory_space<semaphore_mem>>) src(%arg16 : memref<128x128xf32, #tpu.memory_space<vmem>>) dst(%dma_wait3A_481 : memref<128x128xf32, #tpu.memory_space<hbm>>)
        %add3A_482 = arith.constant 5 : i32
        %add3A_483 = arith.addi %add3A_474, %add3A_482 : i32
        %mul3A_484 = arith.constant 128 : i32
        %mul3A_485 = arith.muli %add3A_483, %mul3A_484 : i32
        %add3A_486 = arith.constant 10240 : i32
        %add3A_487 = arith.addi %add3A_486, %mul3A_485 : i32
        %dma_start3A_488 = tpu.memref_slice %arg13[%add3A_487] : memref<20480xi32, #tpu.memory_space<vmem>> -> memref<128xi32, #tpu.memory_space<vmem>>
        %dma_start3A_489 = arith.constant 0 : i32
        %dma_start3A_490 = arith.constant 0 : i32
        %dma_start3A_491 = tpu.memref_slice %arg2[%dma_start3A_489, %dma_start3A_490] : memref<100000x128xf32, #tpu.memory_space<hbm>> -> memref<100000x128xf32, #tpu.memory_space<hbm>>
        tpu.enqueue_indirect_dma source(%dma_start3A_491 : memref<100000x128xf32, #tpu.memory_space<hbm>>) target(%arg16 : memref<128x128xf32, #tpu.memory_space<vmem>>) offsets(%dma_start3A_488 : memref<128xi32, #tpu.memory_space<vmem>>) semaphore(%arg21 : memref<!tpu.dma_semaphore, #tpu.memory_space<semaphore_mem>>)
        %mul3A_492 = arith.constant 5 : i32
        %mul3A_493 = arith.muli %scan3A_352, %mul3A_492 : i32
        %add3A_494 = arith.constant 2 : i32
        %add3A_495 = arith.addi %mul3A_493, %add3A_494 : i32
        %mul3A_496 = arith.constant 128 : i32
        %mul3A_497 = arith.muli %add3A_495, %mul3A_496 : i32
        %add3A_498 = arith.addi %mul3A_2, %mul3A_497 : i32
        %dma_wait3A_499 = arith.constant 0 : i32
        %dma_wait3A_500 = tpu.memref_slice %arg10[%add3A_498, %dma_wait3A_499] : memref<163840x128xf32, #tpu.memory_space<hbm>> -> memref<128x128xf32, #tpu.memory_space<hbm>>
        %dma_wait3A_501 = arith.constant 0 : i32
        %dma_wait3A_502 = tpu.memref_slice %arg10[%add3A_498, %dma_wait3A_501] : memref<163840x128xf32, #tpu.memory_space<hbm>> -> memref<128x128xf32, #tpu.memory_space<hbm>>
        tpu.wait_dma2 semaphore(%arg27 : memref<!tpu.dma_semaphore, #tpu.memory_space<semaphore_mem>>) src(%arg17 : memref<128x128xf32, #tpu.memory_space<vmem>>) dst(%dma_wait3A_502 : memref<128x128xf32, #tpu.memory_space<hbm>>)
        %add3A_503 = arith.constant 5 : i32
        %add3A_504 = arith.addi %add3A_495, %add3A_503 : i32
        %mul3A_505 = arith.constant 128 : i32
        %mul3A_506 = arith.muli %add3A_504, %mul3A_505 : i32
        %add3A_507 = arith.constant 10240 : i32
        %add3A_508 = arith.addi %add3A_507, %mul3A_506 : i32
        %dma_start3A_509 = tpu.memref_slice %arg13[%add3A_508] : memref<20480xi32, #tpu.memory_space<vmem>> -> memref<128xi32, #tpu.memory_space<vmem>>
        %dma_start3A_510 = arith.constant 0 : i32
        %dma_start3A_511 = arith.constant 0 : i32
        %dma_start3A_512 = tpu.memref_slice %arg2[%dma_start3A_510, %dma_start3A_511] : memref<100000x128xf32, #tpu.memory_space<hbm>> -> memref<100000x128xf32, #tpu.memory_space<hbm>>
        tpu.enqueue_indirect_dma source(%dma_start3A_512 : memref<100000x128xf32, #tpu.memory_space<hbm>>) target(%arg17 : memref<128x128xf32, #tpu.memory_space<vmem>>) offsets(%dma_start3A_509 : memref<128xi32, #tpu.memory_space<vmem>>) semaphore(%arg22 : memref<!tpu.dma_semaphore, #tpu.memory_space<semaphore_mem>>)
        %mul3A_513 = arith.constant 5 : i32
        %mul3A_514 = arith.muli %scan3A_352, %mul3A_513 : i32
        %add3A_515 = arith.constant 3 : i32
        %add3A_516 = arith.addi %mul3A_514, %add3A_515 : i32
        %mul3A_517 = arith.constant 128 : i32
        %mul3A_518 = arith.muli %add3A_516, %mul3A_517 : i32
        %add3A_519 = arith.addi %mul3A_2, %mul3A_518 : i32
        %dma_wait3A_520 = arith.constant 0 : i32
        %dma_wait3A_521 = tpu.memref_slice %arg10[%add3A_519, %dma_wait3A_520] : memref<163840x128xf32, #tpu.memory_space<hbm>> -> memref<128x128xf32, #tpu.memory_space<hbm>>
        %dma_wait3A_522 = arith.constant 0 : i32
        %dma_wait3A_523 = tpu.memref_slice %arg10[%add3A_519, %dma_wait3A_522] : memref<163840x128xf32, #tpu.memory_space<hbm>> -> memref<128x128xf32, #tpu.memory_space<hbm>>
        tpu.wait_dma2 semaphore(%arg28 : memref<!tpu.dma_semaphore, #tpu.memory_space<semaphore_mem>>) src(%arg18 : memref<128x128xf32, #tpu.memory_space<vmem>>) dst(%dma_wait3A_523 : memref<128x128xf32, #tpu.memory_space<hbm>>)
        %add3A_524 = arith.constant 5 : i32
        %add3A_525 = arith.addi %add3A_516, %add3A_524 : i32
        %mul3A_526 = arith.constant 128 : i32
        %mul3A_527 = arith.muli %add3A_525, %mul3A_526 : i32
        %add3A_528 = arith.constant 10240 : i32
        %add3A_529 = arith.addi %add3A_528, %mul3A_527 : i32
        %dma_start3A_530 = tpu.memref_slice %arg13[%add3A_529] : memref<20480xi32, #tpu.memory_space<vmem>> -> memref<128xi32, #tpu.memory_space<vmem>>
        %dma_start3A_531 = arith.constant 0 : i32
        %dma_start3A_532 = arith.constant 0 : i32
        %dma_start3A_533 = tpu.memref_slice %arg2[%dma_start3A_531, %dma_start3A_532] : memref<100000x128xf32, #tpu.memory_space<hbm>> -> memref<100000x128xf32, #tpu.memory_space<hbm>>
        tpu.enqueue_indirect_dma source(%dma_start3A_533 : memref<100000x128xf32, #tpu.memory_space<hbm>>) target(%arg18 : memref<128x128xf32, #tpu.memory_space<vmem>>) offsets(%dma_start3A_530 : memref<128xi32, #tpu.memory_space<vmem>>) semaphore(%arg23 : memref<!tpu.dma_semaphore, #tpu.memory_space<semaphore_mem>>)
        %mul3A_534 = arith.constant 5 : i32
        %mul3A_535 = arith.muli %scan3A_352, %mul3A_534 : i32
        %add3A_536 = arith.constant 4 : i32
        %add3A_537 = arith.addi %mul3A_535, %add3A_536 : i32
        %mul3A_538 = arith.constant 128 : i32
        %mul3A_539 = arith.muli %add3A_537, %mul3A_538 : i32
        %add3A_540 = arith.addi %mul3A_2, %mul3A_539 : i32
        %dma_wait3A_541 = arith.constant 0 : i32
        %dma_wait3A_542 = tpu.memref_slice %arg10[%add3A_540, %dma_wait3A_541] : memref<163840x128xf32, #tpu.memory_space<hbm>> -> memref<128x128xf32, #tpu.memory_space<hbm>>
        %dma_wait3A_543 = arith.constant 0 : i32
        %dma_wait3A_544 = tpu.memref_slice %arg10[%add3A_540, %dma_wait3A_543] : memref<163840x128xf32, #tpu.memory_space<hbm>> -> memref<128x128xf32, #tpu.memory_space<hbm>>
        tpu.wait_dma2 semaphore(%arg29 : memref<!tpu.dma_semaphore, #tpu.memory_space<semaphore_mem>>) src(%arg19 : memref<128x128xf32, #tpu.memory_space<vmem>>) dst(%dma_wait3A_544 : memref<128x128xf32, #tpu.memory_space<hbm>>)
        %add3A_545 = arith.constant 5 : i32
        %add3A_546 = arith.addi %add3A_537, %add3A_545 : i32
        %mul3A_547 = arith.constant 128 : i32
        %mul3A_548 = arith.muli %add3A_546, %mul3A_547 : i32
        %add3A_549 = arith.constant 10240 : i32
        %add3A_550 = arith.addi %add3A_549, %mul3A_548 : i32
        %dma_start3A_551 = tpu.memref_slice %arg13[%add3A_550] : memref<20480xi32, #tpu.memory_space<vmem>> -> memref<128xi32, #tpu.memory_space<vmem>>
        %dma_start3A_552 = arith.constant 0 : i32
        %dma_start3A_553 = arith.constant 0 : i32
        %dma_start3A_554 = tpu.memref_slice %arg2[%dma_start3A_552, %dma_start3A_553] : memref<100000x128xf32, #tpu.memory_space<hbm>> -> memref<100000x128xf32, #tpu.memory_space<hbm>>
        tpu.enqueue_indirect_dma source(%dma_start3A_554 : memref<100000x128xf32, #tpu.memory_space<hbm>>) target(%arg19 : memref<128x128xf32, #tpu.memory_space<vmem>>) offsets(%dma_start3A_551 : memref<128xi32, #tpu.memory_space<vmem>>) semaphore(%arg24 : memref<!tpu.dma_semaphore, #tpu.memory_space<semaphore_mem>>)
      } else {
      }
    }
    %scan3A_154 = arith.constant 8 : i32
    %add3A_155 = arith.constant 4480 : i32
    %add3A_156 = arith.addi %mul3A_2, %add3A_155 : i32
    %dma_wait3A_157 = arith.constant 0 : i32
    %dma_wait3A_158 = tpu.memref_slice %arg10[%add3A_156, %dma_wait3A_157] : memref<163840x128xf32, #tpu.memory_space<hbm>> -> memref<128x128xf32, #tpu.memory_space<hbm>>
    %dma_wait3A_159 = arith.constant 0 : i32
    %dma_wait3A_160 = tpu.memref_slice %arg10[%add3A_156, %dma_wait3A_159] : memref<163840x128xf32, #tpu.memory_space<hbm>> -> memref<128x128xf32, #tpu.memory_space<hbm>>
    tpu.wait_dma2 semaphore(%arg25 : memref<!tpu.dma_semaphore, #tpu.memory_space<semaphore_mem>>) src(%arg15 : memref<128x128xf32, #tpu.memory_space<vmem>>) dst(%dma_wait3A_160 : memref<128x128xf32, #tpu.memory_space<hbm>>)
    %add3A_161 = arith.constant 4608 : i32
    %add3A_162 = arith.addi %mul3A_2, %add3A_161 : i32
    %dma_wait3A_163 = arith.constant 0 : i32
    %dma_wait3A_164 = tpu.memref_slice %arg10[%add3A_162, %dma_wait3A_163] : memref<163840x128xf32, #tpu.memory_space<hbm>> -> memref<128x128xf32, #tpu.memory_space<hbm>>
    %dma_wait3A_165 = arith.constant 0 : i32
    %dma_wait3A_166 = tpu.memref_slice %arg10[%add3A_162, %dma_wait3A_165] : memref<163840x128xf32, #tpu.memory_space<hbm>> -> memref<128x128xf32, #tpu.memory_space<hbm>>
    tpu.wait_dma2 semaphore(%arg26 : memref<!tpu.dma_semaphore, #tpu.memory_space<semaphore_mem>>) src(%arg16 : memref<128x128xf32, #tpu.memory_space<vmem>>) dst(%dma_wait3A_166 : memref<128x128xf32, #tpu.memory_space<hbm>>)
    %add3A_167 = arith.constant 4736 : i32
    %add3A_168 = arith.addi %mul3A_2, %add3A_167 : i32
    %dma_wait3A_169 = arith.constant 0 : i32
    %dma_wait3A_170 = tpu.memref_slice %arg10[%add3A_168, %dma_wait3A_169] : memref<163840x128xf32, #tpu.memory_space<hbm>> -> memref<128x128xf32, #tpu.memory_space<hbm>>
    %dma_wait3A_171 = arith.constant 0 : i32
    %dma_wait3A_172 = tpu.memref_slice %arg10[%add3A_168, %dma_wait3A_171] : memref<163840x128xf32, #tpu.memory_space<hbm>> -> memref<128x128xf32, #tpu.memory_space<hbm>>
    tpu.wait_dma2 semaphore(%arg27 : memref<!tpu.dma_semaphore, #tpu.memory_space<semaphore_mem>>) src(%arg17 : memref<128x128xf32, #tpu.memory_space<vmem>>) dst(%dma_wait3A_172 : memref<128x128xf32, #tpu.memory_space<hbm>>)
    %add3A_173 = arith.constant 4864 : i32
    %add3A_174 = arith.addi %mul3A_2, %add3A_173 : i32
    %dma_wait3A_175 = arith.constant 0 : i32
    %dma_wait3A_176 = tpu.memref_slice %arg10[%add3A_174, %dma_wait3A_175] : memref<163840x128xf32, #tpu.memory_space<hbm>> -> memref<128x128xf32, #tpu.memory_space<hbm>>
    %dma_wait3A_177 = arith.constant 0 : i32
    %dma_wait3A_178 = tpu.memref_slice %arg10[%add3A_174, %dma_wait3A_177] : memref<163840x128xf32, #tpu.memory_space<hbm>> -> memref<128x128xf32, #tpu.memory_space<hbm>>
    tpu.wait_dma2 semaphore(%arg28 : memref<!tpu.dma_semaphore, #tpu.memory_space<semaphore_mem>>) src(%arg18 : memref<128x128xf32, #tpu.memory_space<vmem>>) dst(%dma_wait3A_178 : memref<128x128xf32, #tpu.memory_space<hbm>>)
    %add3A_179 = arith.constant 4992 : i32
    %add3A_180 = arith.addi %mul3A_2, %add3A_179 : i32
    %dma_wait3A_181 = arith.constant 0 : i32
    %dma_wait3A_182 = tpu.memref_slice %arg10[%add3A_180, %dma_wait3A_181] : memref<163840x128xf32, #tpu.memory_space<hbm>> -> memref<128x128xf32, #tpu.memory_space<hbm>>
    %dma_wait3A_183 = arith.constant 0 : i32
    %dma_wait3A_184 = tpu.memref_slice %arg10[%add3A_180, %dma_wait3A_183] : memref<163840x128xf32, #tpu.memory_space<hbm>> -> memref<128x128xf32, #tpu.memory_space<hbm>>
    tpu.wait_dma2 semaphore(%arg29 : memref<!tpu.dma_semaphore, #tpu.memory_space<semaphore_mem>>) src(%arg19 : memref<128x128xf32, #tpu.memory_space<vmem>>) dst(%dma_wait3A_184 : memref<128x128xf32, #tpu.memory_space<hbm>>)
    %dma_start3A_185 = arith.constant 15360 : i32
    %dma_start3A_186 = tpu.memref_slice %arg13[%dma_start3A_185] : memref<20480xi32, #tpu.memory_space<vmem>> -> memref<128xi32, #tpu.memory_space<vmem>>
    %dma_start3A_187 = arith.constant 0 : i32
    %dma_start3A_188 = arith.constant 0 : i32
    %dma_start3A_189 = tpu.memref_slice %arg2[%dma_start3A_187, %dma_start3A_188] : memref<100000x128xf32, #tpu.memory_space<hbm>> -> memref<100000x128xf32, #tpu.memory_space<hbm>>
    tpu.enqueue_indirect_dma source(%dma_start3A_189 : memref<100000x128xf32, #tpu.memory_space<hbm>>) target(%arg15 : memref<128x128xf32, #tpu.memory_space<vmem>>) offsets(%dma_start3A_186 : memref<128xi32, #tpu.memory_space<vmem>>) semaphore(%arg20 : memref<!tpu.dma_semaphore, #tpu.memory_space<semaphore_mem>>)
    %dma_start3A_190 = arith.constant 15488 : i32
    %dma_start3A_191 = tpu.memref_slice %arg13[%dma_start3A_190] : memref<20480xi32, #tpu.memory_space<vmem>> -> memref<128xi32, #tpu.memory_space<vmem>>
    %dma_start3A_192 = arith.constant 0 : i32
    %dma_start3A_193 = arith.constant 0 : i32
    %dma_start3A_194 = tpu.memref_slice %arg2[%dma_start3A_192, %dma_start3A_193] : memref<100000x128xf32, #tpu.memory_space<hbm>> -> memref<100000x128xf32, #tpu.memory_space<hbm>>
    tpu.enqueue_indirect_dma source(%dma_start3A_194 : memref<100000x128xf32, #tpu.memory_space<hbm>>) target(%arg16 : memref<128x128xf32, #tpu.memory_space<vmem>>) offsets(%dma_start3A_191 : memref<128xi32, #tpu.memory_space<vmem>>) semaphore(%arg21 : memref<!tpu.dma_semaphore, #tpu.memory_space<semaphore_mem>>)
    %dma_start3A_195 = arith.constant 15616 : i32
    %dma_start3A_196 = tpu.memref_slice %arg13[%dma_start3A_195] : memref<20480xi32, #tpu.memory_space<vmem>> -> memref<128xi32, #tpu.memory_space<vmem>>
    %dma_start3A_197 = arith.constant 0 : i32
    %dma_start3A_198 = arith.constant 0 : i32
    %dma_start3A_199 = tpu.memref_slice %arg2[%dma_start3A_197, %dma_start3A_198] : memref<100000x128xf32, #tpu.memory_space<hbm>> -> memref<100000x128xf32, #tpu.memory_space<hbm>>
    tpu.enqueue_indirect_dma source(%dma_start3A_199 : memref<100000x128xf32, #tpu.memory_space<hbm>>) target(%arg17 : memref<128x128xf32, #tpu.memory_space<vmem>>) offsets(%dma_start3A_196 : memref<128xi32, #tpu.memory_space<vmem>>) semaphore(%arg22 : memref<!tpu.dma_semaphore, #tpu.memory_space<semaphore_mem>>)
    %dma_start3A_200 = arith.constant 15744 : i32
    %dma_start3A_201 = tpu.memref_slice %arg13[%dma_start3A_200] : memref<20480xi32, #tpu.memory_space<vmem>> -> memref<128xi32, #tpu.memory_space<vmem>>
    %dma_start3A_202 = arith.constant 0 : i32
    %dma_start3A_203 = arith.constant 0 : i32
    %dma_start3A_204 = tpu.memref_slice %arg2[%dma_start3A_202, %dma_start3A_203] : memref<100000x128xf32, #tpu.memory_space<hbm>> -> memref<100000x128xf32, #tpu.memory_space<hbm>>
    tpu.enqueue_indirect_dma source(%dma_start3A_204 : memref<100000x128xf32, #tpu.memory_space<hbm>>) target(%arg18 : memref<128x128xf32, #tpu.memory_space<vmem>>) offsets(%dma_start3A_201 : memref<128xi32, #tpu.memory_space<vmem>>) semaphore(%arg23 : memref<!tpu.dma_semaphore, #tpu.memory_space<semaphore_mem>>)
    %dma_start3A_205 = arith.constant 15872 : i32
    %dma_start3A_206 = tpu.memref_slice %arg13[%dma_start3A_205] : memref<20480xi32, #tpu.memory_space<vmem>> -> memref<128xi32, #tpu.memory_space<vmem>>
    %dma_start3A_207 = arith.constant 0 : i32
    %dma_start3A_208 = arith.constant 0 : i32
    %dma_start3A_209 = tpu.memref_slice %arg2[%dma_start3A_207, %dma_start3A_208] : memref<100000x128xf32, #tpu.memory_space<hbm>> -> memref<100000x128xf32, #tpu.memory_space<hbm>>
    tpu.enqueue_indirect_dma source(%dma_start3A_209 : memref<100000x128xf32, #tpu.memory_space<hbm>>) target(%arg19 : memref<128x128xf32, #tpu.memory_space<vmem>>) offsets(%dma_start3A_206 : memref<128xi32, #tpu.memory_space<vmem>>) semaphore(%arg24 : memref<!tpu.dma_semaphore, #tpu.memory_space<semaphore_mem>>)
    %scan3A_210 = arith.constant 0 : i32
    %scan3A_211 = arith.constant 0 : i32
    %scan3A_212 = arith.constant 8 : i32
    %scan3A_213 = arith.addi %scan3A_211, %scan3A_212 : i32
    %scan3A_214 = arith.constant 1 : i32
    scf.for %scan3A_352 = %scan3A_211 to %scan3A_213 step %scan3A_214  : i32 {
      %mul3A_353 = arith.constant 5 : i32
      %mul3A_354 = arith.muli %scan3A_352, %mul3A_353 : i32
      %add3A_355 = arith.constant 0 : i32
      %add3A_356 = arith.addi %mul3A_354, %add3A_355 : i32
      %mul3A_357 = arith.constant 128 : i32
      %mul3A_358 = arith.muli %add3A_356, %mul3A_357 : i32
      %add3A_359 = arith.constant 15360 : i32
      %add3A_360 = arith.addi %add3A_359, %mul3A_358 : i32
      %dma_wait3A_361 = tpu.memref_slice %arg13[%add3A_360] : memref<20480xi32, #tpu.memory_space<vmem>> -> memref<128xi32, #tpu.memory_space<vmem>>
      %dma_wait3A_362 = arith.constant 0 : i32
      %dma_wait3A_363 = arith.constant 0 : i32
      %dma_wait3A_364 = tpu.memref_slice %arg2[%dma_wait3A_362, %dma_wait3A_363] : memref<100000x128xf32, #tpu.memory_space<hbm>> -> memref<100000x128xf32, #tpu.memory_space<hbm>>
      tpu.wait_indirect_dma semaphore(%arg20 : memref<!tpu.dma_semaphore, #tpu.memory_space<semaphore_mem>>) src(%dma_wait3A_364 : memref<100000x128xf32, #tpu.memory_space<hbm>>) dst(%arg15 : memref<128x128xf32, #tpu.memory_space<vmem>>)
      %mul3A_365 = arith.constant 128 : i32
      %mul3A_366 = arith.muli %add3A_356, %mul3A_365 : i32
      %add3A_367 = arith.addi %mul3A_2, %mul3A_366 : i32
      %dma_start3A_368 = arith.constant 0 : i32
      %dma_start3A_369 = tpu.memref_slice %arg11[%add3A_367, %dma_start3A_368] : memref<163840x128xf32, #tpu.memory_space<hbm>> -> memref<128x128xf32, #tpu.memory_space<hbm>>
      %dma_start3A_370 = arith.constant 0 : i32
      %dma_start3A_371 = tpu.memref_slice %arg11[%add3A_367, %dma_start3A_370] : memref<163840x128xf32, #tpu.memory_space<hbm>> -> memref<128x128xf32, #tpu.memory_space<hbm>>
      tpu.enqueue_dma source(%arg15 : memref<128x128xf32, #tpu.memory_space<vmem>>) target(%dma_start3A_371 : memref<128x128xf32, #tpu.memory_space<hbm>>) target_semaphore(%arg25 : memref<!tpu.dma_semaphore, #tpu.memory_space<semaphore_mem>>)
      %mul3A_372 = arith.constant 5 : i32
      %mul3A_373 = arith.muli %scan3A_352, %mul3A_372 : i32
      %add3A_374 = arith.constant 1 : i32
      %add3A_375 = arith.addi %mul3A_373, %add3A_374 : i32
      %mul3A_376 = arith.constant 128 : i32
      %mul3A_377 = arith.muli %add3A_375, %mul3A_376 : i32
      %add3A_378 = arith.constant 15360 : i32
      %add3A_379 = arith.addi %add3A_378, %mul3A_377 : i32
      %dma_wait3A_380 = tpu.memref_slice %arg13[%add3A_379] : memref<20480xi32, #tpu.memory_space<vmem>> -> memref<128xi32, #tpu.memory_space<vmem>>
      %dma_wait3A_381 = arith.constant 0 : i32
      %dma_wait3A_382 = arith.constant 0 : i32
      %dma_wait3A_383 = tpu.memref_slice %arg2[%dma_wait3A_381, %dma_wait3A_382] : memref<100000x128xf32, #tpu.memory_space<hbm>> -> memref<100000x128xf32, #tpu.memory_space<hbm>>
      tpu.wait_indirect_dma semaphore(%arg21 : memref<!tpu.dma_semaphore, #tpu.memory_space<semaphore_mem>>) src(%dma_wait3A_383 : memref<100000x128xf32, #tpu.memory_space<hbm>>) dst(%arg16 : memref<128x128xf32, #tpu.memory_space<vmem>>)
      %mul3A_384 = arith.constant 128 : i32
      %mul3A_385 = arith.muli %add3A_375, %mul3A_384 : i32
      %add3A_386 = arith.addi %mul3A_2, %mul3A_385 : i32
      %dma_start3A_387 = arith.constant 0 : i32
      %dma_start3A_388 = tpu.memref_slice %arg11[%add3A_386, %dma_start3A_387] : memref<163840x128xf32, #tpu.memory_space<hbm>> -> memref<128x128xf32, #tpu.memory_space<hbm>>
      %dma_start3A_389 = arith.constant 0 : i32
      %dma_start3A_390 = tpu.memref_slice %arg11[%add3A_386, %dma_start3A_389] : memref<163840x128xf32, #tpu.memory_space<hbm>> -> memref<128x128xf32, #tpu.memory_space<hbm>>
      tpu.enqueue_dma source(%arg16 : memref<128x128xf32, #tpu.memory_space<vmem>>) target(%dma_start3A_390 : memref<128x128xf32, #tpu.memory_space<hbm>>) target_semaphore(%arg26 : memref<!tpu.dma_semaphore, #tpu.memory_space<semaphore_mem>>)
      %mul3A_391 = arith.constant 5 : i32
      %mul3A_392 = arith.muli %scan3A_352, %mul3A_391 : i32
      %add3A_393 = arith.constant 2 : i32
      %add3A_394 = arith.addi %mul3A_392, %add3A_393 : i32
      %mul3A_395 = arith.constant 128 : i32
      %mul3A_396 = arith.muli %add3A_394, %mul3A_395 : i32
      %add3A_397 = arith.constant 15360 : i32
      %add3A_398 = arith.addi %add3A_397, %mul3A_396 : i32
      %dma_wait3A_399 = tpu.memref_slice %arg13[%add3A_398] : memref<20480xi32, #tpu.memory_space<vmem>> -> memref<128xi32, #tpu.memory_space<vmem>>
      %dma_wait3A_400 = arith.constant 0 : i32
      %dma_wait3A_401 = arith.constant 0 : i32
      %dma_wait3A_402 = tpu.memref_slice %arg2[%dma_wait3A_400, %dma_wait3A_401] : memref<100000x128xf32, #tpu.memory_space<hbm>> -> memref<100000x128xf32, #tpu.memory_space<hbm>>
      tpu.wait_indirect_dma semaphore(%arg22 : memref<!tpu.dma_semaphore, #tpu.memory_space<semaphore_mem>>) src(%dma_wait3A_402 : memref<100000x128xf32, #tpu.memory_space<hbm>>) dst(%arg17 : memref<128x128xf32, #tpu.memory_space<vmem>>)
      %mul3A_403 = arith.constant 128 : i32
      %mul3A_404 = arith.muli %add3A_394, %mul3A_403 : i32
      %add3A_405 = arith.addi %mul3A_2, %mul3A_404 : i32
      %dma_start3A_406 = arith.constant 0 : i32
      %dma_start3A_407 = tpu.memref_slice %arg11[%add3A_405, %dma_start3A_406] : memref<163840x128xf32, #tpu.memory_space<hbm>> -> memref<128x128xf32, #tpu.memory_space<hbm>>
      %dma_start3A_408 = arith.constant 0 : i32
      %dma_start3A_409 = tpu.memref_slice %arg11[%add3A_405, %dma_start3A_408] : memref<163840x128xf32, #tpu.memory_space<hbm>> -> memref<128x128xf32, #tpu.memory_space<hbm>>
      tpu.enqueue_dma source(%arg17 : memref<128x128xf32, #tpu.memory_space<vmem>>) target(%dma_start3A_409 : memref<128x128xf32, #tpu.memory_space<hbm>>) target_semaphore(%arg27 : memref<!tpu.dma_semaphore, #tpu.memory_space<semaphore_mem>>)
      %mul3A_410 = arith.constant 5 : i32
      %mul3A_411 = arith.muli %scan3A_352, %mul3A_410 : i32
      %add3A_412 = arith.constant 3 : i32
      %add3A_413 = arith.addi %mul3A_411, %add3A_412 : i32
      %mul3A_414 = arith.constant 128 : i32
      %mul3A_415 = arith.muli %add3A_413, %mul3A_414 : i32
      %add3A_416 = arith.constant 15360 : i32
      %add3A_417 = arith.addi %add3A_416, %mul3A_415 : i32
      %dma_wait3A_418 = tpu.memref_slice %arg13[%add3A_417] : memref<20480xi32, #tpu.memory_space<vmem>> -> memref<128xi32, #tpu.memory_space<vmem>>
      %dma_wait3A_419 = arith.constant 0 : i32
      %dma_wait3A_420 = arith.constant 0 : i32
      %dma_wait3A_421 = tpu.memref_slice %arg2[%dma_wait3A_419, %dma_wait3A_420] : memref<100000x128xf32, #tpu.memory_space<hbm>> -> memref<100000x128xf32, #tpu.memory_space<hbm>>
      tpu.wait_indirect_dma semaphore(%arg23 : memref<!tpu.dma_semaphore, #tpu.memory_space<semaphore_mem>>) src(%dma_wait3A_421 : memref<100000x128xf32, #tpu.memory_space<hbm>>) dst(%arg18 : memref<128x128xf32, #tpu.memory_space<vmem>>)
      %mul3A_422 = arith.constant 128 : i32
      %mul3A_423 = arith.muli %add3A_413, %mul3A_422 : i32
      %add3A_424 = arith.addi %mul3A_2, %mul3A_423 : i32
      %dma_start3A_425 = arith.constant 0 : i32
      %dma_start3A_426 = tpu.memref_slice %arg11[%add3A_424, %dma_start3A_425] : memref<163840x128xf32, #tpu.memory_space<hbm>> -> memref<128x128xf32, #tpu.memory_space<hbm>>
      %dma_start3A_427 = arith.constant 0 : i32
      %dma_start3A_428 = tpu.memref_slice %arg11[%add3A_424, %dma_start3A_427] : memref<163840x128xf32, #tpu.memory_space<hbm>> -> memref<128x128xf32, #tpu.memory_space<hbm>>
      tpu.enqueue_dma source(%arg18 : memref<128x128xf32, #tpu.memory_space<vmem>>) target(%dma_start3A_428 : memref<128x128xf32, #tpu.memory_space<hbm>>) target_semaphore(%arg28 : memref<!tpu.dma_semaphore, #tpu.memory_space<semaphore_mem>>)
      %mul3A_429 = arith.constant 5 : i32
      %mul3A_430 = arith.muli %scan3A_352, %mul3A_429 : i32
      %add3A_431 = arith.constant 4 : i32
      %add3A_432 = arith.addi %mul3A_430, %add3A_431 : i32
      %mul3A_433 = arith.constant 128 : i32
      %mul3A_434 = arith.muli %add3A_432, %mul3A_433 : i32
      %add3A_435 = arith.constant 15360 : i32
      %add3A_436 = arith.addi %add3A_435, %mul3A_434 : i32
      %dma_wait3A_437 = tpu.memref_slice %arg13[%add3A_436] : memref<20480xi32, #tpu.memory_space<vmem>> -> memref<128xi32, #tpu.memory_space<vmem>>
      %dma_wait3A_438 = arith.constant 0 : i32
      %dma_wait3A_439 = arith.constant 0 : i32
      %dma_wait3A_440 = tpu.memref_slice %arg2[%dma_wait3A_438, %dma_wait3A_439] : memref<100000x128xf32, #tpu.memory_space<hbm>> -> memref<100000x128xf32, #tpu.memory_space<hbm>>
      tpu.wait_indirect_dma semaphore(%arg24 : memref<!tpu.dma_semaphore, #tpu.memory_space<semaphore_mem>>) src(%dma_wait3A_440 : memref<100000x128xf32, #tpu.memory_space<hbm>>) dst(%arg19 : memref<128x128xf32, #tpu.memory_space<vmem>>)
      %mul3A_441 = arith.constant 128 : i32
      %mul3A_442 = arith.muli %add3A_432, %mul3A_441 : i32
      %add3A_443 = arith.addi %mul3A_2, %mul3A_442 : i32
      %dma_start3A_444 = arith.constant 0 : i32
      %dma_start3A_445 = tpu.memref_slice %arg11[%add3A_443, %dma_start3A_444] : memref<163840x128xf32, #tpu.memory_space<hbm>> -> memref<128x128xf32, #tpu.memory_space<hbm>>
      %dma_start3A_446 = arith.constant 0 : i32
      %dma_start3A_447 = tpu.memref_slice %arg11[%add3A_443, %dma_start3A_446] : memref<163840x128xf32, #tpu.memory_space<hbm>> -> memref<128x128xf32, #tpu.memory_space<hbm>>
      tpu.enqueue_dma source(%arg19 : memref<128x128xf32, #tpu.memory_space<vmem>>) target(%dma_start3A_447 : memref<128x128xf32, #tpu.memory_space<hbm>>) target_semaphore(%arg29 : memref<!tpu.dma_semaphore, #tpu.memory_space<semaphore_mem>>)
      %lt3A = arith.constant 7 : i32
      %lt3A_448 = arith.cmpi slt, %scan3A_352, %lt3A : i32
      %convert_element_type3A = arith.extui %lt3A_448 : i1 to i32
      %cond3A = arith.constant 0 : i32
      %cond3A_449 = arith.cmpi ne, %convert_element_type3A, %cond3A : i32
      scf.if %cond3A_449 {
        %mul3A_450 = arith.constant 5 : i32
        %mul3A_451 = arith.muli %scan3A_352, %mul3A_450 : i32
        %add3A_452 = arith.constant 0 : i32
        %add3A_453 = arith.addi %mul3A_451, %add3A_452 : i32
        %mul3A_454 = arith.constant 128 : i32
        %mul3A_455 = arith.muli %add3A_453, %mul3A_454 : i32
        %add3A_456 = arith.addi %mul3A_2, %mul3A_455 : i32
        %dma_wait3A_457 = arith.constant 0 : i32
        %dma_wait3A_458 = tpu.memref_slice %arg11[%add3A_456, %dma_wait3A_457] : memref<163840x128xf32, #tpu.memory_space<hbm>> -> memref<128x128xf32, #tpu.memory_space<hbm>>
        %dma_wait3A_459 = arith.constant 0 : i32
        %dma_wait3A_460 = tpu.memref_slice %arg11[%add3A_456, %dma_wait3A_459] : memref<163840x128xf32, #tpu.memory_space<hbm>> -> memref<128x128xf32, #tpu.memory_space<hbm>>
        tpu.wait_dma2 semaphore(%arg25 : memref<!tpu.dma_semaphore, #tpu.memory_space<semaphore_mem>>) src(%arg15 : memref<128x128xf32, #tpu.memory_space<vmem>>) dst(%dma_wait3A_460 : memref<128x128xf32, #tpu.memory_space<hbm>>)
        %add3A_461 = arith.constant 5 : i32
        %add3A_462 = arith.addi %add3A_453, %add3A_461 : i32
        %mul3A_463 = arith.constant 128 : i32
        %mul3A_464 = arith.muli %add3A_462, %mul3A_463 : i32
        %add3A_465 = arith.constant 15360 : i32
        %add3A_466 = arith.addi %add3A_465, %mul3A_464 : i32
        %dma_start3A_467 = tpu.memref_slice %arg13[%add3A_466] : memref<20480xi32, #tpu.memory_space<vmem>> -> memref<128xi32, #tpu.memory_space<vmem>>
        %dma_start3A_468 = arith.constant 0 : i32
        %dma_start3A_469 = arith.constant 0 : i32
        %dma_start3A_470 = tpu.memref_slice %arg2[%dma_start3A_468, %dma_start3A_469] : memref<100000x128xf32, #tpu.memory_space<hbm>> -> memref<100000x128xf32, #tpu.memory_space<hbm>>
        tpu.enqueue_indirect_dma source(%dma_start3A_470 : memref<100000x128xf32, #tpu.memory_space<hbm>>) target(%arg15 : memref<128x128xf32, #tpu.memory_space<vmem>>) offsets(%dma_start3A_467 : memref<128xi32, #tpu.memory_space<vmem>>) semaphore(%arg20 : memref<!tpu.dma_semaphore, #tpu.memory_space<semaphore_mem>>)
        %mul3A_471 = arith.constant 5 : i32
        %mul3A_472 = arith.muli %scan3A_352, %mul3A_471 : i32
        %add3A_473 = arith.constant 1 : i32
        %add3A_474 = arith.addi %mul3A_472, %add3A_473 : i32
        %mul3A_475 = arith.constant 128 : i32
        %mul3A_476 = arith.muli %add3A_474, %mul3A_475 : i32
        %add3A_477 = arith.addi %mul3A_2, %mul3A_476 : i32
        %dma_wait3A_478 = arith.constant 0 : i32
        %dma_wait3A_479 = tpu.memref_slice %arg11[%add3A_477, %dma_wait3A_478] : memref<163840x128xf32, #tpu.memory_space<hbm>> -> memref<128x128xf32, #tpu.memory_space<hbm>>
        %dma_wait3A_480 = arith.constant 0 : i32
        %dma_wait3A_481 = tpu.memref_slice %arg11[%add3A_477, %dma_wait3A_480] : memref<163840x128xf32, #tpu.memory_space<hbm>> -> memref<128x128xf32, #tpu.memory_space<hbm>>
        tpu.wait_dma2 semaphore(%arg26 : memref<!tpu.dma_semaphore, #tpu.memory_space<semaphore_mem>>) src(%arg16 : memref<128x128xf32, #tpu.memory_space<vmem>>) dst(%dma_wait3A_481 : memref<128x128xf32, #tpu.memory_space<hbm>>)
        %add3A_482 = arith.constant 5 : i32
        %add3A_483 = arith.addi %add3A_474, %add3A_482 : i32
        %mul3A_484 = arith.constant 128 : i32
        %mul3A_485 = arith.muli %add3A_483, %mul3A_484 : i32
        %add3A_486 = arith.constant 15360 : i32
        %add3A_487 = arith.addi %add3A_486, %mul3A_485 : i32
        %dma_start3A_488 = tpu.memref_slice %arg13[%add3A_487] : memref<20480xi32, #tpu.memory_space<vmem>> -> memref<128xi32, #tpu.memory_space<vmem>>
        %dma_start3A_489 = arith.constant 0 : i32
        %dma_start3A_490 = arith.constant 0 : i32
        %dma_start3A_491 = tpu.memref_slice %arg2[%dma_start3A_489, %dma_start3A_490] : memref<100000x128xf32, #tpu.memory_space<hbm>> -> memref<100000x128xf32, #tpu.memory_space<hbm>>
        tpu.enqueue_indirect_dma source(%dma_start3A_491 : memref<100000x128xf32, #tpu.memory_space<hbm>>) target(%arg16 : memref<128x128xf32, #tpu.memory_space<vmem>>) offsets(%dma_start3A_488 : memref<128xi32, #tpu.memory_space<vmem>>) semaphore(%arg21 : memref<!tpu.dma_semaphore, #tpu.memory_space<semaphore_mem>>)
        %mul3A_492 = arith.constant 5 : i32
        %mul3A_493 = arith.muli %scan3A_352, %mul3A_492 : i32
        %add3A_494 = arith.constant 2 : i32
        %add3A_495 = arith.addi %mul3A_493, %add3A_494 : i32
        %mul3A_496 = arith.constant 128 : i32
        %mul3A_497 = arith.muli %add3A_495, %mul3A_496 : i32
        %add3A_498 = arith.addi %mul3A_2, %mul3A_497 : i32
        %dma_wait3A_499 = arith.constant 0 : i32
        %dma_wait3A_500 = tpu.memref_slice %arg11[%add3A_498, %dma_wait3A_499] : memref<163840x128xf32, #tpu.memory_space<hbm>> -> memref<128x128xf32, #tpu.memory_space<hbm>>
        %dma_wait3A_501 = arith.constant 0 : i32
        %dma_wait3A_502 = tpu.memref_slice %arg11[%add3A_498, %dma_wait3A_501] : memref<163840x128xf32, #tpu.memory_space<hbm>> -> memref<128x128xf32, #tpu.memory_space<hbm>>
        tpu.wait_dma2 semaphore(%arg27 : memref<!tpu.dma_semaphore, #tpu.memory_space<semaphore_mem>>) src(%arg17 : memref<128x128xf32, #tpu.memory_space<vmem>>) dst(%dma_wait3A_502 : memref<128x128xf32, #tpu.memory_space<hbm>>)
        %add3A_503 = arith.constant 5 : i32
        %add3A_504 = arith.addi %add3A_495, %add3A_503 : i32
        %mul3A_505 = arith.constant 128 : i32
        %mul3A_506 = arith.muli %add3A_504, %mul3A_505 : i32
        %add3A_507 = arith.constant 15360 : i32
        %add3A_508 = arith.addi %add3A_507, %mul3A_506 : i32
        %dma_start3A_509 = tpu.memref_slice %arg13[%add3A_508] : memref<20480xi32, #tpu.memory_space<vmem>> -> memref<128xi32, #tpu.memory_space<vmem>>
        %dma_start3A_510 = arith.constant 0 : i32
        %dma_start3A_511 = arith.constant 0 : i32
        %dma_start3A_512 = tpu.memref_slice %arg2[%dma_start3A_510, %dma_start3A_511] : memref<100000x128xf32, #tpu.memory_space<hbm>> -> memref<100000x128xf32, #tpu.memory_space<hbm>>
        tpu.enqueue_indirect_dma source(%dma_start3A_512 : memref<100000x128xf32, #tpu.memory_space<hbm>>) target(%arg17 : memref<128x128xf32, #tpu.memory_space<vmem>>) offsets(%dma_start3A_509 : memref<128xi32, #tpu.memory_space<vmem>>) semaphore(%arg22 : memref<!tpu.dma_semaphore, #tpu.memory_space<semaphore_mem>>)
        %mul3A_513 = arith.constant 5 : i32
        %mul3A_514 = arith.muli %scan3A_352, %mul3A_513 : i32
        %add3A_515 = arith.constant 3 : i32
        %add3A_516 = arith.addi %mul3A_514, %add3A_515 : i32
        %mul3A_517 = arith.constant 128 : i32
        %mul3A_518 = arith.muli %add3A_516, %mul3A_517 : i32
        %add3A_519 = arith.addi %mul3A_2, %mul3A_518 : i32
        %dma_wait3A_520 = arith.constant 0 : i32
        %dma_wait3A_521 = tpu.memref_slice %arg11[%add3A_519, %dma_wait3A_520] : memref<163840x128xf32, #tpu.memory_space<hbm>> -> memref<128x128xf32, #tpu.memory_space<hbm>>
        %dma_wait3A_522 = arith.constant 0 : i32
        %dma_wait3A_523 = tpu.memref_slice %arg11[%add3A_519, %dma_wait3A_522] : memref<163840x128xf32, #tpu.memory_space<hbm>> -> memref<128x128xf32, #tpu.memory_space<hbm>>
        tpu.wait_dma2 semaphore(%arg28 : memref<!tpu.dma_semaphore, #tpu.memory_space<semaphore_mem>>) src(%arg18 : memref<128x128xf32, #tpu.memory_space<vmem>>) dst(%dma_wait3A_523 : memref<128x128xf32, #tpu.memory_space<hbm>>)
        %add3A_524 = arith.constant 5 : i32
        %add3A_525 = arith.addi %add3A_516, %add3A_524 : i32
        %mul3A_526 = arith.constant 128 : i32
        %mul3A_527 = arith.muli %add3A_525, %mul3A_526 : i32
        %add3A_528 = arith.constant 15360 : i32
        %add3A_529 = arith.addi %add3A_528, %mul3A_527 : i32
        %dma_start3A_530 = tpu.memref_slice %arg13[%add3A_529] : memref<20480xi32, #tpu.memory_space<vmem>> -> memref<128xi32, #tpu.memory_space<vmem>>
        %dma_start3A_531 = arith.constant 0 : i32
        %dma_start3A_532 = arith.constant 0 : i32
        %dma_start3A_533 = tpu.memref_slice %arg2[%dma_start3A_531, %dma_start3A_532] : memref<100000x128xf32, #tpu.memory_space<hbm>> -> memref<100000x128xf32, #tpu.memory_space<hbm>>
        tpu.enqueue_indirect_dma source(%dma_start3A_533 : memref<100000x128xf32, #tpu.memory_space<hbm>>) target(%arg18 : memref<128x128xf32, #tpu.memory_space<vmem>>) offsets(%dma_start3A_530 : memref<128xi32, #tpu.memory_space<vmem>>) semaphore(%arg23 : memref<!tpu.dma_semaphore, #tpu.memory_space<semaphore_mem>>)
        %mul3A_534 = arith.constant 5 : i32
        %mul3A_535 = arith.muli %scan3A_352, %mul3A_534 : i32
        %add3A_536 = arith.constant 4 : i32
        %add3A_537 = arith.addi %mul3A_535, %add3A_536 : i32
        %mul3A_538 = arith.constant 128 : i32
        %mul3A_539 = arith.muli %add3A_537, %mul3A_538 : i32
        %add3A_540 = arith.addi %mul3A_2, %mul3A_539 : i32
        %dma_wait3A_541 = arith.constant 0 : i32
        %dma_wait3A_542 = tpu.memref_slice %arg11[%add3A_540, %dma_wait3A_541] : memref<163840x128xf32, #tpu.memory_space<hbm>> -> memref<128x128xf32, #tpu.memory_space<hbm>>
        %dma_wait3A_543 = arith.constant 0 : i32
        %dma_wait3A_544 = tpu.memref_slice %arg11[%add3A_540, %dma_wait3A_543] : memref<163840x128xf32, #tpu.memory_space<hbm>> -> memref<128x128xf32, #tpu.memory_space<hbm>>
        tpu.wait_dma2 semaphore(%arg29 : memref<!tpu.dma_semaphore, #tpu.memory_space<semaphore_mem>>) src(%arg19 : memref<128x128xf32, #tpu.memory_space<vmem>>) dst(%dma_wait3A_544 : memref<128x128xf32, #tpu.memory_space<hbm>>)
        %add3A_545 = arith.constant 5 : i32
        %add3A_546 = arith.addi %add3A_537, %add3A_545 : i32
        %mul3A_547 = arith.constant 128 : i32
        %mul3A_548 = arith.muli %add3A_546, %mul3A_547 : i32
        %add3A_549 = arith.constant 15360 : i32
        %add3A_550 = arith.addi %add3A_549, %mul3A_548 : i32
        %dma_start3A_551 = tpu.memref_slice %arg13[%add3A_550] : memref<20480xi32, #tpu.memory_space<vmem>> -> memref<128xi32, #tpu.memory_space<vmem>>
        %dma_start3A_552 = arith.constant 0 : i32
        %dma_start3A_553 = arith.constant 0 : i32
        %dma_start3A_554 = tpu.memref_slice %arg2[%dma_start3A_552, %dma_start3A_553] : memref<100000x128xf32, #tpu.memory_space<hbm>> -> memref<100000x128xf32, #tpu.memory_space<hbm>>
        tpu.enqueue_indirect_dma source(%dma_start3A_554 : memref<100000x128xf32, #tpu.memory_space<hbm>>) target(%arg19 : memref<128x128xf32, #tpu.memory_space<vmem>>) offsets(%dma_start3A_551 : memref<128xi32, #tpu.memory_space<vmem>>) semaphore(%arg24 : memref<!tpu.dma_semaphore, #tpu.memory_space<semaphore_mem>>)
      } else {
      }
    }
    %scan3A_215 = arith.constant 8 : i32
    %add3A_216 = arith.constant 4480 : i32
    %add3A_217 = arith.addi %mul3A_2, %add3A_216 : i32
    %dma_wait3A_218 = arith.constant 0 : i32
    %dma_wait3A_219 = tpu.memref_slice %arg11[%add3A_217, %dma_wait3A_218] : memref<163840x128xf32, #tpu.memory_space<hbm>> -> memref<128x128xf32, #tpu.memory_space<hbm>>
    %dma_wait3A_220 = arith.constant 0 : i32
    %dma_wait3A_221 = tpu.memref_slice %arg11[%add3A_217, %dma_wait3A_220] : memref<163840x128xf32, #tpu.memory_space<hbm>> -> memref<128x128xf32, #tpu.memory_space<hbm>>
    tpu.wait_dma2 semaphore(%arg25 : memref<!tpu.dma_semaphore, #tpu.memory_space<semaphore_mem>>) src(%arg15 : memref<128x128xf32, #tpu.memory_space<vmem>>) dst(%dma_wait3A_221 : memref<128x128xf32, #tpu.memory_space<hbm>>)
    %add3A_222 = arith.constant 4608 : i32
    %add3A_223 = arith.addi %mul3A_2, %add3A_222 : i32
    %dma_wait3A_224 = arith.constant 0 : i32
    %dma_wait3A_225 = tpu.memref_slice %arg11[%add3A_223, %dma_wait3A_224] : memref<163840x128xf32, #tpu.memory_space<hbm>> -> memref<128x128xf32, #tpu.memory_space<hbm>>
    %dma_wait3A_226 = arith.constant 0 : i32
    %dma_wait3A_227 = tpu.memref_slice %arg11[%add3A_223, %dma_wait3A_226] : memref<163840x128xf32, #tpu.memory_space<hbm>> -> memref<128x128xf32, #tpu.memory_space<hbm>>
    tpu.wait_dma2 semaphore(%arg26 : memref<!tpu.dma_semaphore, #tpu.memory_space<semaphore_mem>>) src(%arg16 : memref<128x128xf32, #tpu.memory_space<vmem>>) dst(%dma_wait3A_227 : memref<128x128xf32, #tpu.memory_space<hbm>>)
    %add3A_228 = arith.constant 4736 : i32
    %add3A_229 = arith.addi %mul3A_2, %add3A_228 : i32
    %dma_wait3A_230 = arith.constant 0 : i32
    %dma_wait3A_231 = tpu.memref_slice %arg11[%add3A_229, %dma_wait3A_230] : memref<163840x128xf32, #tpu.memory_space<hbm>> -> memref<128x128xf32, #tpu.memory_space<hbm>>
    %dma_wait3A_232 = arith.constant 0 : i32
    %dma_wait3A_233 = tpu.memref_slice %arg11[%add3A_229, %dma_wait3A_232] : memref<163840x128xf32, #tpu.memory_space<hbm>> -> memref<128x128xf32, #tpu.memory_space<hbm>>
    tpu.wait_dma2 semaphore(%arg27 : memref<!tpu.dma_semaphore, #tpu.memory_space<semaphore_mem>>) src(%arg17 : memref<128x128xf32, #tpu.memory_space<vmem>>) dst(%dma_wait3A_233 : memref<128x128xf32, #tpu.memory_space<hbm>>)
    %add3A_234 = arith.constant 4864 : i32
    %add3A_235 = arith.addi %mul3A_2, %add3A_234 : i32
    %dma_wait3A_236 = arith.constant 0 : i32
    %dma_wait3A_237 = tpu.memref_slice %arg11[%add3A_235, %dma_wait3A_236] : memref<163840x128xf32, #tpu.memory_space<hbm>> -> memref<128x128xf32, #tpu.memory_space<hbm>>
    %dma_wait3A_238 = arith.constant 0 : i32
    %dma_wait3A_239 = tpu.memref_slice %arg11[%add3A_235, %dma_wait3A_238] : memref<163840x128xf32, #tpu.memory_space<hbm>> -> memref<128x128xf32, #tpu.memory_space<hbm>>
    tpu.wait_dma2 semaphore(%arg28 : memref<!tpu.dma_semaphore, #tpu.memory_space<semaphore_mem>>) src(%arg18 : memref<128x128xf32, #tpu.memory_space<vmem>>) dst(%dma_wait3A_239 : memref<128x128xf32, #tpu.memory_space<hbm>>)
    %add3A_240 = arith.constant 4992 : i32
    %add3A_241 = arith.addi %mul3A_2, %add3A_240 : i32
    %dma_wait3A_242 = arith.constant 0 : i32
    %dma_wait3A_243 = tpu.memref_slice %arg11[%add3A_241, %dma_wait3A_242] : memref<163840x128xf32, #tpu.memory_space<hbm>> -> memref<128x128xf32, #tpu.memory_space<hbm>>
    %dma_wait3A_244 = arith.constant 0 : i32
    %dma_wait3A_245 = tpu.memref_slice %arg11[%add3A_241, %dma_wait3A_244] : memref<163840x128xf32, #tpu.memory_space<hbm>> -> memref<128x128xf32, #tpu.memory_space<hbm>>
    tpu.wait_dma2 semaphore(%arg29 : memref<!tpu.dma_semaphore, #tpu.memory_space<semaphore_mem>>) src(%arg19 : memref<128x128xf32, #tpu.memory_space<vmem>>) dst(%dma_wait3A_245 : memref<128x128xf32, #tpu.memory_space<hbm>>)
    %dma_start3A_246 = arith.constant 0 : i32
    %dma_start3A_247 = arith.constant 0 : i32
    %dma_start3A_248 = tpu.memref_slice %arg15[%dma_start3A_246, %dma_start3A_247] : memref<128x128xf32, #tpu.memory_space<vmem>> -> memref<120x128xf32, #tpu.memory_space<vmem>>
    %dma_start3A_249 = arith.constant 0 : i32
    %dma_start3A_250 = tpu.memref_slice %arg14[%dma_start3A_249] : memref<5400xi32, #tpu.memory_space<vmem>> -> memref<120xi32, #tpu.memory_space<vmem>>
    %dma_start3A_251 = arith.constant 0 : i32
    %dma_start3A_252 = arith.constant 0 : i32
    %dma_start3A_253 = tpu.memref_slice %arg2[%dma_start3A_251, %dma_start3A_252] : memref<100000x128xf32, #tpu.memory_space<hbm>> -> memref<100000x128xf32, #tpu.memory_space<hbm>>
    tpu.enqueue_indirect_dma source(%dma_start3A_253 : memref<100000x128xf32, #tpu.memory_space<hbm>>) target(%dma_start3A_248 : memref<120x128xf32, #tpu.memory_space<vmem>>) offsets(%dma_start3A_250 : memref<120xi32, #tpu.memory_space<vmem>>) semaphore(%arg20 : memref<!tpu.dma_semaphore, #tpu.memory_space<semaphore_mem>>)
    %dma_start3A_254 = arith.constant 0 : i32
    %dma_start3A_255 = arith.constant 0 : i32
    %dma_start3A_256 = tpu.memref_slice %arg16[%dma_start3A_254, %dma_start3A_255] : memref<128x128xf32, #tpu.memory_space<vmem>> -> memref<120x128xf32, #tpu.memory_space<vmem>>
    %dma_start3A_257 = arith.constant 120 : i32
    %dma_start3A_258 = tpu.memref_slice %arg14[%dma_start3A_257] : memref<5400xi32, #tpu.memory_space<vmem>> -> memref<120xi32, #tpu.memory_space<vmem>>
    %dma_start3A_259 = arith.constant 0 : i32
    %dma_start3A_260 = arith.constant 0 : i32
    %dma_start3A_261 = tpu.memref_slice %arg2[%dma_start3A_259, %dma_start3A_260] : memref<100000x128xf32, #tpu.memory_space<hbm>> -> memref<100000x128xf32, #tpu.memory_space<hbm>>
    tpu.enqueue_indirect_dma source(%dma_start3A_261 : memref<100000x128xf32, #tpu.memory_space<hbm>>) target(%dma_start3A_256 : memref<120x128xf32, #tpu.memory_space<vmem>>) offsets(%dma_start3A_258 : memref<120xi32, #tpu.memory_space<vmem>>) semaphore(%arg21 : memref<!tpu.dma_semaphore, #tpu.memory_space<semaphore_mem>>)
    %dma_start3A_262 = arith.constant 0 : i32
    %dma_start3A_263 = arith.constant 0 : i32
    %dma_start3A_264 = tpu.memref_slice %arg17[%dma_start3A_262, %dma_start3A_263] : memref<128x128xf32, #tpu.memory_space<vmem>> -> memref<120x128xf32, #tpu.memory_space<vmem>>
    %dma_start3A_265 = arith.constant 240 : i32
    %dma_start3A_266 = tpu.memref_slice %arg14[%dma_start3A_265] : memref<5400xi32, #tpu.memory_space<vmem>> -> memref<120xi32, #tpu.memory_space<vmem>>
    %dma_start3A_267 = arith.constant 0 : i32
    %dma_start3A_268 = arith.constant 0 : i32
    %dma_start3A_269 = tpu.memref_slice %arg2[%dma_start3A_267, %dma_start3A_268] : memref<100000x128xf32, #tpu.memory_space<hbm>> -> memref<100000x128xf32, #tpu.memory_space<hbm>>
    tpu.enqueue_indirect_dma source(%dma_start3A_269 : memref<100000x128xf32, #tpu.memory_space<hbm>>) target(%dma_start3A_264 : memref<120x128xf32, #tpu.memory_space<vmem>>) offsets(%dma_start3A_266 : memref<120xi32, #tpu.memory_space<vmem>>) semaphore(%arg22 : memref<!tpu.dma_semaphore, #tpu.memory_space<semaphore_mem>>)
    %dma_start3A_270 = arith.constant 0 : i32
    %dma_start3A_271 = arith.constant 0 : i32
    %dma_start3A_272 = tpu.memref_slice %arg18[%dma_start3A_270, %dma_start3A_271] : memref<128x128xf32, #tpu.memory_space<vmem>> -> memref<120x128xf32, #tpu.memory_space<vmem>>
    %dma_start3A_273 = arith.constant 360 : i32
    %dma_start3A_274 = tpu.memref_slice %arg14[%dma_start3A_273] : memref<5400xi32, #tpu.memory_space<vmem>> -> memref<120xi32, #tpu.memory_space<vmem>>
    %dma_start3A_275 = arith.constant 0 : i32
    %dma_start3A_276 = arith.constant 0 : i32
    %dma_start3A_277 = tpu.memref_slice %arg2[%dma_start3A_275, %dma_start3A_276] : memref<100000x128xf32, #tpu.memory_space<hbm>> -> memref<100000x128xf32, #tpu.memory_space<hbm>>
    tpu.enqueue_indirect_dma source(%dma_start3A_277 : memref<100000x128xf32, #tpu.memory_space<hbm>>) target(%dma_start3A_272 : memref<120x128xf32, #tpu.memory_space<vmem>>) offsets(%dma_start3A_274 : memref<120xi32, #tpu.memory_space<vmem>>) semaphore(%arg23 : memref<!tpu.dma_semaphore, #tpu.memory_space<semaphore_mem>>)
    %dma_start3A_278 = arith.constant 0 : i32
    %dma_start3A_279 = arith.constant 0 : i32
    %dma_start3A_280 = tpu.memref_slice %arg19[%dma_start3A_278, %dma_start3A_279] : memref<128x128xf32, #tpu.memory_space<vmem>> -> memref<120x128xf32, #tpu.memory_space<vmem>>
    %dma_start3A_281 = arith.constant 480 : i32
    %dma_start3A_282 = tpu.memref_slice %arg14[%dma_start3A_281] : memref<5400xi32, #tpu.memory_space<vmem>> -> memref<120xi32, #tpu.memory_space<vmem>>
    %dma_start3A_283 = arith.constant 0 : i32
    %dma_start3A_284 = arith.constant 0 : i32
    %dma_start3A_285 = tpu.memref_slice %arg2[%dma_start3A_283, %dma_start3A_284] : memref<100000x128xf32, #tpu.memory_space<hbm>> -> memref<100000x128xf32, #tpu.memory_space<hbm>>
    tpu.enqueue_indirect_dma source(%dma_start3A_285 : memref<100000x128xf32, #tpu.memory_space<hbm>>) target(%dma_start3A_280 : memref<120x128xf32, #tpu.memory_space<vmem>>) offsets(%dma_start3A_282 : memref<120xi32, #tpu.memory_space<vmem>>) semaphore(%arg24 : memref<!tpu.dma_semaphore, #tpu.memory_space<semaphore_mem>>)
    %scan3A_286 = arith.constant 0 : i32
    %scan3A_287 = arith.constant 0 : i32
    %scan3A_288 = arith.constant 9 : i32
    %scan3A_289 = arith.addi %scan3A_287, %scan3A_288 : i32
    %scan3A_290 = arith.constant 1 : i32
    scf.for %scan3A_352 = %scan3A_287 to %scan3A_289 step %scan3A_290  : i32 {
      %mul3A_353 = arith.constant 5 : i32
      %mul3A_354 = arith.muli %scan3A_352, %mul3A_353 : i32
      %add3A_355 = arith.constant 0 : i32
      %add3A_356 = arith.addi %mul3A_354, %add3A_355 : i32
      %mul3A_357 = arith.constant 120 : i32
      %mul3A_358 = arith.muli %add3A_356, %mul3A_357 : i32
      %dma_wait3A_359 = arith.constant 0 : i32
      %dma_wait3A_360 = arith.constant 0 : i32
      %dma_wait3A_361 = tpu.memref_slice %arg15[%dma_wait3A_359, %dma_wait3A_360] : memref<128x128xf32, #tpu.memory_space<vmem>> -> memref<120x128xf32, #tpu.memory_space<vmem>>
      %dma_wait3A_362 = tpu.memref_slice %arg14[%mul3A_358] : memref<5400xi32, #tpu.memory_space<vmem>> -> memref<120xi32, #tpu.memory_space<vmem>>
      %dma_wait3A_363 = arith.constant 0 : i32
      %dma_wait3A_364 = arith.constant 0 : i32
      %dma_wait3A_365 = tpu.memref_slice %arg2[%dma_wait3A_363, %dma_wait3A_364] : memref<100000x128xf32, #tpu.memory_space<hbm>> -> memref<100000x128xf32, #tpu.memory_space<hbm>>
      tpu.wait_indirect_dma semaphore(%arg20 : memref<!tpu.dma_semaphore, #tpu.memory_space<semaphore_mem>>) src(%dma_wait3A_365 : memref<100000x128xf32, #tpu.memory_space<hbm>>) dst(%dma_wait3A_361 : memref<120x128xf32, #tpu.memory_space<vmem>>)
      %mul3A_366 = arith.constant 120 : i32
      %mul3A_367 = arith.muli %add3A_356, %mul3A_366 : i32
      %add3A_368 = arith.addi %mul3A_4, %mul3A_367 : i32
      %dma_start3A_369 = arith.constant 0 : i32
      %dma_start3A_370 = arith.constant 0 : i32
      %dma_start3A_371 = tpu.memref_slice %arg15[%dma_start3A_369, %dma_start3A_370] : memref<128x128xf32, #tpu.memory_space<vmem>> -> memref<120x128xf32, #tpu.memory_space<vmem>>
      %dma_start3A_372 = arith.constant 0 : i32
      %dma_start3A_373 = tpu.memref_slice %arg12[%add3A_368, %dma_start3A_372] : memref<172800x128xf32, #tpu.memory_space<hbm>> -> memref<120x128xf32, #tpu.memory_space<hbm>>
      %dma_start3A_374 = arith.constant 0 : i32
      %dma_start3A_375 = tpu.memref_slice %arg12[%add3A_368, %dma_start3A_374] : memref<172800x128xf32, #tpu.memory_space<hbm>> -> memref<120x128xf32, #tpu.memory_space<hbm>>
      %dma_start3A_376 = arith.constant 0 : i32
      %dma_start3A_377 = arith.constant 0 : i32
      %dma_start3A_378 = tpu.memref_slice %arg15[%dma_start3A_376, %dma_start3A_377] : memref<128x128xf32, #tpu.memory_space<vmem>> -> memref<120x128xf32, #tpu.memory_space<vmem>>
      tpu.enqueue_dma source(%dma_start3A_378 : memref<120x128xf32, #tpu.memory_space<vmem>>) target(%dma_start3A_375 : memref<120x128xf32, #tpu.memory_space<hbm>>) target_semaphore(%arg25 : memref<!tpu.dma_semaphore, #tpu.memory_space<semaphore_mem>>)
      %mul3A_379 = arith.constant 5 : i32
      %mul3A_380 = arith.muli %scan3A_352, %mul3A_379 : i32
      %add3A_381 = arith.constant 1 : i32
      %add3A_382 = arith.addi %mul3A_380, %add3A_381 : i32
      %mul3A_383 = arith.constant 120 : i32
      %mul3A_384 = arith.muli %add3A_382, %mul3A_383 : i32
      %dma_wait3A_385 = arith.constant 0 : i32
      %dma_wait3A_386 = arith.constant 0 : i32
      %dma_wait3A_387 = tpu.memref_slice %arg16[%dma_wait3A_385, %dma_wait3A_386] : memref<128x128xf32, #tpu.memory_space<vmem>> -> memref<120x128xf32, #tpu.memory_space<vmem>>
      %dma_wait3A_388 = tpu.memref_slice %arg14[%mul3A_384] : memref<5400xi32, #tpu.memory_space<vmem>> -> memref<120xi32, #tpu.memory_space<vmem>>
      %dma_wait3A_389 = arith.constant 0 : i32
      %dma_wait3A_390 = arith.constant 0 : i32
      %dma_wait3A_391 = tpu.memref_slice %arg2[%dma_wait3A_389, %dma_wait3A_390] : memref<100000x128xf32, #tpu.memory_space<hbm>> -> memref<100000x128xf32, #tpu.memory_space<hbm>>
      tpu.wait_indirect_dma semaphore(%arg21 : memref<!tpu.dma_semaphore, #tpu.memory_space<semaphore_mem>>) src(%dma_wait3A_391 : memref<100000x128xf32, #tpu.memory_space<hbm>>) dst(%dma_wait3A_387 : memref<120x128xf32, #tpu.memory_space<vmem>>)
      %mul3A_392 = arith.constant 120 : i32
      %mul3A_393 = arith.muli %add3A_382, %mul3A_392 : i32
      %add3A_394 = arith.addi %mul3A_4, %mul3A_393 : i32
      %dma_start3A_395 = arith.constant 0 : i32
      %dma_start3A_396 = arith.constant 0 : i32
      %dma_start3A_397 = tpu.memref_slice %arg16[%dma_start3A_395, %dma_start3A_396] : memref<128x128xf32, #tpu.memory_space<vmem>> -> memref<120x128xf32, #tpu.memory_space<vmem>>
      %dma_start3A_398 = arith.constant 0 : i32
      %dma_start3A_399 = tpu.memref_slice %arg12[%add3A_394, %dma_start3A_398] : memref<172800x128xf32, #tpu.memory_space<hbm>> -> memref<120x128xf32, #tpu.memory_space<hbm>>
      %dma_start3A_400 = arith.constant 0 : i32
      %dma_start3A_401 = tpu.memref_slice %arg12[%add3A_394, %dma_start3A_400] : memref<172800x128xf32, #tpu.memory_space<hbm>> -> memref<120x128xf32, #tpu.memory_space<hbm>>
      %dma_start3A_402 = arith.constant 0 : i32
      %dma_start3A_403 = arith.constant 0 : i32
      %dma_start3A_404 = tpu.memref_slice %arg16[%dma_start3A_402, %dma_start3A_403] : memref<128x128xf32, #tpu.memory_space<vmem>> -> memref<120x128xf32, #tpu.memory_space<vmem>>
      tpu.enqueue_dma source(%dma_start3A_404 : memref<120x128xf32, #tpu.memory_space<vmem>>) target(%dma_start3A_401 : memref<120x128xf32, #tpu.memory_space<hbm>>) target_semaphore(%arg26 : memref<!tpu.dma_semaphore, #tpu.memory_space<semaphore_mem>>)
      %mul3A_405 = arith.constant 5 : i32
      %mul3A_406 = arith.muli %scan3A_352, %mul3A_405 : i32
      %add3A_407 = arith.constant 2 : i32
      %add3A_408 = arith.addi %mul3A_406, %add3A_407 : i32
      %mul3A_409 = arith.constant 120 : i32
      %mul3A_410 = arith.muli %add3A_408, %mul3A_409 : i32
      %dma_wait3A_411 = arith.constant 0 : i32
      %dma_wait3A_412 = arith.constant 0 : i32
      %dma_wait3A_413 = tpu.memref_slice %arg17[%dma_wait3A_411, %dma_wait3A_412] : memref<128x128xf32, #tpu.memory_space<vmem>> -> memref<120x128xf32, #tpu.memory_space<vmem>>
      %dma_wait3A_414 = tpu.memref_slice %arg14[%mul3A_410] : memref<5400xi32, #tpu.memory_space<vmem>> -> memref<120xi32, #tpu.memory_space<vmem>>
      %dma_wait3A_415 = arith.constant 0 : i32
      %dma_wait3A_416 = arith.constant 0 : i32
      %dma_wait3A_417 = tpu.memref_slice %arg2[%dma_wait3A_415, %dma_wait3A_416] : memref<100000x128xf32, #tpu.memory_space<hbm>> -> memref<100000x128xf32, #tpu.memory_space<hbm>>
      tpu.wait_indirect_dma semaphore(%arg22 : memref<!tpu.dma_semaphore, #tpu.memory_space<semaphore_mem>>) src(%dma_wait3A_417 : memref<100000x128xf32, #tpu.memory_space<hbm>>) dst(%dma_wait3A_413 : memref<120x128xf32, #tpu.memory_space<vmem>>)
      %mul3A_418 = arith.constant 120 : i32
      %mul3A_419 = arith.muli %add3A_408, %mul3A_418 : i32
      %add3A_420 = arith.addi %mul3A_4, %mul3A_419 : i32
      %dma_start3A_421 = arith.constant 0 : i32
      %dma_start3A_422 = arith.constant 0 : i32
      %dma_start3A_423 = tpu.memref_slice %arg17[%dma_start3A_421, %dma_start3A_422] : memref<128x128xf32, #tpu.memory_space<vmem>> -> memref<120x128xf32, #tpu.memory_space<vmem>>
      %dma_start3A_424 = arith.constant 0 : i32
      %dma_start3A_425 = tpu.memref_slice %arg12[%add3A_420, %dma_start3A_424] : memref<172800x128xf32, #tpu.memory_space<hbm>> -> memref<120x128xf32, #tpu.memory_space<hbm>>
      %dma_start3A_426 = arith.constant 0 : i32
      %dma_start3A_427 = tpu.memref_slice %arg12[%add3A_420, %dma_start3A_426] : memref<172800x128xf32, #tpu.memory_space<hbm>> -> memref<120x128xf32, #tpu.memory_space<hbm>>
      %dma_start3A_428 = arith.constant 0 : i32
      %dma_start3A_429 = arith.constant 0 : i32
      %dma_start3A_430 = tpu.memref_slice %arg17[%dma_start3A_428, %dma_start3A_429] : memref<128x128xf32, #tpu.memory_space<vmem>> -> memref<120x128xf32, #tpu.memory_space<vmem>>
      tpu.enqueue_dma source(%dma_start3A_430 : memref<120x128xf32, #tpu.memory_space<vmem>>) target(%dma_start3A_427 : memref<120x128xf32, #tpu.memory_space<hbm>>) target_semaphore(%arg27 : memref<!tpu.dma_semaphore, #tpu.memory_space<semaphore_mem>>)
      %mul3A_431 = arith.constant 5 : i32
      %mul3A_432 = arith.muli %scan3A_352, %mul3A_431 : i32
      %add3A_433 = arith.constant 3 : i32
      %add3A_434 = arith.addi %mul3A_432, %add3A_433 : i32
      %mul3A_435 = arith.constant 120 : i32
      %mul3A_436 = arith.muli %add3A_434, %mul3A_435 : i32
      %dma_wait3A_437 = arith.constant 0 : i32
      %dma_wait3A_438 = arith.constant 0 : i32
      %dma_wait3A_439 = tpu.memref_slice %arg18[%dma_wait3A_437, %dma_wait3A_438] : memref<128x128xf32, #tpu.memory_space<vmem>> -> memref<120x128xf32, #tpu.memory_space<vmem>>
      %dma_wait3A_440 = tpu.memref_slice %arg14[%mul3A_436] : memref<5400xi32, #tpu.memory_space<vmem>> -> memref<120xi32, #tpu.memory_space<vmem>>
      %dma_wait3A_441 = arith.constant 0 : i32
      %dma_wait3A_442 = arith.constant 0 : i32
      %dma_wait3A_443 = tpu.memref_slice %arg2[%dma_wait3A_441, %dma_wait3A_442] : memref<100000x128xf32, #tpu.memory_space<hbm>> -> memref<100000x128xf32, #tpu.memory_space<hbm>>
      tpu.wait_indirect_dma semaphore(%arg23 : memref<!tpu.dma_semaphore, #tpu.memory_space<semaphore_mem>>) src(%dma_wait3A_443 : memref<100000x128xf32, #tpu.memory_space<hbm>>) dst(%dma_wait3A_439 : memref<120x128xf32, #tpu.memory_space<vmem>>)
      %mul3A_444 = arith.constant 120 : i32
      %mul3A_445 = arith.muli %add3A_434, %mul3A_444 : i32
      %add3A_446 = arith.addi %mul3A_4, %mul3A_445 : i32
      %dma_start3A_447 = arith.constant 0 : i32
      %dma_start3A_448 = arith.constant 0 : i32
      %dma_start3A_449 = tpu.memref_slice %arg18[%dma_start3A_447, %dma_start3A_448] : memref<128x128xf32, #tpu.memory_space<vmem>> -> memref<120x128xf32, #tpu.memory_space<vmem>>
      %dma_start3A_450 = arith.constant 0 : i32
      %dma_start3A_451 = tpu.memref_slice %arg12[%add3A_446, %dma_start3A_450] : memref<172800x128xf32, #tpu.memory_space<hbm>> -> memref<120x128xf32, #tpu.memory_space<hbm>>
      %dma_start3A_452 = arith.constant 0 : i32
      %dma_start3A_453 = tpu.memref_slice %arg12[%add3A_446, %dma_start3A_452] : memref<172800x128xf32, #tpu.memory_space<hbm>> -> memref<120x128xf32, #tpu.memory_space<hbm>>
      %dma_start3A_454 = arith.constant 0 : i32
      %dma_start3A_455 = arith.constant 0 : i32
      %dma_start3A_456 = tpu.memref_slice %arg18[%dma_start3A_454, %dma_start3A_455] : memref<128x128xf32, #tpu.memory_space<vmem>> -> memref<120x128xf32, #tpu.memory_space<vmem>>
      tpu.enqueue_dma source(%dma_start3A_456 : memref<120x128xf32, #tpu.memory_space<vmem>>) target(%dma_start3A_453 : memref<120x128xf32, #tpu.memory_space<hbm>>) target_semaphore(%arg28 : memref<!tpu.dma_semaphore, #tpu.memory_space<semaphore_mem>>)
      %mul3A_457 = arith.constant 5 : i32
      %mul3A_458 = arith.muli %scan3A_352, %mul3A_457 : i32
      %add3A_459 = arith.constant 4 : i32
      %add3A_460 = arith.addi %mul3A_458, %add3A_459 : i32
      %mul3A_461 = arith.constant 120 : i32
      %mul3A_462 = arith.muli %add3A_460, %mul3A_461 : i32
      %dma_wait3A_463 = arith.constant 0 : i32
      %dma_wait3A_464 = arith.constant 0 : i32
      %dma_wait3A_465 = tpu.memref_slice %arg19[%dma_wait3A_463, %dma_wait3A_464] : memref<128x128xf32, #tpu.memory_space<vmem>> -> memref<120x128xf32, #tpu.memory_space<vmem>>
      %dma_wait3A_466 = tpu.memref_slice %arg14[%mul3A_462] : memref<5400xi32, #tpu.memory_space<vmem>> -> memref<120xi32, #tpu.memory_space<vmem>>
      %dma_wait3A_467 = arith.constant 0 : i32
      %dma_wait3A_468 = arith.constant 0 : i32
      %dma_wait3A_469 = tpu.memref_slice %arg2[%dma_wait3A_467, %dma_wait3A_468] : memref<100000x128xf32, #tpu.memory_space<hbm>> -> memref<100000x128xf32, #tpu.memory_space<hbm>>
      tpu.wait_indirect_dma semaphore(%arg24 : memref<!tpu.dma_semaphore, #tpu.memory_space<semaphore_mem>>) src(%dma_wait3A_469 : memref<100000x128xf32, #tpu.memory_space<hbm>>) dst(%dma_wait3A_465 : memref<120x128xf32, #tpu.memory_space<vmem>>)
      %mul3A_470 = arith.constant 120 : i32
      %mul3A_471 = arith.muli %add3A_460, %mul3A_470 : i32
      %add3A_472 = arith.addi %mul3A_4, %mul3A_471 : i32
      %dma_start3A_473 = arith.constant 0 : i32
      %dma_start3A_474 = arith.constant 0 : i32
      %dma_start3A_475 = tpu.memref_slice %arg19[%dma_start3A_473, %dma_start3A_474] : memref<128x128xf32, #tpu.memory_space<vmem>> -> memref<120x128xf32, #tpu.memory_space<vmem>>
      %dma_start3A_476 = arith.constant 0 : i32
      %dma_start3A_477 = tpu.memref_slice %arg12[%add3A_472, %dma_start3A_476] : memref<172800x128xf32, #tpu.memory_space<hbm>> -> memref<120x128xf32, #tpu.memory_space<hbm>>
      %dma_start3A_478 = arith.constant 0 : i32
      %dma_start3A_479 = tpu.memref_slice %arg12[%add3A_472, %dma_start3A_478] : memref<172800x128xf32, #tpu.memory_space<hbm>> -> memref<120x128xf32, #tpu.memory_space<hbm>>
      %dma_start3A_480 = arith.constant 0 : i32
      %dma_start3A_481 = arith.constant 0 : i32
      %dma_start3A_482 = tpu.memref_slice %arg19[%dma_start3A_480, %dma_start3A_481] : memref<128x128xf32, #tpu.memory_space<vmem>> -> memref<120x128xf32, #tpu.memory_space<vmem>>
      tpu.enqueue_dma source(%dma_start3A_482 : memref<120x128xf32, #tpu.memory_space<vmem>>) target(%dma_start3A_479 : memref<120x128xf32, #tpu.memory_space<hbm>>) target_semaphore(%arg29 : memref<!tpu.dma_semaphore, #tpu.memory_space<semaphore_mem>>)
      %lt3A = arith.constant 8 : i32
      %lt3A_483 = arith.cmpi slt, %scan3A_352, %lt3A : i32
      %convert_element_type3A = arith.extui %lt3A_483 : i1 to i32
      %cond3A = arith.constant 0 : i32
      %cond3A_484 = arith.cmpi ne, %convert_element_type3A, %cond3A : i32
      scf.if %cond3A_484 {
        %mul3A_485 = arith.constant 5 : i32
        %mul3A_486 = arith.muli %scan3A_352, %mul3A_485 : i32
        %add3A_487 = arith.constant 0 : i32
        %add3A_488 = arith.addi %mul3A_486, %add3A_487 : i32
        %mul3A_489 = arith.constant 120 : i32
        %mul3A_490 = arith.muli %add3A_488, %mul3A_489 : i32
        %add3A_491 = arith.addi %mul3A_4, %mul3A_490 : i32
        %dma_wait3A_492 = arith.constant 0 : i32
        %dma_wait3A_493 = arith.constant 0 : i32
        %dma_wait3A_494 = tpu.memref_slice %arg15[%dma_wait3A_492, %dma_wait3A_493] : memref<128x128xf32, #tpu.memory_space<vmem>> -> memref<120x128xf32, #tpu.memory_space<vmem>>
        %dma_wait3A_495 = arith.constant 0 : i32
        %dma_wait3A_496 = tpu.memref_slice %arg12[%add3A_491, %dma_wait3A_495] : memref<172800x128xf32, #tpu.memory_space<hbm>> -> memref<120x128xf32, #tpu.memory_space<hbm>>
        %dma_wait3A_497 = arith.constant 0 : i32
        %dma_wait3A_498 = tpu.memref_slice %arg12[%add3A_491, %dma_wait3A_497] : memref<172800x128xf32, #tpu.memory_space<hbm>> -> memref<120x128xf32, #tpu.memory_space<hbm>>
        %dma_wait3A_499 = arith.constant 0 : i32
        %dma_wait3A_500 = arith.constant 0 : i32
        %dma_wait3A_501 = tpu.memref_slice %arg15[%dma_wait3A_499, %dma_wait3A_500] : memref<128x128xf32, #tpu.memory_space<vmem>> -> memref<120x128xf32, #tpu.memory_space<vmem>>
        tpu.wait_dma2 semaphore(%arg25 : memref<!tpu.dma_semaphore, #tpu.memory_space<semaphore_mem>>) src(%dma_wait3A_501 : memref<120x128xf32, #tpu.memory_space<vmem>>) dst(%dma_wait3A_498 : memref<120x128xf32, #tpu.memory_space<hbm>>)
        %add3A_502 = arith.constant 5 : i32
        %add3A_503 = arith.addi %add3A_488, %add3A_502 : i32
        %mul3A_504 = arith.constant 120 : i32
        %mul3A_505 = arith.muli %add3A_503, %mul3A_504 : i32
        %dma_start3A_506 = arith.constant 0 : i32
        %dma_start3A_507 = arith.constant 0 : i32
        %dma_start3A_508 = tpu.memref_slice %arg15[%dma_start3A_506, %dma_start3A_507] : memref<128x128xf32, #tpu.memory_space<vmem>> -> memref<120x128xf32, #tpu.memory_space<vmem>>
        %dma_start3A_509 = tpu.memref_slice %arg14[%mul3A_505] : memref<5400xi32, #tpu.memory_space<vmem>> -> memref<120xi32, #tpu.memory_space<vmem>>
        %dma_start3A_510 = arith.constant 0 : i32
        %dma_start3A_511 = arith.constant 0 : i32
        %dma_start3A_512 = tpu.memref_slice %arg2[%dma_start3A_510, %dma_start3A_511] : memref<100000x128xf32, #tpu.memory_space<hbm>> -> memref<100000x128xf32, #tpu.memory_space<hbm>>
        tpu.enqueue_indirect_dma source(%dma_start3A_512 : memref<100000x128xf32, #tpu.memory_space<hbm>>) target(%dma_start3A_508 : memref<120x128xf32, #tpu.memory_space<vmem>>) offsets(%dma_start3A_509 : memref<120xi32, #tpu.memory_space<vmem>>) semaphore(%arg20 : memref<!tpu.dma_semaphore, #tpu.memory_space<semaphore_mem>>)
        %mul3A_513 = arith.constant 5 : i32
        %mul3A_514 = arith.muli %scan3A_352, %mul3A_513 : i32
        %add3A_515 = arith.constant 1 : i32
        %add3A_516 = arith.addi %mul3A_514, %add3A_515 : i32
        %mul3A_517 = arith.constant 120 : i32
        %mul3A_518 = arith.muli %add3A_516, %mul3A_517 : i32
        %add3A_519 = arith.addi %mul3A_4, %mul3A_518 : i32
        %dma_wait3A_520 = arith.constant 0 : i32
        %dma_wait3A_521 = arith.constant 0 : i32
        %dma_wait3A_522 = tpu.memref_slice %arg16[%dma_wait3A_520, %dma_wait3A_521] : memref<128x128xf32, #tpu.memory_space<vmem>> -> memref<120x128xf32, #tpu.memory_space<vmem>>
        %dma_wait3A_523 = arith.constant 0 : i32
        %dma_wait3A_524 = tpu.memref_slice %arg12[%add3A_519, %dma_wait3A_523] : memref<172800x128xf32, #tpu.memory_space<hbm>> -> memref<120x128xf32, #tpu.memory_space<hbm>>
        %dma_wait3A_525 = arith.constant 0 : i32
        %dma_wait3A_526 = tpu.memref_slice %arg12[%add3A_519, %dma_wait3A_525] : memref<172800x128xf32, #tpu.memory_space<hbm>> -> memref<120x128xf32, #tpu.memory_space<hbm>>
        %dma_wait3A_527 = arith.constant 0 : i32
        %dma_wait3A_528 = arith.constant 0 : i32
        %dma_wait3A_529 = tpu.memref_slice %arg16[%dma_wait3A_527, %dma_wait3A_528] : memref<128x128xf32, #tpu.memory_space<vmem>> -> memref<120x128xf32, #tpu.memory_space<vmem>>
        tpu.wait_dma2 semaphore(%arg26 : memref<!tpu.dma_semaphore, #tpu.memory_space<semaphore_mem>>) src(%dma_wait3A_529 : memref<120x128xf32, #tpu.memory_space<vmem>>) dst(%dma_wait3A_526 : memref<120x128xf32, #tpu.memory_space<hbm>>)
        %add3A_530 = arith.constant 5 : i32
        %add3A_531 = arith.addi %add3A_516, %add3A_530 : i32
        %mul3A_532 = arith.constant 120 : i32
        %mul3A_533 = arith.muli %add3A_531, %mul3A_532 : i32
        %dma_start3A_534 = arith.constant 0 : i32
        %dma_start3A_535 = arith.constant 0 : i32
        %dma_start3A_536 = tpu.memref_slice %arg16[%dma_start3A_534, %dma_start3A_535] : memref<128x128xf32, #tpu.memory_space<vmem>> -> memref<120x128xf32, #tpu.memory_space<vmem>>
        %dma_start3A_537 = tpu.memref_slice %arg14[%mul3A_533] : memref<5400xi32, #tpu.memory_space<vmem>> -> memref<120xi32, #tpu.memory_space<vmem>>
        %dma_start3A_538 = arith.constant 0 : i32
        %dma_start3A_539 = arith.constant 0 : i32
        %dma_start3A_540 = tpu.memref_slice %arg2[%dma_start3A_538, %dma_start3A_539] : memref<100000x128xf32, #tpu.memory_space<hbm>> -> memref<100000x128xf32, #tpu.memory_space<hbm>>
        tpu.enqueue_indirect_dma source(%dma_start3A_540 : memref<100000x128xf32, #tpu.memory_space<hbm>>) target(%dma_start3A_536 : memref<120x128xf32, #tpu.memory_space<vmem>>) offsets(%dma_start3A_537 : memref<120xi32, #tpu.memory_space<vmem>>) semaphore(%arg21 : memref<!tpu.dma_semaphore, #tpu.memory_space<semaphore_mem>>)
        %mul3A_541 = arith.constant 5 : i32
        %mul3A_542 = arith.muli %scan3A_352, %mul3A_541 : i32
        %add3A_543 = arith.constant 2 : i32
        %add3A_544 = arith.addi %mul3A_542, %add3A_543 : i32
        %mul3A_545 = arith.constant 120 : i32
        %mul3A_546 = arith.muli %add3A_544, %mul3A_545 : i32
        %add3A_547 = arith.addi %mul3A_4, %mul3A_546 : i32
        %dma_wait3A_548 = arith.constant 0 : i32
        %dma_wait3A_549 = arith.constant 0 : i32
        %dma_wait3A_550 = tpu.memref_slice %arg17[%dma_wait3A_548, %dma_wait3A_549] : memref<128x128xf32, #tpu.memory_space<vmem>> -> memref<120x128xf32, #tpu.memory_space<vmem>>
        %dma_wait3A_551 = arith.constant 0 : i32
        %dma_wait3A_552 = tpu.memref_slice %arg12[%add3A_547, %dma_wait3A_551] : memref<172800x128xf32, #tpu.memory_space<hbm>> -> memref<120x128xf32, #tpu.memory_space<hbm>>
        %dma_wait3A_553 = arith.constant 0 : i32
        %dma_wait3A_554 = tpu.memref_slice %arg12[%add3A_547, %dma_wait3A_553] : memref<172800x128xf32, #tpu.memory_space<hbm>> -> memref<120x128xf32, #tpu.memory_space<hbm>>
        %dma_wait3A_555 = arith.constant 0 : i32
        %dma_wait3A_556 = arith.constant 0 : i32
        %dma_wait3A_557 = tpu.memref_slice %arg17[%dma_wait3A_555, %dma_wait3A_556] : memref<128x128xf32, #tpu.memory_space<vmem>> -> memref<120x128xf32, #tpu.memory_space<vmem>>
        tpu.wait_dma2 semaphore(%arg27 : memref<!tpu.dma_semaphore, #tpu.memory_space<semaphore_mem>>) src(%dma_wait3A_557 : memref<120x128xf32, #tpu.memory_space<vmem>>) dst(%dma_wait3A_554 : memref<120x128xf32, #tpu.memory_space<hbm>>)
        %add3A_558 = arith.constant 5 : i32
        %add3A_559 = arith.addi %add3A_544, %add3A_558 : i32
        %mul3A_560 = arith.constant 120 : i32
        %mul3A_561 = arith.muli %add3A_559, %mul3A_560 : i32
        %dma_start3A_562 = arith.constant 0 : i32
        %dma_start3A_563 = arith.constant 0 : i32
        %dma_start3A_564 = tpu.memref_slice %arg17[%dma_start3A_562, %dma_start3A_563] : memref<128x128xf32, #tpu.memory_space<vmem>> -> memref<120x128xf32, #tpu.memory_space<vmem>>
        %dma_start3A_565 = tpu.memref_slice %arg14[%mul3A_561] : memref<5400xi32, #tpu.memory_space<vmem>> -> memref<120xi32, #tpu.memory_space<vmem>>
        %dma_start3A_566 = arith.constant 0 : i32
        %dma_start3A_567 = arith.constant 0 : i32
        %dma_start3A_568 = tpu.memref_slice %arg2[%dma_start3A_566, %dma_start3A_567] : memref<100000x128xf32, #tpu.memory_space<hbm>> -> memref<100000x128xf32, #tpu.memory_space<hbm>>
        tpu.enqueue_indirect_dma source(%dma_start3A_568 : memref<100000x128xf32, #tpu.memory_space<hbm>>) target(%dma_start3A_564 : memref<120x128xf32, #tpu.memory_space<vmem>>) offsets(%dma_start3A_565 : memref<120xi32, #tpu.memory_space<vmem>>) semaphore(%arg22 : memref<!tpu.dma_semaphore, #tpu.memory_space<semaphore_mem>>)
        %mul3A_569 = arith.constant 5 : i32
        %mul3A_570 = arith.muli %scan3A_352, %mul3A_569 : i32
        %add3A_571 = arith.constant 3 : i32
        %add3A_572 = arith.addi %mul3A_570, %add3A_571 : i32
        %mul3A_573 = arith.constant 120 : i32
        %mul3A_574 = arith.muli %add3A_572, %mul3A_573 : i32
        %add3A_575 = arith.addi %mul3A_4, %mul3A_574 : i32
        %dma_wait3A_576 = arith.constant 0 : i32
        %dma_wait3A_577 = arith.constant 0 : i32
        %dma_wait3A_578 = tpu.memref_slice %arg18[%dma_wait3A_576, %dma_wait3A_577] : memref<128x128xf32, #tpu.memory_space<vmem>> -> memref<120x128xf32, #tpu.memory_space<vmem>>
        %dma_wait3A_579 = arith.constant 0 : i32
        %dma_wait3A_580 = tpu.memref_slice %arg12[%add3A_575, %dma_wait3A_579] : memref<172800x128xf32, #tpu.memory_space<hbm>> -> memref<120x128xf32, #tpu.memory_space<hbm>>
        %dma_wait3A_581 = arith.constant 0 : i32
        %dma_wait3A_582 = tpu.memref_slice %arg12[%add3A_575, %dma_wait3A_581] : memref<172800x128xf32, #tpu.memory_space<hbm>> -> memref<120x128xf32, #tpu.memory_space<hbm>>
        %dma_wait3A_583 = arith.constant 0 : i32
        %dma_wait3A_584 = arith.constant 0 : i32
        %dma_wait3A_585 = tpu.memref_slice %arg18[%dma_wait3A_583, %dma_wait3A_584] : memref<128x128xf32, #tpu.memory_space<vmem>> -> memref<120x128xf32, #tpu.memory_space<vmem>>
        tpu.wait_dma2 semaphore(%arg28 : memref<!tpu.dma_semaphore, #tpu.memory_space<semaphore_mem>>) src(%dma_wait3A_585 : memref<120x128xf32, #tpu.memory_space<vmem>>) dst(%dma_wait3A_582 : memref<120x128xf32, #tpu.memory_space<hbm>>)
        %add3A_586 = arith.constant 5 : i32
        %add3A_587 = arith.addi %add3A_572, %add3A_586 : i32
        %mul3A_588 = arith.constant 120 : i32
        %mul3A_589 = arith.muli %add3A_587, %mul3A_588 : i32
        %dma_start3A_590 = arith.constant 0 : i32
        %dma_start3A_591 = arith.constant 0 : i32
        %dma_start3A_592 = tpu.memref_slice %arg18[%dma_start3A_590, %dma_start3A_591] : memref<128x128xf32, #tpu.memory_space<vmem>> -> memref<120x128xf32, #tpu.memory_space<vmem>>
        %dma_start3A_593 = tpu.memref_slice %arg14[%mul3A_589] : memref<5400xi32, #tpu.memory_space<vmem>> -> memref<120xi32, #tpu.memory_space<vmem>>
        %dma_start3A_594 = arith.constant 0 : i32
        %dma_start3A_595 = arith.constant 0 : i32
        %dma_start3A_596 = tpu.memref_slice %arg2[%dma_start3A_594, %dma_start3A_595] : memref<100000x128xf32, #tpu.memory_space<hbm>> -> memref<100000x128xf32, #tpu.memory_space<hbm>>
        tpu.enqueue_indirect_dma source(%dma_start3A_596 : memref<100000x128xf32, #tpu.memory_space<hbm>>) target(%dma_start3A_592 : memref<120x128xf32, #tpu.memory_space<vmem>>) offsets(%dma_start3A_593 : memref<120xi32, #tpu.memory_space<vmem>>) semaphore(%arg23 : memref<!tpu.dma_semaphore, #tpu.memory_space<semaphore_mem>>)
        %mul3A_597 = arith.constant 5 : i32
        %mul3A_598 = arith.muli %scan3A_352, %mul3A_597 : i32
        %add3A_599 = arith.constant 4 : i32
        %add3A_600 = arith.addi %mul3A_598, %add3A_599 : i32
        %mul3A_601 = arith.constant 120 : i32
        %mul3A_602 = arith.muli %add3A_600, %mul3A_601 : i32
        %add3A_603 = arith.addi %mul3A_4, %mul3A_602 : i32
        %dma_wait3A_604 = arith.constant 0 : i32
        %dma_wait3A_605 = arith.constant 0 : i32
        %dma_wait3A_606 = tpu.memref_slice %arg19[%dma_wait3A_604, %dma_wait3A_605] : memref<128x128xf32, #tpu.memory_space<vmem>> -> memref<120x128xf32, #tpu.memory_space<vmem>>
        %dma_wait3A_607 = arith.constant 0 : i32
        %dma_wait3A_608 = tpu.memref_slice %arg12[%add3A_603, %dma_wait3A_607] : memref<172800x128xf32, #tpu.memory_space<hbm>> -> memref<120x128xf32, #tpu.memory_space<hbm>>
        %dma_wait3A_609 = arith.constant 0 : i32
        %dma_wait3A_610 = tpu.memref_slice %arg12[%add3A_603, %dma_wait3A_609] : memref<172800x128xf32, #tpu.memory_space<hbm>> -> memref<120x128xf32, #tpu.memory_space<hbm>>
        %dma_wait3A_611 = arith.constant 0 : i32
        %dma_wait3A_612 = arith.constant 0 : i32
        %dma_wait3A_613 = tpu.memref_slice %arg19[%dma_wait3A_611, %dma_wait3A_612] : memref<128x128xf32, #tpu.memory_space<vmem>> -> memref<120x128xf32, #tpu.memory_space<vmem>>
        tpu.wait_dma2 semaphore(%arg29 : memref<!tpu.dma_semaphore, #tpu.memory_space<semaphore_mem>>) src(%dma_wait3A_613 : memref<120x128xf32, #tpu.memory_space<vmem>>) dst(%dma_wait3A_610 : memref<120x128xf32, #tpu.memory_space<hbm>>)
        %add3A_614 = arith.constant 5 : i32
        %add3A_615 = arith.addi %add3A_600, %add3A_614 : i32
        %mul3A_616 = arith.constant 120 : i32
        %mul3A_617 = arith.muli %add3A_615, %mul3A_616 : i32
        %dma_start3A_618 = arith.constant 0 : i32
        %dma_start3A_619 = arith.constant 0 : i32
        %dma_start3A_620 = tpu.memref_slice %arg19[%dma_start3A_618, %dma_start3A_619] : memref<128x128xf32, #tpu.memory_space<vmem>> -> memref<120x128xf32, #tpu.memory_space<vmem>>
        %dma_start3A_621 = tpu.memref_slice %arg14[%mul3A_617] : memref<5400xi32, #tpu.memory_space<vmem>> -> memref<120xi32, #tpu.memory_space<vmem>>
        %dma_start3A_622 = arith.constant 0 : i32
        %dma_start3A_623 = arith.constant 0 : i32
        %dma_start3A_624 = tpu.memref_slice %arg2[%dma_start3A_622, %dma_start3A_623] : memref<100000x128xf32, #tpu.memory_space<hbm>> -> memref<100000x128xf32, #tpu.memory_space<hbm>>
        tpu.enqueue_indirect_dma source(%dma_start3A_624 : memref<100000x128xf32, #tpu.memory_space<hbm>>) target(%dma_start3A_620 : memref<120x128xf32, #tpu.memory_space<vmem>>) offsets(%dma_start3A_621 : memref<120xi32, #tpu.memory_space<vmem>>) semaphore(%arg24 : memref<!tpu.dma_semaphore, #tpu.memory_space<semaphore_mem>>)
      } else {
      }
    }
    %scan3A_291 = arith.constant 9 : i32
    %add3A_292 = arith.constant 4800 : i32
    %add3A_293 = arith.addi %mul3A_4, %add3A_292 : i32
    %dma_wait3A_294 = arith.constant 0 : i32
    %dma_wait3A_295 = arith.constant 0 : i32
    %dma_wait3A_296 = tpu.memref_slice %arg15[%dma_wait3A_294, %dma_wait3A_295] : memref<128x128xf32, #tpu.memory_space<vmem>> -> memref<120x128xf32, #tpu.memory_space<vmem>>
    %dma_wait3A_297 = arith.constant 0 : i32
    %dma_wait3A_298 = tpu.memref_slice %arg12[%add3A_293, %dma_wait3A_297] : memref<172800x128xf32, #tpu.memory_space<hbm>> -> memref<120x128xf32, #tpu.memory_space<hbm>>
    %dma_wait3A_299 = arith.constant 0 : i32
    %dma_wait3A_300 = tpu.memref_slice %arg12[%add3A_293, %dma_wait3A_299] : memref<172800x128xf32, #tpu.memory_space<hbm>> -> memref<120x128xf32, #tpu.memory_space<hbm>>
    %dma_wait3A_301 = arith.constant 0 : i32
    %dma_wait3A_302 = arith.constant 0 : i32
    %dma_wait3A_303 = tpu.memref_slice %arg15[%dma_wait3A_301, %dma_wait3A_302] : memref<128x128xf32, #tpu.memory_space<vmem>> -> memref<120x128xf32, #tpu.memory_space<vmem>>
    tpu.wait_dma2 semaphore(%arg25 : memref<!tpu.dma_semaphore, #tpu.memory_space<semaphore_mem>>) src(%dma_wait3A_303 : memref<120x128xf32, #tpu.memory_space<vmem>>) dst(%dma_wait3A_300 : memref<120x128xf32, #tpu.memory_space<hbm>>)
    %add3A_304 = arith.constant 4920 : i32
    %add3A_305 = arith.addi %mul3A_4, %add3A_304 : i32
    %dma_wait3A_306 = arith.constant 0 : i32
    %dma_wait3A_307 = arith.constant 0 : i32
    %dma_wait3A_308 = tpu.memref_slice %arg16[%dma_wait3A_306, %dma_wait3A_307] : memref<128x128xf32, #tpu.memory_space<vmem>> -> memref<120x128xf32, #tpu.memory_space<vmem>>
    %dma_wait3A_309 = arith.constant 0 : i32
    %dma_wait3A_310 = tpu.memref_slice %arg12[%add3A_305, %dma_wait3A_309] : memref<172800x128xf32, #tpu.memory_space<hbm>> -> memref<120x128xf32, #tpu.memory_space<hbm>>
    %dma_wait3A_311 = arith.constant 0 : i32
    %dma_wait3A_312 = tpu.memref_slice %arg12[%add3A_305, %dma_wait3A_311] : memref<172800x128xf32, #tpu.memory_space<hbm>> -> memref<120x128xf32, #tpu.memory_space<hbm>>
    %dma_wait3A_313 = arith.constant 0 : i32
    %dma_wait3A_314 = arith.constant 0 : i32
    %dma_wait3A_315 = tpu.memref_slice %arg16[%dma_wait3A_313, %dma_wait3A_314] : memref<128x128xf32, #tpu.memory_space<vmem>> -> memref<120x128xf32, #tpu.memory_space<vmem>>
    tpu.wait_dma2 semaphore(%arg26 : memref<!tpu.dma_semaphore, #tpu.memory_space<semaphore_mem>>) src(%dma_wait3A_315 : memref<120x128xf32, #tpu.memory_space<vmem>>) dst(%dma_wait3A_312 : memref<120x128xf32, #tpu.memory_space<hbm>>)
    %add3A_316 = arith.constant 5040 : i32
    %add3A_317 = arith.addi %mul3A_4, %add3A_316 : i32
    %dma_wait3A_318 = arith.constant 0 : i32
    %dma_wait3A_319 = arith.constant 0 : i32
    %dma_wait3A_320 = tpu.memref_slice %arg17[%dma_wait3A_318, %dma_wait3A_319] : memref<128x128xf32, #tpu.memory_space<vmem>> -> memref<120x128xf32, #tpu.memory_space<vmem>>
    %dma_wait3A_321 = arith.constant 0 : i32
    %dma_wait3A_322 = tpu.memref_slice %arg12[%add3A_317, %dma_wait3A_321] : memref<172800x128xf32, #tpu.memory_space<hbm>> -> memref<120x128xf32, #tpu.memory_space<hbm>>
    %dma_wait3A_323 = arith.constant 0 : i32
    %dma_wait3A_324 = tpu.memref_slice %arg12[%add3A_317, %dma_wait3A_323] : memref<172800x128xf32, #tpu.memory_space<hbm>> -> memref<120x128xf32, #tpu.memory_space<hbm>>
    %dma_wait3A_325 = arith.constant 0 : i32
    %dma_wait3A_326 = arith.constant 0 : i32
    %dma_wait3A_327 = tpu.memref_slice %arg17[%dma_wait3A_325, %dma_wait3A_326] : memref<128x128xf32, #tpu.memory_space<vmem>> -> memref<120x128xf32, #tpu.memory_space<vmem>>
    tpu.wait_dma2 semaphore(%arg27 : memref<!tpu.dma_semaphore, #tpu.memory_space<semaphore_mem>>) src(%dma_wait3A_327 : memref<120x128xf32, #tpu.memory_space<vmem>>) dst(%dma_wait3A_324 : memref<120x128xf32, #tpu.memory_space<hbm>>)
    %add3A_328 = arith.constant 5160 : i32
    %add3A_329 = arith.addi %mul3A_4, %add3A_328 : i32
    %dma_wait3A_330 = arith.constant 0 : i32
    %dma_wait3A_331 = arith.constant 0 : i32
    %dma_wait3A_332 = tpu.memref_slice %arg18[%dma_wait3A_330, %dma_wait3A_331] : memref<128x128xf32, #tpu.memory_space<vmem>> -> memref<120x128xf32, #tpu.memory_space<vmem>>
    %dma_wait3A_333 = arith.constant 0 : i32
    %dma_wait3A_334 = tpu.memref_slice %arg12[%add3A_329, %dma_wait3A_333] : memref<172800x128xf32, #tpu.memory_space<hbm>> -> memref<120x128xf32, #tpu.memory_space<hbm>>
    %dma_wait3A_335 = arith.constant 0 : i32
    %dma_wait3A_336 = tpu.memref_slice %arg12[%add3A_329, %dma_wait3A_335] : memref<172800x128xf32, #tpu.memory_space<hbm>> -> memref<120x128xf32, #tpu.memory_space<hbm>>
    %dma_wait3A_337 = arith.constant 0 : i32
    %dma_wait3A_338 = arith.constant 0 : i32
    %dma_wait3A_339 = tpu.memref_slice %arg18[%dma_wait3A_337, %dma_wait3A_338] : memref<128x128xf32, #tpu.memory_space<vmem>> -> memref<120x128xf32, #tpu.memory_space<vmem>>
    tpu.wait_dma2 semaphore(%arg28 : memref<!tpu.dma_semaphore, #tpu.memory_space<semaphore_mem>>) src(%dma_wait3A_339 : memref<120x128xf32, #tpu.memory_space<vmem>>) dst(%dma_wait3A_336 : memref<120x128xf32, #tpu.memory_space<hbm>>)
    %add3A_340 = arith.constant 5280 : i32
    %add3A_341 = arith.addi %mul3A_4, %add3A_340 : i32
    %dma_wait3A_342 = arith.constant 0 : i32
    %dma_wait3A_343 = arith.constant 0 : i32
    %dma_wait3A_344 = tpu.memref_slice %arg19[%dma_wait3A_342, %dma_wait3A_343] : memref<128x128xf32, #tpu.memory_space<vmem>> -> memref<120x128xf32, #tpu.memory_space<vmem>>
    %dma_wait3A_345 = arith.constant 0 : i32
    %dma_wait3A_346 = tpu.memref_slice %arg12[%add3A_341, %dma_wait3A_345] : memref<172800x128xf32, #tpu.memory_space<hbm>> -> memref<120x128xf32, #tpu.memory_space<hbm>>
    %dma_wait3A_347 = arith.constant 0 : i32
    %dma_wait3A_348 = tpu.memref_slice %arg12[%add3A_341, %dma_wait3A_347] : memref<172800x128xf32, #tpu.memory_space<hbm>> -> memref<120x128xf32, #tpu.memory_space<hbm>>
    %dma_wait3A_349 = arith.constant 0 : i32
    %dma_wait3A_350 = arith.constant 0 : i32
    %dma_wait3A_351 = tpu.memref_slice %arg19[%dma_wait3A_349, %dma_wait3A_350] : memref<128x128xf32, #tpu.memory_space<vmem>> -> memref<120x128xf32, #tpu.memory_space<vmem>>
    tpu.wait_dma2 semaphore(%arg29 : memref<!tpu.dma_semaphore, #tpu.memory_space<semaphore_mem>>) src(%dma_wait3A_351 : memref<120x128xf32, #tpu.memory_space<vmem>>) dst(%dma_wait3A_348 : memref<120x128xf32, #tpu.memory_space<hbm>>)
    return
  }
}

module attributes {stable_mosaic.version = 14 : i64} {
  func.func @_fused_body(%arg0: i32, %arg1: memref<3200x128xf32, #tpu.memory_space<vmem>>, %arg2: memref<3200x128xf32, #tpu.memory_space<vmem>>, %arg3: memref<3200x128xf32, #tpu.memory_space<vmem>>, %arg4: memref<3200x128xf32, #tpu.memory_space<vmem>>, %arg5: memref<3200x128xf32, #tpu.memory_space<vmem>>, %arg6: memref<200x128xf32, #tpu.memory_space<vmem>>, %arg7: memref<3200x4xf32, #tpu.memory_space<vmem>>, %arg8: memref<200x16xf32, #tpu.memory_space<vmem>>, %arg9: memref<128x64xf32, #tpu.memory_space<vmem>>, %arg10: memref<1x64xf32, #tpu.memory_space<vmem>>, %arg11: memref<64x128xf32, #tpu.memory_space<vmem>>, %arg12: memref<1x128xf32, #tpu.memory_space<vmem>>, %arg13: memref<64x128xf32, #tpu.memory_space<vmem>>, %arg14: memref<1x128xf32, #tpu.memory_space<vmem>>, %arg15: memref<128x32xf32, #tpu.memory_space<vmem>>, %arg16: memref<1x32xf32, #tpu.memory_space<vmem>>, %arg17: memref<128x128xf32, #tpu.memory_space<vmem>>, %arg18: memref<1x128xf32, #tpu.memory_space<vmem>>, %arg19: memref<256x1xf32, #tpu.memory_space<vmem>>, %arg20: memref<1x1xf32, #tpu.memory_space<vmem>>, %arg21: memref<64x1xf32, #tpu.memory_space<vmem>>, %arg22: memref<128x128xf32, #tpu.memory_space<vmem>>, %arg23: memref<1x128xf32, #tpu.memory_space<vmem>>, %arg24: memref<200x128xf32, #tpu.memory_space<vmem>>, %arg25: memref<200x64xf32, #tpu.memory_space<vmem>>, %arg26: memref<1x1xf32, #tpu.memory_space<vmem>>) attributes {dimension_semantics = [#tpu.dimension_semantics<arbitrary>], iteration_bounds = array<i64: 50>, scalar_prefetch = 0 : i64, scratch_operands = 0 : i64, tpu.core_type = #tpu.core_type<tc>, window_params = [{transform_indices = @transform_0, window_bounds = array<i64: 3200, 128>}, {transform_indices = @transform_1, window_bounds = array<i64: 3200, 128>}, {transform_indices = @transform_2, window_bounds = array<i64: 3200, 128>}, {transform_indices = @transform_3, window_bounds = array<i64: 3200, 128>}, {transform_indices = @transform_4, window_bounds = array<i64: 3200, 128>}, {transform_indices = @transform_5, window_bounds = array<i64: 200, 128>}, {transform_indices = @transform_6, window_bounds = array<i64: 3200, 4>}, {transform_indices = @transform_7, window_bounds = array<i64: 200, 16>}, {pipeline_mode = #tpu.pipeline_mode<synchronous>, transform_indices = @transform_8, window_bounds = array<i64: 128, 64>}, {pipeline_mode = #tpu.pipeline_mode<synchronous>, transform_indices = @transform_9, window_bounds = array<i64: 1, 64>}, {pipeline_mode = #tpu.pipeline_mode<synchronous>, transform_indices = @transform_10, window_bounds = array<i64: 64, 128>}, {pipeline_mode = #tpu.pipeline_mode<synchronous>, transform_indices = @transform_11, window_bounds = array<i64: 1, 128>}, {pipeline_mode = #tpu.pipeline_mode<synchronous>, transform_indices = @transform_12, window_bounds = array<i64: 64, 128>}, {pipeline_mode = #tpu.pipeline_mode<synchronous>, transform_indices = @transform_13, window_bounds = array<i64: 1, 128>}, {pipeline_mode = #tpu.pipeline_mode<synchronous>, transform_indices = @transform_14, window_bounds = array<i64: 128, 32>}, {pipeline_mode = #tpu.pipeline_mode<synchronous>, transform_indices = @transform_15, window_bounds = array<i64: 1, 32>}, {pipeline_mode = #tpu.pipeline_mode<synchronous>, transform_indices = @transform_16, window_bounds = array<i64: 128, 128>}, {pipeline_mode = #tpu.pipeline_mode<synchronous>, transform_indices = @transform_17, window_bounds = array<i64: 1, 128>}, {pipeline_mode = #tpu.pipeline_mode<synchronous>, transform_indices = @transform_18, window_bounds = array<i64: 256, 1>}, {pipeline_mode = #tpu.pipeline_mode<synchronous>, transform_indices = @transform_19, window_bounds = array<i64: 1, 1>}, {pipeline_mode = #tpu.pipeline_mode<synchronous>, transform_indices = @transform_20, window_bounds = array<i64: 64, 1>}, {pipeline_mode = #tpu.pipeline_mode<synchronous>, transform_indices = @transform_21, window_bounds = array<i64: 128, 128>}, {pipeline_mode = #tpu.pipeline_mode<synchronous>, transform_indices = @transform_22, window_bounds = array<i64: 1, 128>}, {transform_indices = @transform_23, window_bounds = array<i64: 200, 128>}, {transform_indices = @transform_24, window_bounds = array<i64: 200, 64>}, {pipeline_mode = #tpu.pipeline_mode<synchronous>, transform_indices = @transform_25, window_bounds = array<i64: 1, 1>}]} {
    %get3A = arith.constant 0 : index
    %get3A_0 = arith.constant 0 : index
    %get3A_1 = vector.load %arg9[%get3A, %get3A_0] : memref<128x64xf32, #tpu.memory_space<vmem>>, vector<128x64xf32>
    %get3A_2 = arith.constant 0 : index
    %get3A_3 = arith.constant 0 : index
    %get3A_4 = vector.load %arg10[%get3A_2, %get3A_3] : memref<1x64xf32, #tpu.memory_space<vmem>>, vector<1x64xf32>
    %get3A_5 = arith.constant 0 : index
    %get3A_6 = arith.constant 0 : index
    %get3A_7 = vector.load %arg21[%get3A_5, %get3A_6] : memref<64x1xf32, #tpu.memory_space<vmem>>, vector<64x1xf32>
    %dot_general3A = arith.constant dense<0.000000e+00> : vector<128x1xf32>
    %dot_general3A_8 = tpu.matmul %get3A_1, %get3A_7, %dot_general3A {dimension_numbers = #tpu.dot_dimension_numbers<[1], [0], [0], [1], [0, 0, 1, 1], [], []>, transpose_lhs_hint = false} : vector<128x64xf32>, vector<64x1xf32>, vector<128x1xf32> -> vector<128x1xf32>
    %get3A_9 = arith.constant 0 : index
    %get3A_10 = arith.constant 0 : index
    %get3A_11 = vector.load %arg1[%get3A_9, %get3A_10] : memref<3200x128xf32, #tpu.memory_space<vmem>>, vector<3200x128xf32>
    %get3A_12 = arith.constant 0 : index
    %get3A_13 = arith.constant 0 : index
    %get3A_14 = vector.load %arg2[%get3A_12, %get3A_13] : memref<3200x128xf32, #tpu.memory_space<vmem>>, vector<3200x128xf32>
    %get3A_15 = arith.constant 0 : index
    %get3A_16 = arith.constant 0 : index
    %get3A_17 = vector.load %arg3[%get3A_15, %get3A_16] : memref<3200x128xf32, #tpu.memory_space<vmem>>, vector<3200x128xf32>
    %get3A_18 = arith.constant 0 : index
    %get3A_19 = arith.constant 0 : index
    %get3A_20 = vector.load %arg4[%get3A_18, %get3A_19] : memref<3200x128xf32, #tpu.memory_space<vmem>>, vector<3200x128xf32>
    %dot_general3A_21 = arith.constant dense<0.000000e+00> : vector<3200x1xf32>
    %dot_general3A_22 = tpu.matmul %get3A_11, %dot_general3A_8, %dot_general3A_21 {dimension_numbers = #tpu.dot_dimension_numbers<[1], [0], [0], [1], [0, 0, 1, 1], [], []>, transpose_lhs_hint = false} : vector<3200x128xf32>, vector<128x1xf32>, vector<3200x1xf32> -> vector<3200x1xf32>
    %dot_general3A_23 = arith.constant dense<0.000000e+00> : vector<3200x1xf32>
    %dot_general3A_24 = tpu.matmul %get3A_14, %dot_general3A_8, %dot_general3A_23 {dimension_numbers = #tpu.dot_dimension_numbers<[1], [0], [0], [1], [0, 0, 1, 1], [], []>, transpose_lhs_hint = false} : vector<3200x128xf32>, vector<128x1xf32>, vector<3200x1xf32> -> vector<3200x1xf32>
    %dot_general3A_25 = arith.constant dense<0.000000e+00> : vector<3200x1xf32>
    %dot_general3A_26 = tpu.matmul %get3A_17, %dot_general3A_8, %dot_general3A_25 {dimension_numbers = #tpu.dot_dimension_numbers<[1], [0], [0], [1], [0, 0, 1, 1], [], []>, transpose_lhs_hint = false} : vector<3200x128xf32>, vector<128x1xf32>, vector<3200x1xf32> -> vector<3200x1xf32>
    %dot_general3A_27 = arith.constant dense<0.000000e+00> : vector<3200x1xf32>
    %dot_general3A_28 = tpu.matmul %get3A_20, %dot_general3A_8, %dot_general3A_27 {dimension_numbers = #tpu.dot_dimension_numbers<[1], [0], [0], [1], [0, 0, 1, 1], [], []>, transpose_lhs_hint = false} : vector<3200x128xf32>, vector<128x1xf32>, vector<3200x1xf32> -> vector<3200x1xf32>
    %concatenate3A = tpu.concatenate %dot_general3A_22, %dot_general3A_24, %dot_general3A_26, %dot_general3A_28 in 1 : vector<3200x1xf32>, vector<3200x1xf32>, vector<3200x1xf32>, vector<3200x1xf32> -> vector<3200x4xf32>
    %reduce_max3A = arith.constant dense<0xFF800000> : vector<3200xf32>
    %reduce_max3A_29 = vector.multi_reduction <maximumf>, %concatenate3A, %reduce_max3A [1] : vector<3200x4xf32> to vector<3200xf32>
    %broadcast_in_dim3A = vector.shape_cast %reduce_max3A_29 : vector<3200xf32> to vector<3200x1xf32>
    %sub3A = vector.broadcast %broadcast_in_dim3A : vector<3200x1xf32> to vector<3200x4xf32>
    %sub3A_30 = arith.subf %concatenate3A, %sub3A : vector<3200x4xf32>
    %exp3A = math.exp %sub3A_30 : vector<3200x4xf32>
    %reduce_sum3A = arith.constant dense<0.000000e+00> : vector<3200xf32>
    %reduce_sum3A_31 = vector.multi_reduction <add>, %exp3A, %reduce_sum3A [1] : vector<3200x4xf32> to vector<3200xf32>
    %broadcast_in_dim3A_32 = vector.shape_cast %reduce_sum3A_31 : vector<3200xf32> to vector<3200x1xf32>
    %div3A = vector.broadcast %broadcast_in_dim3A_32 : vector<3200x1xf32> to vector<3200x4xf32>
    %div3A_33 = arith.divf %exp3A, %div3A : vector<3200x4xf32>
    %get3A_34 = arith.constant 0 : index
    %get3A_35 = arith.constant 0 : index
    %get3A_36 = vector.load %arg7[%get3A_34, %get3A_35] : memref<3200x4xf32, #tpu.memory_space<vmem>>, vector<3200x4xf32>
    %mul3A = arith.mulf %div3A_33, %get3A_36 : vector<3200x4xf32>
    %slice3A = vector.extract_strided_slice %mul3A {offsets = [0, 0], sizes = [3200, 1], strides = [1, 1]} : vector<3200x4xf32> to vector<3200x1xf32>
    %mul3A_37 = vector.broadcast %slice3A : vector<3200x1xf32> to vector<3200x128xf32>
    %mul3A_38 = arith.mulf %get3A_11, %mul3A_37 : vector<3200x128xf32>
    %slice3A_39 = vector.extract_strided_slice %mul3A {offsets = [0, 1], sizes = [3200, 1], strides = [1, 1]} : vector<3200x4xf32> to vector<3200x1xf32>
    %mul3A_40 = vector.broadcast %slice3A_39 : vector<3200x1xf32> to vector<3200x128xf32>
    %mul3A_41 = arith.mulf %get3A_14, %mul3A_40 : vector<3200x128xf32>
    %add3A = arith.addf %mul3A_38, %mul3A_41 : vector<3200x128xf32>
    %slice3A_42 = vector.extract_strided_slice %mul3A {offsets = [0, 2], sizes = [3200, 1], strides = [1, 1]} : vector<3200x4xf32> to vector<3200x1xf32>
    %mul3A_43 = vector.broadcast %slice3A_42 : vector<3200x1xf32> to vector<3200x128xf32>
    %mul3A_44 = arith.mulf %get3A_17, %mul3A_43 : vector<3200x128xf32>
    %add3A_45 = arith.addf %add3A, %mul3A_44 : vector<3200x128xf32>
    %slice3A_46 = vector.extract_strided_slice %mul3A {offsets = [0, 3], sizes = [3200, 1], strides = [1, 1]} : vector<3200x4xf32> to vector<3200x1xf32>
    %mul3A_47 = vector.broadcast %slice3A_46 : vector<3200x1xf32> to vector<3200x128xf32>
    %mul3A_48 = arith.mulf %get3A_20, %mul3A_47 : vector<3200x128xf32>
    %add3A_49 = arith.addf %add3A_45, %mul3A_48 : vector<3200x128xf32>
    %reduce_sum3A_50 = arith.constant dense<0.000000e+00> : vector<3200xf32>
    %reduce_sum3A_51 = vector.multi_reduction <add>, %mul3A, %reduce_sum3A_50 [1] : vector<3200x4xf32> to vector<3200xf32>
    %broadcast_in_dim3A_52 = vector.shape_cast %reduce_sum3A_51 : vector<3200xf32> to vector<3200x1xf32>
    %dot_general3A_53 = arith.constant dense<0.000000e+00> : vector<3200x64xf32>
    %dot_general3A_54 = tpu.matmul %add3A_49, %get3A_1, %dot_general3A_53 {dimension_numbers = #tpu.dot_dimension_numbers<[1], [0], [0], [1], [0, 0, 1, 1], [], []>, transpose_lhs_hint = false} : vector<3200x128xf32>, vector<128x64xf32>, vector<3200x64xf32> -> vector<3200x64xf32>
    %mul3A_55 = vector.broadcast %get3A_4 : vector<1x64xf32> to vector<3200x64xf32>
    %mul3A_56 = vector.broadcast %broadcast_in_dim3A_52 : vector<3200x1xf32> to vector<3200x64xf32>
    %mul3A_57 = arith.mulf %mul3A_55, %mul3A_56 : vector<3200x64xf32>
    %add3A_58 = arith.addf %dot_general3A_54, %mul3A_57 : vector<3200x64xf32>
    %reduce_sum3A_59 = arith.constant dense<0.000000e+00> : vector<3200xf32>
    %reduce_sum3A_60 = vector.multi_reduction <add>, %get3A_36, %reduce_sum3A_59 [1] : vector<3200x4xf32> to vector<3200xf32>
    %broadcast_in_dim3A_61 = vector.shape_cast %reduce_sum3A_60 : vector<3200xf32> to vector<3200x1xf32>
    %add3A_62 = arith.constant 1.000000e-10 : f32
    %add3A_63 = vector.broadcast %add3A_62 : f32 to vector<3200x1xf32>
    %add3A_64 = arith.addf %broadcast_in_dim3A_61, %add3A_63 : vector<3200x1xf32>
    %div3A_65 = vector.broadcast %add3A_64 : vector<3200x1xf32> to vector<3200x64xf32>
    %div3A_66 = arith.divf %add3A_58, %div3A_65 : vector<3200x64xf32>
    %get3A_67 = arith.constant 0 : index
    %get3A_68 = arith.constant 0 : index
    %get3A_69 = vector.load %arg11[%get3A_67, %get3A_68] : memref<64x128xf32, #tpu.memory_space<vmem>>, vector<64x128xf32>
    %dot_general3A_70 = arith.constant dense<0.000000e+00> : vector<3200x128xf32>
    %dot_general3A_71 = tpu.matmul %div3A_66, %get3A_69, %dot_general3A_70 {dimension_numbers = #tpu.dot_dimension_numbers<[1], [0], [0], [1], [0, 0, 1, 1], [], []>, transpose_lhs_hint = false} : vector<3200x64xf32>, vector<64x128xf32>, vector<3200x128xf32> -> vector<3200x128xf32>
    %get3A_72 = arith.constant 0 : index
    %get3A_73 = arith.constant 0 : index
    %get3A_74 = vector.load %arg12[%get3A_72, %get3A_73] : memref<1x128xf32, #tpu.memory_space<vmem>>, vector<1x128xf32>
    %add3A_75 = vector.broadcast %get3A_74 : vector<1x128xf32> to vector<3200x128xf32>
    %add3A_76 = arith.addf %dot_general3A_71, %add3A_75 : vector<3200x128xf32>
    %ge3A = arith.constant 0.000000e+00 : f32
    %ge3A_77 = vector.broadcast %ge3A : f32 to vector<3200x128xf32>
    %ge3A_78 = arith.cmpf oge, %add3A_76, %ge3A_77 : vector<3200x128xf32>
    %mul3A_79 = arith.constant 0.00999999977 : f32
    %mul3A_80 = vector.broadcast %mul3A_79 : f32 to vector<3200x128xf32>
    %mul3A_81 = arith.mulf %mul3A_80, %add3A_76 : vector<3200x128xf32>
    %select_n3A = arith.select %ge3A_78, %add3A_76, %mul3A_81 : vector<3200x128xi1>, vector<3200x128xf32>
    %get3A_82 = arith.constant 0 : index
    %get3A_83 = arith.constant 0 : index
    %get3A_84 = vector.load %arg13[%get3A_82, %get3A_83] : memref<64x128xf32, #tpu.memory_space<vmem>>, vector<64x128xf32>
    %dot_general3A_85 = arith.constant dense<0.000000e+00> : vector<3200x128xf32>
    %dot_general3A_86 = tpu.matmul %div3A_66, %get3A_84, %dot_general3A_85 {dimension_numbers = #tpu.dot_dimension_numbers<[1], [0], [0], [1], [0, 0, 1, 1], [], []>, transpose_lhs_hint = false} : vector<3200x64xf32>, vector<64x128xf32>, vector<3200x128xf32> -> vector<3200x128xf32>
    %get3A_87 = arith.constant 0 : index
    %get3A_88 = arith.constant 0 : index
    %get3A_89 = vector.load %arg14[%get3A_87, %get3A_88] : memref<1x128xf32, #tpu.memory_space<vmem>>, vector<1x128xf32>
    %add3A_90 = vector.broadcast %get3A_89 : vector<1x128xf32> to vector<3200x128xf32>
    %add3A_91 = arith.addf %dot_general3A_86, %add3A_90 : vector<3200x128xf32>
    %ge3A_92 = arith.constant 0.000000e+00 : f32
    %ge3A_93 = vector.broadcast %ge3A_92 : f32 to vector<3200x128xf32>
    %ge3A_94 = arith.cmpf oge, %add3A_91, %ge3A_93 : vector<3200x128xf32>
    %mul3A_95 = arith.constant 0.00999999977 : f32
    %mul3A_96 = vector.broadcast %mul3A_95 : f32 to vector<3200x128xf32>
    %mul3A_97 = arith.mulf %mul3A_96, %add3A_91 : vector<3200x128xf32>
    %select_n3A_98 = arith.select %ge3A_94, %add3A_91, %mul3A_97 : vector<3200x128xi1>, vector<3200x128xf32>
    %get3A_99 = arith.constant 0 : index
    %get3A_100 = arith.constant 0 : index
    %get3A_101 = vector.load %arg5[%get3A_99, %get3A_100] : memref<3200x128xf32, #tpu.memory_space<vmem>>, vector<3200x128xf32>
    %add3A_102 = arith.constant 1.000000e+00 : f32
    %add3A_103 = vector.broadcast %add3A_102 : f32 to vector<3200x128xf32>
    %add3A_104 = arith.addf %select_n3A, %add3A_103 : vector<3200x128xf32>
    %mul3A_105 = arith.mulf %add3A_104, %get3A_101 : vector<3200x128xf32>
    %add3A_106 = arith.addf %mul3A_105, %select_n3A_98 : vector<3200x128xf32>
    %iota3A = tpu.iota {dimensions = array<i32: 1>} : vector<200x3200xi32>
    %jit3A = arith.constant 16 : i32
    %div3A_107 = vector.broadcast %jit3A : i32 to vector<200x3200xi32>
    %div3A_108 = arith.divsi %iota3A, %div3A_107 : vector<200x3200xi32>
    %sign3A = arith.constant 0 : i32
    %sign3A_109 = vector.broadcast %sign3A : i32 to vector<200x3200xi32>
    %sign3A_110 = arith.cmpi sgt, %iota3A, %sign3A_109 : vector<200x3200xi32>
    %sign3A_111 = arith.extui %sign3A_110 : vector<200x3200xi1> to vector<200x3200xi32>
    %sign3A_112 = arith.constant 0 : i32
    %sign3A_113 = vector.broadcast %sign3A_112 : i32 to vector<200x3200xi32>
    %sign3A_114 = arith.cmpi slt, %iota3A, %sign3A_113 : vector<200x3200xi32>
    %sign3A_115 = arith.extui %sign3A_114 : vector<200x3200xi1> to vector<200x3200xi32>
    %sign3A_116 = arith.subi %sign3A_111, %sign3A_115 : vector<200x3200xi32>
    %sign3A_117 = arith.constant 0 : i32
    %sign3A_118 = arith.cmpi sgt, %jit3A, %sign3A_117 : i32
    %sign3A_119 = arith.extui %sign3A_118 : i1 to i32
    %sign3A_120 = arith.constant 0 : i32
    %sign3A_121 = arith.cmpi slt, %jit3A, %sign3A_120 : i32
    %sign3A_122 = arith.extui %sign3A_121 : i1 to i32
    %sign3A_123 = arith.subi %sign3A_119, %sign3A_122 : i32
    %ne3A = vector.broadcast %sign3A_123 : i32 to vector<200x3200xi32>
    %ne3A_124 = arith.cmpi ne, %sign3A_116, %ne3A : vector<200x3200xi32>
    %rem3A = vector.broadcast %jit3A : i32 to vector<200x3200xi32>
    %rem3A_125 = arith.remsi %iota3A, %rem3A : vector<200x3200xi32>
    %ne3A_126 = arith.constant 0 : i32
    %ne3A_127 = vector.broadcast %ne3A_126 : i32 to vector<200x3200xi32>
    %ne3A_128 = arith.cmpi ne, %rem3A_125, %ne3A_127 : vector<200x3200xi32>
    %and3A = arith.andi %ne3A_124, %ne3A_128 : vector<200x3200xi1>
    %sub3A_129 = arith.constant 1 : i32
    %sub3A_130 = vector.broadcast %sub3A_129 : i32 to vector<200x3200xi32>
    %sub3A_131 = arith.subi %div3A_108, %sub3A_130 : vector<200x3200xi32>
    %select_n3A_132 = arith.select %and3A, %sub3A_131, %div3A_108 : vector<200x3200xi1>, vector<200x3200xi32>
    %iota3A_133 = tpu.iota {dimensions = array<i32: 0>} : vector<200x3200xi32>
    %eq3A = arith.cmpi eq, %select_n3A_132, %iota3A_133 : vector<200x3200xi32>
    %convert_element_type3A = arith.extui %eq3A : vector<200x3200xi1> to vector<200x3200xi32>
    %convert_element_type3A_134 = arith.sitofp %convert_element_type3A : vector<200x3200xi32> to vector<200x3200xf32>
    %iota3A_135 = tpu.iota {dimensions = array<i32: 0>} : vector<3200x200xi32>
    %jit3A_136 = arith.constant 16 : i32
    %div3A_137 = vector.broadcast %jit3A_136 : i32 to vector<3200x200xi32>
    %div3A_138 = arith.divsi %iota3A_135, %div3A_137 : vector<3200x200xi32>
    %sign3A_139 = arith.constant 0 : i32
    %sign3A_140 = vector.broadcast %sign3A_139 : i32 to vector<3200x200xi32>
    %sign3A_141 = arith.cmpi sgt, %iota3A_135, %sign3A_140 : vector<3200x200xi32>
    %sign3A_142 = arith.extui %sign3A_141 : vector<3200x200xi1> to vector<3200x200xi32>
    %sign3A_143 = arith.constant 0 : i32
    %sign3A_144 = vector.broadcast %sign3A_143 : i32 to vector<3200x200xi32>
    %sign3A_145 = arith.cmpi slt, %iota3A_135, %sign3A_144 : vector<3200x200xi32>
    %sign3A_146 = arith.extui %sign3A_145 : vector<3200x200xi1> to vector<3200x200xi32>
    %sign3A_147 = arith.subi %sign3A_142, %sign3A_146 : vector<3200x200xi32>
    %sign3A_148 = arith.constant 0 : i32
    %sign3A_149 = arith.cmpi sgt, %jit3A_136, %sign3A_148 : i32
    %sign3A_150 = arith.extui %sign3A_149 : i1 to i32
    %sign3A_151 = arith.constant 0 : i32
    %sign3A_152 = arith.cmpi slt, %jit3A_136, %sign3A_151 : i32
    %sign3A_153 = arith.extui %sign3A_152 : i1 to i32
    %sign3A_154 = arith.subi %sign3A_150, %sign3A_153 : i32
    %ne3A_155 = vector.broadcast %sign3A_154 : i32 to vector<3200x200xi32>
    %ne3A_156 = arith.cmpi ne, %sign3A_147, %ne3A_155 : vector<3200x200xi32>
    %rem3A_157 = vector.broadcast %jit3A_136 : i32 to vector<3200x200xi32>
    %rem3A_158 = arith.remsi %iota3A_135, %rem3A_157 : vector<3200x200xi32>
    %ne3A_159 = arith.constant 0 : i32
    %ne3A_160 = vector.broadcast %ne3A_159 : i32 to vector<3200x200xi32>
    %ne3A_161 = arith.cmpi ne, %rem3A_158, %ne3A_160 : vector<3200x200xi32>
    %and3A_162 = arith.andi %ne3A_156, %ne3A_161 : vector<3200x200xi1>
    %sub3A_163 = arith.constant 1 : i32
    %sub3A_164 = vector.broadcast %sub3A_163 : i32 to vector<3200x200xi32>
    %sub3A_165 = arith.subi %div3A_138, %sub3A_164 : vector<3200x200xi32>
    %select_n3A_166 = arith.select %and3A_162, %sub3A_165, %div3A_138 : vector<3200x200xi1>, vector<3200x200xi32>
    %iota3A_167 = tpu.iota {dimensions = array<i32: 1>} : vector<3200x200xi32>
    %eq3A_168 = arith.cmpi eq, %select_n3A_166, %iota3A_167 : vector<3200x200xi32>
    %convert_element_type3A_169 = arith.extui %eq3A_168 : vector<3200x200xi1> to vector<3200x200xi32>
    %convert_element_type3A_170 = arith.sitofp %convert_element_type3A_169 : vector<3200x200xi32> to vector<3200x200xf32>
    %iota3A_171 = tpu.iota {dimensions = array<i32: 0>} : vector<3200x16xi32>
    %jit3A_172 = arith.constant 16 : i32
    %eq3A_173 = arith.constant 0 : i32
    %eq3A_174 = arith.cmpi eq, %jit3A_172, %eq3A_173 : i32
    %jit3A_175 = arith.constant 1 : i32
    %select_n3A_176 = arith.select %eq3A_174, %jit3A_175, %jit3A_172 : i32
    %rem3A_177 = vector.broadcast %select_n3A_176 : i32 to vector<3200x16xi32>
    %rem3A_178 = arith.remsi %iota3A_171, %rem3A_177 : vector<3200x16xi32>
    %ne3A_179 = arith.constant 0 : i32
    %ne3A_180 = vector.broadcast %ne3A_179 : i32 to vector<3200x16xi32>
    %ne3A_181 = arith.cmpi ne, %rem3A_178, %ne3A_180 : vector<3200x16xi32>
    %lt3A = arith.constant 0 : i32
    %lt3A_182 = vector.broadcast %lt3A : i32 to vector<3200x16xi32>
    %lt3A_183 = arith.cmpi slt, %rem3A_178, %lt3A_182 : vector<3200x16xi32>
    %lt3A_184 = arith.constant 0 : i32
    %lt3A_185 = arith.cmpi slt, %select_n3A_176, %lt3A_184 : i32
    %ne3A_186 = vector.broadcast %lt3A_185 : i1 to vector<3200x16xi1>
    %ne3A_187 = vector.broadcast %ne3A_186 : vector<3200x16xi1> to vector<3200x16xi1>
    %ne3A_188 = arith.xori %lt3A_183, %ne3A_187 : vector<3200x16xi1>
    %and3A_189 = arith.andi %ne3A_188, %ne3A_181 : vector<3200x16xi1>
    %add3A_190 = vector.broadcast %select_n3A_176 : i32 to vector<3200x16xi32>
    %add3A_191 = arith.addi %rem3A_178, %add3A_190 : vector<3200x16xi32>
    %select_n3A_192 = arith.select %and3A_189, %add3A_191, %rem3A_178 : vector<3200x16xi1>, vector<3200x16xi32>
    %iota3A_193 = tpu.iota {dimensions = array<i32: 1>} : vector<3200x16xi32>
    %eq3A_194 = arith.cmpi eq, %select_n3A_192, %iota3A_193 : vector<3200x16xi32>
    %convert_element_type3A_195 = arith.extui %eq3A_194 : vector<3200x16xi1> to vector<3200x16xi32>
    %convert_element_type3A_196 = arith.sitofp %convert_element_type3A_195 : vector<3200x16xi32> to vector<3200x16xf32>
    %iota3A_197 = tpu.iota {dimensions = array<i32: 1>} : vector<16x3200xi32>
    %jit3A_198 = arith.constant 16 : i32
    %eq3A_199 = arith.constant 0 : i32
    %eq3A_200 = arith.cmpi eq, %jit3A_198, %eq3A_199 : i32
    %jit3A_201 = arith.constant 1 : i32
    %select_n3A_202 = arith.select %eq3A_200, %jit3A_201, %jit3A_198 : i32
    %rem3A_203 = vector.broadcast %select_n3A_202 : i32 to vector<16x3200xi32>
    %rem3A_204 = arith.remsi %iota3A_197, %rem3A_203 : vector<16x3200xi32>
    %ne3A_205 = arith.constant 0 : i32
    %ne3A_206 = vector.broadcast %ne3A_205 : i32 to vector<16x3200xi32>
    %ne3A_207 = arith.cmpi ne, %rem3A_204, %ne3A_206 : vector<16x3200xi32>
    %lt3A_208 = arith.constant 0 : i32
    %lt3A_209 = vector.broadcast %lt3A_208 : i32 to vector<16x3200xi32>
    %lt3A_210 = arith.cmpi slt, %rem3A_204, %lt3A_209 : vector<16x3200xi32>
    %lt3A_211 = arith.constant 0 : i32
    %lt3A_212 = arith.cmpi slt, %select_n3A_202, %lt3A_211 : i32
    %ne3A_213 = vector.broadcast %lt3A_212 : i1 to vector<16x3200xi1>
    %ne3A_214 = vector.broadcast %ne3A_213 : vector<16x3200xi1> to vector<16x3200xi1>
    %ne3A_215 = arith.xori %lt3A_210, %ne3A_214 : vector<16x3200xi1>
    %and3A_216 = arith.andi %ne3A_215, %ne3A_207 : vector<16x3200xi1>
    %add3A_217 = vector.broadcast %select_n3A_202 : i32 to vector<16x3200xi32>
    %add3A_218 = arith.addi %rem3A_204, %add3A_217 : vector<16x3200xi32>
    %select_n3A_219 = arith.select %and3A_216, %add3A_218, %rem3A_204 : vector<16x3200xi1>, vector<16x3200xi32>
    %iota3A_220 = tpu.iota {dimensions = array<i32: 0>} : vector<16x3200xi32>
    %eq3A_221 = arith.cmpi eq, %select_n3A_219, %iota3A_220 : vector<16x3200xi32>
    %convert_element_type3A_222 = arith.extui %eq3A_221 : vector<16x3200xi1> to vector<16x3200xi32>
    %convert_element_type3A_223 = arith.sitofp %convert_element_type3A_222 : vector<16x3200xi32> to vector<16x3200xf32>
    %mul3A_224 = arith.mulf %select_n3A, %select_n3A : vector<3200x128xf32>
    %dot_general3A_225 = arith.constant dense<0.000000e+00> : vector<200x128xf32>
    %dot_general3A_226 = tpu.matmul %convert_element_type3A_134, %mul3A_224, %dot_general3A_225 {dimension_numbers = #tpu.dot_dimension_numbers<[1], [0], [0], [1], [0, 0, 1, 1], [], []>, transpose_lhs_hint = false} : vector<200x3200xf32>, vector<3200x128xf32>, vector<200x128xf32> -> vector<200x128xf32>
    %mul3A_227 = arith.mulf %select_n3A_98, %select_n3A_98 : vector<3200x128xf32>
    %dot_general3A_228 = arith.constant dense<0.000000e+00> : vector<200x128xf32>
    %dot_general3A_229 = tpu.matmul %convert_element_type3A_134, %mul3A_227, %dot_general3A_228 {dimension_numbers = #tpu.dot_dimension_numbers<[1], [0], [0], [1], [0, 0, 1, 1], [], []>, transpose_lhs_hint = false} : vector<200x3200xf32>, vector<3200x128xf32>, vector<200x128xf32> -> vector<200x128xf32>
    %sqrt3A = math.sqrt %dot_general3A_226 : vector<200x128xf32>
    %reduce_sum3A_230 = vector.shape_cast %sqrt3A : vector<200x128xf32> to vector<1x200x128xf32>
    %reduce_sum3A_231 = arith.constant dense<0.000000e+00> : vector<1xf32>
    %reduce_sum3A_232 = vector.multi_reduction <add>, %reduce_sum3A_230, %reduce_sum3A_231 [1, 2] : vector<1x200x128xf32> to vector<1xf32>
    %reduce_sum3A_233 = vector.shape_cast %reduce_sum3A_232 : vector<1xf32> to vector<1x1x1xf32>
    %reduce_sum3A_234 = vector.extract %reduce_sum3A_233[0, 0, 0] : f32 from vector<1x1x1xf32>
    %sqrt3A_235 = math.sqrt %dot_general3A_229 : vector<200x128xf32>
    %reduce_sum3A_236 = vector.shape_cast %sqrt3A_235 : vector<200x128xf32> to vector<1x200x128xf32>
    %reduce_sum3A_237 = arith.constant dense<0.000000e+00> : vector<1xf32>
    %reduce_sum3A_238 = vector.multi_reduction <add>, %reduce_sum3A_236, %reduce_sum3A_237 [1, 2] : vector<1x200x128xf32> to vector<1xf32>
    %reduce_sum3A_239 = vector.shape_cast %reduce_sum3A_238 : vector<1xf32> to vector<1x1x1xf32>
    %reduce_sum3A_240 = vector.extract %reduce_sum3A_239[0, 0, 0] : f32 from vector<1x1x1xf32>
    %add3A_241 = arith.addf %reduce_sum3A_234, %reduce_sum3A_240 : f32
    %get3A_242 = arith.constant 0 : index
    %get3A_243 = arith.constant 0 : index
    %get3A_244 = vector.load %arg6[%get3A_242, %get3A_243] : memref<200x128xf32, #tpu.memory_space<vmem>>, vector<200x128xf32>
    %get3A_245 = arith.constant 0 : index
    %get3A_246 = arith.constant 0 : index
    %get3A_247 = vector.load %arg16[%get3A_245, %get3A_246] : memref<1x32xf32, #tpu.memory_space<vmem>>, vector<1x32xf32>
    %get3A_248 = arith.constant 0 : index
    %get3A_249 = arith.constant 0 : index
    %get3A_250 = vector.load %arg15[%get3A_248, %get3A_249] : memref<128x32xf32, #tpu.memory_space<vmem>>, vector<128x32xf32>
    %dot_general3A_251 = arith.constant dense<0.000000e+00> : vector<200x32xf32>
    %dot_general3A_252 = tpu.matmul %get3A_244, %get3A_250, %dot_general3A_251 {dimension_numbers = #tpu.dot_dimension_numbers<[1], [0], [0], [1], [0, 0, 1, 1], [], []>, transpose_lhs_hint = false} : vector<200x128xf32>, vector<128x32xf32>, vector<200x32xf32> -> vector<200x32xf32>
    %add3A_253 = vector.broadcast %get3A_247 : vector<1x32xf32> to vector<200x32xf32>
    %add3A_254 = arith.addf %dot_general3A_252, %add3A_253 : vector<200x32xf32>
    %get3A_255 = arith.constant 0 : index
    %get3A_256 = arith.constant 0 : index
    %get3A_257 = vector.load %arg15[%get3A_255, %get3A_256] : memref<128x32xf32, #tpu.memory_space<vmem>>, vector<128x32xf32>
    %dot_general3A_258 = arith.constant dense<0.000000e+00> : vector<3200x32xf32>
    %dot_general3A_259 = tpu.matmul %add3A_106, %get3A_257, %dot_general3A_258 {dimension_numbers = #tpu.dot_dimension_numbers<[1], [0], [0], [1], [0, 0, 1, 1], [], []>, transpose_lhs_hint = false} : vector<3200x128xf32>, vector<128x32xf32>, vector<3200x32xf32> -> vector<3200x32xf32>
    %add3A_260 = vector.broadcast %get3A_247 : vector<1x32xf32> to vector<3200x32xf32>
    %add3A_261 = arith.addf %dot_general3A_259, %add3A_260 : vector<3200x32xf32>
    %dot_general3A_262 = arith.constant dense<0.000000e+00> : vector<3200x32xf32>
    %dot_general3A_263 = tpu.matmul %convert_element_type3A_170, %add3A_254, %dot_general3A_262 {dimension_numbers = #tpu.dot_dimension_numbers<[1], [0], [0], [1], [0, 0, 1, 1], [], []>, transpose_lhs_hint = false} : vector<3200x200xf32>, vector<200x32xf32>, vector<3200x32xf32> -> vector<3200x32xf32>
    %mul3A_264 = arith.mulf %dot_general3A_263, %add3A_261 : vector<3200x32xf32>
    %reduce_sum3A_265 = arith.constant dense<0.000000e+00> : vector<3200xf32>
    %reduce_sum3A_266 = vector.multi_reduction <add>, %mul3A_264, %reduce_sum3A_265 [1] : vector<3200x32xf32> to vector<3200xf32>
    %broadcast_in_dim3A_267 = vector.shape_cast %reduce_sum3A_266 : vector<3200xf32> to vector<3200x1xf32>
    %mul3A_268 = vector.broadcast %broadcast_in_dim3A_267 : vector<3200x1xf32> to vector<3200x16xf32>
    %mul3A_269 = arith.mulf %mul3A_268, %convert_element_type3A_196 : vector<3200x16xf32>
    %dot_general3A_270 = arith.constant dense<0.000000e+00> : vector<200x16xf32>
    %dot_general3A_271 = tpu.matmul %convert_element_type3A_134, %mul3A_269, %dot_general3A_270 {dimension_numbers = #tpu.dot_dimension_numbers<[1], [0], [0], [1], [0, 0, 1, 1], [], []>, transpose_lhs_hint = false} : vector<200x3200xf32>, vector<3200x16xf32>, vector<200x16xf32> -> vector<200x16xf32>
    %reduce_max3A_272 = arith.constant dense<0xFF800000> : vector<200xf32>
    %reduce_max3A_273 = vector.multi_reduction <maximumf>, %dot_general3A_271, %reduce_max3A_272 [1] : vector<200x16xf32> to vector<200xf32>
    %broadcast_in_dim3A_274 = vector.shape_cast %reduce_max3A_273 : vector<200xf32> to vector<200x1xf32>
    %sub3A_275 = vector.broadcast %broadcast_in_dim3A_274 : vector<200x1xf32> to vector<200x16xf32>
    %sub3A_276 = arith.subf %dot_general3A_271, %sub3A_275 : vector<200x16xf32>
    %exp3A_277 = math.exp %sub3A_276 : vector<200x16xf32>
    %reduce_sum3A_278 = arith.constant dense<0.000000e+00> : vector<200xf32>
    %reduce_sum3A_279 = vector.multi_reduction <add>, %exp3A_277, %reduce_sum3A_278 [1] : vector<200x16xf32> to vector<200xf32>
    %broadcast_in_dim3A_280 = vector.shape_cast %reduce_sum3A_279 : vector<200xf32> to vector<200x1xf32>
    %div3A_281 = vector.broadcast %broadcast_in_dim3A_280 : vector<200x1xf32> to vector<200x16xf32>
    %div3A_282 = arith.divf %exp3A_277, %div3A_281 : vector<200x16xf32>
    %get3A_283 = arith.constant 0 : index
    %get3A_284 = arith.constant 0 : index
    %get3A_285 = vector.load %arg8[%get3A_283, %get3A_284] : memref<200x16xf32, #tpu.memory_space<vmem>>, vector<200x16xf32>
    %mul3A_286 = arith.constant -9.99999974E-6 : f32
    %mul3A_287 = vector.broadcast %mul3A_286 : f32 to vector<200x16xf32>
    %mul3A_288 = arith.mulf %mul3A_287, %get3A_285 : vector<200x16xf32>
    %exp3A_289 = math.exp %mul3A_288 : vector<200x16xf32>
    %dot_general3A_290 = arith.constant dense<0.000000e+00> : vector<200x3200xf32>
    %dot_general3A_291 = tpu.matmul %div3A_282, %convert_element_type3A_223, %dot_general3A_290 {dimension_numbers = #tpu.dot_dimension_numbers<[1], [0], [0], [1], [0, 0, 1, 1], [], []>, transpose_lhs_hint = false} : vector<200x16xf32>, vector<16x3200xf32>, vector<200x3200xf32> -> vector<200x3200xf32>
    %mul3A_292 = arith.mulf %dot_general3A_291, %convert_element_type3A_134 : vector<200x3200xf32>
    %dot_general3A_293 = arith.constant dense<0.000000e+00> : vector<200x3200xf32>
    %dot_general3A_294 = tpu.matmul %exp3A_289, %convert_element_type3A_223, %dot_general3A_293 {dimension_numbers = #tpu.dot_dimension_numbers<[1], [0], [0], [1], [0, 0, 1, 1], [], []>, transpose_lhs_hint = false} : vector<200x16xf32>, vector<16x3200xf32>, vector<200x3200xf32> -> vector<200x3200xf32>
    %mul3A_295 = arith.mulf %dot_general3A_294, %convert_element_type3A_134 : vector<200x3200xf32>
    %dot_general3A_296 = arith.constant dense<0.000000e+00> : vector<200x128xf32>
    %dot_general3A_297 = tpu.matmul %mul3A_292, %add3A_106, %dot_general3A_296 {dimension_numbers = #tpu.dot_dimension_numbers<[1], [0], [0], [1], [0, 0, 1, 1], [], []>, transpose_lhs_hint = false} : vector<200x3200xf32>, vector<3200x128xf32>, vector<200x128xf32> -> vector<200x128xf32>
    %dot_general3A_298 = arith.constant dense<0.000000e+00> : vector<200x128xf32>
    %dot_general3A_299 = tpu.matmul %mul3A_295, %add3A_106, %dot_general3A_298 {dimension_numbers = #tpu.dot_dimension_numbers<[1], [0], [0], [1], [0, 0, 1, 1], [], []>, transpose_lhs_hint = false} : vector<200x3200xf32>, vector<3200x128xf32>, vector<200x128xf32> -> vector<200x128xf32>
    %get3A_300 = arith.constant 0 : index
    %get3A_301 = arith.constant 0 : index
    %get3A_302 = vector.load %arg17[%get3A_300, %get3A_301] : memref<128x128xf32, #tpu.memory_space<vmem>>, vector<128x128xf32>
    %dot_general3A_303 = arith.constant dense<0.000000e+00> : vector<200x128xf32>
    %dot_general3A_304 = tpu.matmul %dot_general3A_297, %get3A_302, %dot_general3A_303 {dimension_numbers = #tpu.dot_dimension_numbers<[1], [0], [0], [1], [0, 0, 1, 1], [], []>, transpose_lhs_hint = false} : vector<200x128xf32>, vector<128x128xf32>, vector<200x128xf32> -> vector<200x128xf32>
    %get3A_305 = arith.constant 0 : index
    %get3A_306 = arith.constant 0 : index
    %get3A_307 = vector.load %arg18[%get3A_305, %get3A_306] : memref<1x128xf32, #tpu.memory_space<vmem>>, vector<1x128xf32>
    %add3A_308 = vector.broadcast %get3A_307 : vector<1x128xf32> to vector<200x128xf32>
    %add3A_309 = arith.addf %dot_general3A_304, %add3A_308 : vector<200x128xf32>
    %get3A_310 = arith.constant 0 : index
    %get3A_311 = arith.constant 0 : index
    %get3A_312 = vector.load %arg19[%get3A_310, %get3A_311] : memref<256x1xf32, #tpu.memory_space<vmem>>, vector<128x1xf32>
    %get3A_313 = arith.constant 128 : index
    %get3A_314 = arith.constant 0 : index
    %get3A_315 = vector.load %arg19[%get3A_313, %get3A_314] : memref<256x1xf32, #tpu.memory_space<vmem>>, vector<128x1xf32>
    %dot_general3A_316 = arith.constant dense<0.000000e+00> : vector<200x1xf32>
    %dot_general3A_317 = tpu.matmul %dot_general3A_299, %get3A_312, %dot_general3A_316 {dimension_numbers = #tpu.dot_dimension_numbers<[1], [0], [0], [1], [0, 0, 1, 1], [], []>, transpose_lhs_hint = false} : vector<200x128xf32>, vector<128x1xf32>, vector<200x1xf32> -> vector<200x1xf32>
    %dot_general3A_318 = arith.constant dense<0.000000e+00> : vector<200x1xf32>
    %dot_general3A_319 = tpu.matmul %add3A_309, %get3A_315, %dot_general3A_318 {dimension_numbers = #tpu.dot_dimension_numbers<[1], [0], [0], [1], [0, 0, 1, 1], [], []>, transpose_lhs_hint = false} : vector<200x128xf32>, vector<128x1xf32>, vector<200x1xf32> -> vector<200x1xf32>
    %add3A_320 = arith.addf %dot_general3A_317, %dot_general3A_319 : vector<200x1xf32>
    %get3A_321 = arith.constant 0 : index
    %get3A_322 = arith.constant 0 : index
    %get3A_323 = vector.load %arg20[%get3A_321, %get3A_322] : memref<1x1xf32, #tpu.memory_space<vmem>>, vector<1x1xf32>
    %add3A_324 = vector.broadcast %get3A_323 : vector<1x1xf32> to vector<200x1xf32>
    %add3A_325 = arith.addf %add3A_320, %add3A_324 : vector<200x1xf32>
    %logistic3A = arith.negf %add3A_325 : vector<200x1xf32>
    %logistic3A_326 = math.exp %logistic3A : vector<200x1xf32>
    %logistic3A_327 = arith.constant 1.000000e+00 : f32
    %logistic3A_328 = vector.broadcast %logistic3A_327 : f32 to vector<200x1xf32>
    %logistic3A_329 = arith.addf %logistic3A_328, %logistic3A_326 : vector<200x1xf32>
    %logistic3A_330 = arith.divf %logistic3A_328, %logistic3A_329 : vector<200x1xf32>
    %mul3A_331 = vector.broadcast %logistic3A_330 : vector<200x1xf32> to vector<200x128xf32>
    %mul3A_332 = arith.mulf %mul3A_331, %dot_general3A_299 : vector<200x128xf32>
    %sub3A_333 = arith.constant 1.000000e+00 : f32
    %sub3A_334 = vector.broadcast %sub3A_333 : f32 to vector<200x1xf32>
    %sub3A_335 = arith.subf %sub3A_334, %logistic3A_330 : vector<200x1xf32>
    %mul3A_336 = vector.broadcast %sub3A_335 : vector<200x1xf32> to vector<200x128xf32>
    %mul3A_337 = arith.mulf %mul3A_336, %add3A_309 : vector<200x128xf32>
    %add3A_338 = arith.addf %mul3A_332, %mul3A_337 : vector<200x128xf32>
    %add3A_339 = arith.addf %get3A_244, %add3A_338 : vector<200x128xf32>
    %get3A_340 = arith.constant 0 : index
    %get3A_341 = arith.constant 0 : index
    %get3A_342 = vector.load %arg22[%get3A_340, %get3A_341] : memref<128x128xf32, #tpu.memory_space<vmem>>, vector<128x128xf32>
    %dot_general3A_343 = arith.constant dense<0.000000e+00> : vector<200x128xf32>
    %dot_general3A_344 = tpu.matmul %add3A_339, %get3A_342, %dot_general3A_343 {dimension_numbers = #tpu.dot_dimension_numbers<[1], [0], [0], [1], [0, 0, 1, 1], [], []>, transpose_lhs_hint = false} : vector<200x128xf32>, vector<128x128xf32>, vector<200x128xf32> -> vector<200x128xf32>
    %get3A_345 = arith.constant 0 : index
    %get3A_346 = arith.constant 0 : index
    %get3A_347 = vector.load %arg23[%get3A_345, %get3A_346] : memref<1x128xf32, #tpu.memory_space<vmem>>, vector<1x128xf32>
    %add3A_348 = vector.broadcast %get3A_347 : vector<1x128xf32> to vector<200x128xf32>
    %add3A_349 = arith.addf %dot_general3A_344, %add3A_348 : vector<200x128xf32>
    %ge3A_350 = arith.constant 0.000000e+00 : f32
    %ge3A_351 = vector.broadcast %ge3A_350 : f32 to vector<200x128xf32>
    %ge3A_352 = arith.cmpf oge, %add3A_349, %ge3A_351 : vector<200x128xf32>
    %mul3A_353 = arith.constant 0.00999999977 : f32
    %mul3A_354 = vector.broadcast %mul3A_353 : f32 to vector<200x128xf32>
    %mul3A_355 = arith.mulf %mul3A_354, %add3A_349 : vector<200x128xf32>
    %select_n3A_356 = arith.select %ge3A_352, %add3A_349, %mul3A_355 : vector<200x128xi1>, vector<200x128xf32>
    %swap3A = arith.constant 0 : index
    %swap3A_357 = arith.constant 0 : index
    %swap3A_358 = vector.load %arg24[%swap3A, %swap3A_357] : memref<200x128xf32, #tpu.memory_space<vmem>>, vector<200x128xf32>
    tpu.vector_store %arg24[%swap3A, %swap3A_357], %select_n3A_356 {strides = array<i32>} : memref<200x128xf32, #tpu.memory_space<vmem>>, vector<200x128xf32>,
    %dot_general3A_359 = arith.constant dense<0.000000e+00> : vector<200x64xf32>
    %dot_general3A_360 = tpu.matmul %get3A_244, %get3A_1, %dot_general3A_359 {dimension_numbers = #tpu.dot_dimension_numbers<[1], [0], [0], [1], [0, 0, 1, 1], [], []>, transpose_lhs_hint = false} : vector<200x128xf32>, vector<128x64xf32>, vector<200x64xf32> -> vector<200x64xf32>
    %add3A_361 = vector.broadcast %get3A_4 : vector<1x64xf32> to vector<200x64xf32>
    %add3A_362 = arith.addf %dot_general3A_360, %add3A_361 : vector<200x64xf32>
    %swap3A_363 = arith.constant 0 : index
    %swap3A_364 = arith.constant 0 : index
    %swap3A_365 = vector.load %arg25[%swap3A_363, %swap3A_364] : memref<200x64xf32, #tpu.memory_space<vmem>>, vector<200x64xf32>
    tpu.vector_store %arg25[%swap3A_363, %swap3A_364], %add3A_362 {strides = array<i32>} : memref<200x64xf32, #tpu.memory_space<vmem>>, vector<200x64xf32>,
    %eq3A_366 = arith.constant 0 : i32
    %eq3A_367 = arith.cmpi eq, %arg0, %eq3A_366 : i32
    %broadcast_in_dim3A_368 = arith.constant 0.000000e+00 : f32
    %broadcast_in_dim3A_369 = vector.broadcast %broadcast_in_dim3A_368 : f32 to vector<1x1xf32>
    %get3A_370 = arith.constant 0 : index
    %get3A_371 = arith.constant 0 : index
    %get3A_372 = vector.load %arg26[%get3A_370, %get3A_371] : memref<1x1xf32, #tpu.memory_space<vmem>>, vector<1x1xf32>
    %select_n3A_373 = arith.select %eq3A_367, %broadcast_in_dim3A_369, %get3A_372 : vector<1x1xf32>
    %add3A_374 = vector.broadcast %add3A_241 : f32 to vector<1x1xf32>
    %add3A_375 = arith.addf %select_n3A_373, %add3A_374 : vector<1x1xf32>
    %eq3A_376 = arith.constant 49 : i32
    %eq3A_377 = arith.cmpi eq, %arg0, %eq3A_376 : i32
    %div3A_378 = arith.constant 1.000000e+04 : f32
    %div3A_379 = vector.broadcast %div3A_378 : f32 to vector<1x1xf32>
    %div3A_380 = arith.divf %add3A_375, %div3A_379 : vector<1x1xf32>
    %select_n3A_381 = arith.select %eq3A_377, %div3A_380, %add3A_375 : vector<1x1xf32>
    %swap3A_382 = arith.constant 0 : index
    %swap3A_383 = arith.constant 0 : index
    %swap3A_384 = vector.load %arg26[%swap3A_382, %swap3A_383] : memref<1x1xf32, #tpu.memory_space<vmem>>, vector<1x1xf32>
    tpu.vector_store %arg26[%swap3A_382, %swap3A_383], %select_n3A_381 {strides = array<i32>} : memref<1x1xf32, #tpu.memory_space<vmem>>, vector<1x1xf32>,
    return
  }
  func.func @transform_0(%arg0: i32) -> (i32, i32) {
    %c0_i32 = arith.constant 0 : i32
    %c0_i32_0 = arith.constant 0 : i32
    return %arg0, %c0_i32 : i32, i32
  }
  func.func @transform_1(%arg0: i32) -> (i32, i32) {
    %c0_i32 = arith.constant 0 : i32
    %c0_i32_0 = arith.constant 0 : i32
    return %arg0, %c0_i32 : i32, i32
  }
  func.func @transform_2(%arg0: i32) -> (i32, i32) {
    %c0_i32 = arith.constant 0 : i32
    %c0_i32_0 = arith.constant 0 : i32
    return %arg0, %c0_i32 : i32, i32
  }
  func.func @transform_3(%arg0: i32) -> (i32, i32) {
    %c0_i32 = arith.constant 0 : i32
    %c0_i32_0 = arith.constant 0 : i32
    return %arg0, %c0_i32 : i32, i32
  }
  func.func @transform_4(%arg0: i32) -> (i32, i32) {
    %c0_i32 = arith.constant 0 : i32
    %c0_i32_0 = arith.constant 0 : i32
    return %arg0, %c0_i32 : i32, i32
  }
  func.func @transform_5(%arg0: i32) -> (i32, i32) {
    %add3A = arith.constant 800 : i32
    %add3A_0 = arith.addi %add3A, %arg0 : i32
    %c0_i32 = arith.constant 0 : i32
    %c0_i32_1 = arith.constant 0 : i32
    return %add3A_0, %c0_i32 : i32, i32
  }
  func.func @transform_6(%arg0: i32) -> (i32, i32) {
    %c0_i32 = arith.constant 0 : i32
    %c0_i32_0 = arith.constant 0 : i32
    return %arg0, %c0_i32 : i32, i32
  }
  func.func @transform_7(%arg0: i32) -> (i32, i32) {
    %c0_i32 = arith.constant 0 : i32
    %c0_i32_0 = arith.constant 0 : i32
    return %arg0, %c0_i32 : i32, i32
  }
  func.func @transform_8(%arg0: i32) -> (i32, i32) {
    %c0_i32 = arith.constant 0 : i32
    %c0_i32_0 = arith.constant 0 : i32
    %c0_i32_1 = arith.constant 0 : i32
    return %c0_i32, %c0_i32_0 : i32, i32
  }
  func.func @transform_9(%arg0: i32) -> (i32, i32) {
    %c0_i32 = arith.constant 0 : i32
    %c0_i32_0 = arith.constant 0 : i32
    %c0_i32_1 = arith.constant 0 : i32
    return %c0_i32, %c0_i32_0 : i32, i32
  }
  func.func @transform_10(%arg0: i32) -> (i32, i32) {
    %c0_i32 = arith.constant 0 : i32
    %c0_i32_0 = arith.constant 0 : i32
    %c0_i32_1 = arith.constant 0 : i32
    return %c0_i32, %c0_i32_0 : i32, i32
  }
  func.func @transform_11(%arg0: i32) -> (i32, i32) {
    %c0_i32 = arith.constant 0 : i32
    %c0_i32_0 = arith.constant 0 : i32
    %c0_i32_1 = arith.constant 0 : i32
    return %c0_i32, %c0_i32_0 : i32, i32
  }
  func.func @transform_12(%arg0: i32) -> (i32, i32) {
    %c0_i32 = arith.constant 0 : i32
    %c0_i32_0 = arith.constant 0 : i32
    %c0_i32_1 = arith.constant 0 : i32
    return %c0_i32, %c0_i32_0 : i32, i32
  }
  func.func @transform_13(%arg0: i32) -> (i32, i32) {
    %c0_i32 = arith.constant 0 : i32
    %c0_i32_0 = arith.constant 0 : i32
    %c0_i32_1 = arith.constant 0 : i32
    return %c0_i32, %c0_i32_0 : i32, i32
  }
  func.func @transform_14(%arg0: i32) -> (i32, i32) {
    %c0_i32 = arith.constant 0 : i32
    %c0_i32_0 = arith.constant 0 : i32
    %c0_i32_1 = arith.constant 0 : i32
    return %c0_i32, %c0_i32_0 : i32, i32
  }
  func.func @transform_15(%arg0: i32) -> (i32, i32) {
    %c0_i32 = arith.constant 0 : i32
    %c0_i32_0 = arith.constant 0 : i32
    %c0_i32_1 = arith.constant 0 : i32
    return %c0_i32, %c0_i32_0 : i32, i32
  }
  func.func @transform_16(%arg0: i32) -> (i32, i32) {
    %c0_i32 = arith.constant 0 : i32
    %c0_i32_0 = arith.constant 0 : i32
    %c0_i32_1 = arith.constant 0 : i32
    return %c0_i32, %c0_i32_0 : i32, i32
  }
  func.func @transform_17(%arg0: i32) -> (i32, i32) {
    %c0_i32 = arith.constant 0 : i32
    %c0_i32_0 = arith.constant 0 : i32
    %c0_i32_1 = arith.constant 0 : i32
    return %c0_i32, %c0_i32_0 : i32, i32
  }
  func.func @transform_18(%arg0: i32) -> (i32, i32) {
    %c0_i32 = arith.constant 0 : i32
    %c0_i32_0 = arith.constant 0 : i32
    %c0_i32_1 = arith.constant 0 : i32
    return %c0_i32, %c0_i32_0 : i32, i32
  }
  func.func @transform_19(%arg0: i32) -> (i32, i32) {
    %c0_i32 = arith.constant 0 : i32
    %c0_i32_0 = arith.constant 0 : i32
    %c0_i32_1 = arith.constant 0 : i32
    return %c0_i32, %c0_i32_0 : i32, i32
  }
  func.func @transform_20(%arg0: i32) -> (i32, i32) {
    %c0_i32 = arith.constant 0 : i32
    %c0_i32_0 = arith.constant 0 : i32
    %c0_i32_1 = arith.constant 0 : i32
    return %c0_i32, %c0_i32_0 : i32, i32
  }
  func.func @transform_21(%arg0: i32) -> (i32, i32) {
    %c0_i32 = arith.constant 0 : i32
    %c0_i32_0 = arith.constant 0 : i32
    %c0_i32_1 = arith.constant 0 : i32
    return %c0_i32, %c0_i32_0 : i32, i32
  }
  func.func @transform_22(%arg0: i32) -> (i32, i32) {
    %c0_i32 = arith.constant 0 : i32
    %c0_i32_0 = arith.constant 0 : i32
    %c0_i32_1 = arith.constant 0 : i32
    return %c0_i32, %c0_i32_0 : i32, i32
  }
  func.func @transform_23(%arg0: i32) -> (i32, i32) {
    %c0_i32 = arith.constant 0 : i32
    %c0_i32_0 = arith.constant 0 : i32
    return %arg0, %c0_i32 : i32, i32
  }
  func.func @transform_24(%arg0: i32) -> (i32, i32) {
    %c0_i32 = arith.constant 0 : i32
    %c0_i32_0 = arith.constant 0 : i32
    return %arg0, %c0_i32 : i32, i32
  }
  func.func @transform_25(%arg0: i32) -> (i32, i32) {
    %c0_i32 = arith.constant 0 : i32
    %c0_i32_0 = arith.constant 0 : i32
    %c0_i32_1 = arith.constant 0 : i32
    return %c0_i32, %c0_i32_0 : i32, i32
  }
}

</mosaic_0001>

<sc_bundles>
// kernel: kernel.4.cloned.1.call-start
scs
__scs_entry_jumppad:
0x0: {  	(pc) =	sbr.rel $0x88, $3  }
0x1: {  	(tag) =	ssettag $0x0;
	lr =	simm.s32 $0x1  }
0x2: {  	[smem:$0x3F8D] =	sst lr;
	_ =	strace $0xD0000000  }
0x3: {  	_ = 	snop  }
0x4: {  	_ = 	snop  }
0x5: {  	_ = 	snop  }
0x6: {  	_ = 	snop  }
0x7: {  	_ = 	snop  }
__scs_overlays_trampoline_lowered:
0x8: {  	[smem:$0x3F9C] =	sst s0  }
0x9: {  	[smem:$0x3F9D] =	sst s1  }
0xa: {  	[smem:$0x3F9E] =	sst s2  }
0xb: {  	[smem:$0x3F9F] =	sst s3  }
0xc: {  	[smem:$0x3FA0] =	sst s4  }
0xd: {  	[smem:$0x3FA1] =	sst s5  }
0xe: {  	[smem:$0x3FA2] =	sst s6  }
0xf: {  	[smem:$0x3FA3] =	sst s7  }
0x10: {  	[smem:$0x3FA4] =	sst s8  }
0x11: {  	[smem:$0x3FA5] =	sst s9;
	s0 =	simm.s32 @!p0 $0x0  }
0x12: {  	s1 =	sld [smem:$0x3F8B];
	s0 =	simm.s32 @p0 $0x1  }
0x13: {  	[smem:$0x3FA6] =	sst s0;
	s0 =	simm.s32 @!p1 $0x0  }
0x14: {  	s2 =	sld [smem:$0x3F8A];
	s0 =	simm.s32 @p1 $0x1  }
0x15: {  	[smem:$0x3FA7] =	sst s0;
	s0 =	simm.s32 @!p2 $0x0  }
0x16: {  	s3 =	sld [smem:$0x3FDB];
	s0 =	simm.s32 @p2 $0x1  }
0x17: {  	s4 =	simm.s32 $0x1BF5;
	[smem:$0x3FA9] =	sst s0  }
0x18: {  	s0 =	sld [smem:$0x3F8C];
	_ =	swait.ge [sflag:s4], $0x0  }
0x19: {  	s7 =	sld [smem:$0x3F8D]  }
0x1a: {  	s8 =	sadd.s32 $0xFFFFE003, lr  }
0x1b: {  	s9 =	sadd.s32 $0xFFFFFEF7, lr;
	s5 =	simm.s32 $0xFFFFFFFF;
	p2 =	slt.u32 s8, $0xFFFFF086  }
0x1c: {  	p1 =	slt.u32 s9, $0xF7A;
	s5 =	simm.s32 @!p2 $0x0  }
0x1d: {  	s5 =	simm.s32 @p1 $0x1;
	p0 =	seq.s32 s7, s2  }
0x1e: {  	s7 =	smul.u32 @!p0 $0xF7A, s2;
	p2 =	seq.s32 @!p0 s5, $0x0  }
0x1f: {  	s9 =	smul.u32 $0xF7A, s1;
	s8 =	simm.s32 @!p0 $0x1BF5;
	p2 =	por !p2, p0  }
0x20: {  	[sflag:s8] =	ssyncset.s32 @!p0 $0xFFFFF086;
	s6 =	sadd.s32 @!p0 s3, s7;
	s7 =	simm.s32 @!p0 $0x108  }
0x21: {  	s3 =	sadd.s32 s3, s9;
	s6 =	sadd.s32 @!p0 $0x88, s6;
	s7 =	simm.s32 @p2 $0x1082  }
0x22: {  	[simem:s7], [sflag:s8] =	dma.local @!p0 [hbm:s6], $0xF7A  }
0x23: {  	s9 =	sor.u32 $0xD0000000, s2;
	s6 =	simm.s32 $0x108;
	_ =	swait.ge @!p0 [sflag:s8], $0x0  }
0x24: {  	s3 =	sadd.s32 $0x88, s3;
	s6 =	simm.s32 @!p1 $0x1082;
	[sflag:s4] =	ssyncset.s32 $0xFFFFF086  }
0x25: {  	[simem:s6], [sflag:s4] =	dma.local [hbm:s3], $0xF7A  }
0x26: {  	[smem:$0x3F8D] =	sst s1;
	(tag) =	ssettag s2;
	_ =	strace s9  }
0x27: {  	s1 =	sld [smem:$0x3F9D]  }
0x28: {  	s2 =	sld [smem:$0x3F9E]  }
0x29: {  	s4 =	sld [smem:$0x3FA0]  }
0x2a: {  	p0 =	seq.s32 s5, $0x0;
	s5 =	sld [smem:$0x3FA1]  }
0x2b: {  	s6 =	sld [smem:$0x3FA2]  }
0x2c: {  	s7 =	sld [smem:$0x3FA3]  }
0x2d: {  	s3 =	simm.s32 $0x108;
	s8 =	sld [smem:$0x3FA4]  }
0x2e: {  	s3 =	simm.s32 @!p0 $0x1082;
	s9 =	sld [smem:$0x3FA5]  }
0x2f: {  	lr =	sadd.s32 s0, s3;
	s0 =	sld [smem:$0x3F9C]  }
0x30: {  	s3 =	sld [smem:$0x3F9F]  }
0x31: {  	[smem:$0x3FA8] =	sst s10  }
0x32: {  	s10 =	sld [smem:$0x3FA6];
	_ =	sdelay $0x3  }
0x33: {  	p0 =	seq.s32 s10, $0x1;
	s10 =	sld [smem:$0x3FA8];
	_ =	sdelay $0x3  }
0x34: {  	[smem:$0x3FA8] =	sst s10  }
0x35: {  	s10 =	sld [smem:$0x3FA7];
	_ =	sdelay $0x3  }
0x36: {  	p1 =	seq.s32 s10, $0x1;
	s10 =	sld [smem:$0x3FA8];
	_ =	sdelay $0x3  }
0x37: {  	[smem:$0x3FA8] =	sst s10  }
0x38: {  	s10 =	sld [smem:$0x3FA9]  }
0x39: {  	_ = 	snop;
	(pc) =	sbr.ind lr, $3  }
0x3a: {  	_ = 	snop  }
0x3b: {  	_ = 	snop  }
0x3c: {  	p2 =	seq.s32 s10, $0x1;
	s10 =	sld [smem:$0x3FA8]  }
0x3d: {  	_ =	shalt  }
0x3e: {  	_ =	shalt  }
0x3f: {  	_ =	shalt  }
0x40: {  	_ =	shalt  }
0x41: {  	_ =	shalt  }
0x42: {  	_ =	shalt  }
0x43: {  	_ =	shalt  }
0x44: {  	_ =	shalt  }
0x45: {  	_ =	shalt  }
0x46: {  	_ =	shalt  }
0x47: {  	_ =	shalt  }
0x48: {  	_ =	shalt  }
0x49: {  	_ =	shalt  }
0x4a: {  	_ =	shalt  }
0x4b: {  	_ =	shalt  }
0x4c: {  	_ =	shalt  }
0x4d: {  	_ =	shalt  }
0x4e: {  	_ =	shalt  }
0x4f: {  	_ =	shalt  }
0x50: {  	_ =	shalt  }
0x51: {  	_ =	shalt  }
0x52: {  	_ =	shalt  }
0x53: {  	_ =	shalt  }
0x54: {  	_ =	shalt  }
0x55: {  	_ =	shalt  }
0x56: {  	_ =	shalt  }
0x57: {  	_ =	shalt  }
0x58: {  	_ =	shalt  }
0x59: {  	_ =	shalt  }
0x5a: {  	_ =	shalt  }
0x5b: {  	_ =	shalt  }
0x5c: {  	_ =	shalt  }
0x5d: {  	_ =	shalt  }
0x5e: {  	_ =	shalt  }
0x5f: {  	_ =	shalt  }
0x60: {  	_ =	shalt  }
0x61: {  	_ =	shalt  }
0x62: {  	_ =	shalt  }
0x63: {  	_ =	shalt  }
0x64: {  	_ =	shalt  }
0x65: {  	_ =	shalt  }
0x66: {  	_ =	shalt  }
0x67: {  	_ =	shalt  }
0x68: {  	_ =	shalt  }
0x69: {  	_ =	shalt  }
0x6a: {  	_ =	shalt  }
0x6b: {  	_ =	shalt  }
0x6c: {  	_ =	shalt  }
0x6d: {  	_ =	shalt  }
0x6e: {  	_ =	shalt  }
0x6f: {  	_ =	shalt  }
0x70: {  	_ =	shalt  }
0x71: {  	_ =	shalt  }
0x72: {  	_ =	shalt  }
0x73: {  	_ =	shalt  }
0x74: {  	_ =	shalt  }
0x75: {  	_ =	shalt  }
0x76: {  	_ =	shalt  }
0x77: {  	_ =	shalt  }
0x78: {  	_ =	shalt  }
0x79: {  	_ =	shalt  }
0x7a: {  	_ =	shalt  }
0x7b: {  	_ =	shalt  }
0x7c: {  	_ =	shalt  }
0x7d: {  	_ =	shalt  }
0x7e: {  	_ =	shalt  }
0x7f: {  	_ =	shalt  }
0x80: {  	_ =	shalt  }
0x81: {  	_ =	shalt  }
0x82: {  	_ =	shalt  }
0x83: {  	_ =	shalt  }
0x84: {  	_ =	shalt  }
0x85: {  	_ =	shalt  }
0x86: {  	_ =	shalt  }
0x87: {  	_ =	shalt  }
.Lfunc_end0:
.L_simem_size_0:
called_computation_lowered:
.L_overlay_start_0:
0x88: {  	s2 =	sld [smem:$0x3FD9]  }
0x89: {  	s3 =	sld [smem:$0x3FFE];
	_ =	sdelay $0x1  }
0x8a: {  	s1 =	srdreg.scid  }
0x8b: {  	s0 =	sand.u32 $0x1, s1  }
0x8c: {  	s14 =	sshll.u32 s0, $0xA;
	s2 =	sadd.s32 s3, s2  }
0x8d: {  	s2 =	sadd.s32 s2, s14  }
0x8e: {  	[smem:$0x3FB4] =	sst s2  }
0x8f: {  	_ = 	snop  }
0x90: {  	s2 =	sld [smem:$0x3FD0];
	_ =	sdelay $0x2  }
0x91: {  	s4 =	simm.s32 $0xA;
	s5 =	simm.s32 $0x10;
	s15 =	sld [smem:$0x3FC9]  }
0x92: {  	[smem:s5], [sflag:s4] =	dma.local [hbm:s2], $0x1  }
0x93: {  	_ =	swait.eq [sflag:s4], $0x1  }
0x94: {  	[sflag:s4] =	ssyncset.done $0x0  }
0x95: {  	s16 =	sld [smem:$0x10];
	[sflag:s4] =	ssyncadd.s32 $0xFFFFFFFF  }
0x96: {  	s17 =	sld [smem:$0x11];
	(tm) =	ssettm $0x1  }
0x97: {  	s18 =	sld [smem:$0x3FFB];
	_ =	sdelay $0x3  }
0x98: {  	_ =	strace s18  }
0x99: {  	s5 =	sld [smem:$0x3FFC];
	_ =	sdelay $0x3  }
0x9a: {  	_ =	strace s5  }
0x9b: {  	s5 =	sld [smem:$0x3FFD];
	_ =	sdelay $0x3  }
0x9c: {  	_ =	strace s5  }
0x9d: {  	_ =	strace $0x8FFFFFFF  }
0x9e: {  	s19 =	sld [smem:$0x3FDB];
	_ =	sdelay $0x1  }
0x9f: {  	s6 =	simm.s32 $_scs_section_size  }
0xa0: {  	s7 =	simm.s32 $_size__tile_overlayer_lowered;
	s8 =	simm.s32 $_tile_overlayer_lowered  }
0xa1: {  	s22 =	simm.s32 $0x1BFF;
	s21 =	sshll.u32 s8, $0x1;
	s5 =	sadd.s32 s6, s19  }
0xa2: {  	s9 =	simm.s32 $0x0;
	s20 =	sshll.u32 s7, $0x1;
	s7 =	sadd.s32 s21, s5  }
0xa3: {  	[timem:s9], [sflag:s22] =	dma.local [hbm:s7], s20  }
0xa4: {  	_ =	swait.ge [sflag:s22], s20  }
0xa5: {  	s6 =	ssub.s32 $0x0, s20;
	[sflag:s22] =	ssyncset.done $0x0  }
0xa6: {  	[sflag:s22] =	ssyncadd.s32 s6;
	_ =	sdelay $0x1  }
0xa7: {  	s23 =	simm.s32 $0x1B8B  }
0xa8: {  	_ =	swait.ge [sflag:s23], $0x1  }
0xa9: {  	[sflag:s23] =	ssyncset.done $0x0  }
0xaa: {  	s25 =	simm.s32 $0x1B8E;
	s24 =	sld [smem:$0x3FFE];
	[sflag:s23] =	ssyncadd.s32 $0xFFFFFFFF  }
0xab: {  	s26 =	simm.s32 $execute0_lowered;
	[smem:$0x3FD2] =	sst s25  }
0xac: {  	s7 =	sshll.u32 s26, $0x1;
	_ =	strace $0x80000046;
	[dreg:$0x1] =	wrdreg $0xFFFFFFFF  }
0xad: {  	s28 =	simm.s32 $_size_execute0_lowered;
	s5 =	sadd.s32 s5, s7;
	[dreg:$0x0] =	wrdreg $0x0  }
0xae: {  	s7 =	sshll.u32 s28, $0x1;
	[dreg:$0x2] =	wrdreg s5  }
0xaf: {  	[dreg:$0x3] =	wrdreg s7  }
0xb0: {  	[dreg:$0x4] =	wrdreg $0xC0  }
0xb1: {  	_ =	task [dreg:s9], $0x5FFFF  }
0xb2: {  	[dreg:$0x1] =	wrdreg $0xFFFFFFFF  }
0xb3: {  	[dreg:$0x0] =	wrdreg $0x60  }
0xb4: {  	[dreg:$0x2] =	wrdreg s15  }
0xb5: {  	[dreg:$0x3] =	wrdreg s16  }
0xb6: {  	[dreg:$0x4] =	wrdreg s24  }
0xb7: {  	[dreg:$0x5] =	wrdreg s17  }
0xb8: {  	[dreg:$0x6] =	wrdreg $0x9  }
0xb9: {  	_ =	task.clear_ibuf [dreg:s9], $0x7FFFF;
	_ =	strace $0x90000046  }
0xba: {  	s29 =	simm.s32 $0x9;
	_ =	strace $0x80000048  }
0xbb: {  	_ =	swait.ge [sflag:s29], $0x1  }
0xbc: {  	[sflag:s29] =	ssyncadd.s32 $0xFFFFFFFF  }
0xbd: {  	_ =	strace $0x90000048  }
0xbe: {  	_ =	sfence  }
0xbf: {  	s30 =	sld [smem:$0x0];
	_ =	sdelay $0x2  }
0xc0: {  	s31 =	sshll.u32 s1, $0xD;
	s1 =	sshrl.u32 s1, $0x2  }
0xc1: {  	s3 =	sand.u32 $0x4000, s31;
	s1 =	sadd.s32 s1, s30  }
0xc2: {  	s0 =	sor.u32 s3, s0;
	s1 =	sshll.u32 s1, $0x11  }
0xc3: {  	s0 =	sor.u32 s1, s0  }
0xc4: {  	s0 =	sadd.s32 $0x8F2B, s0  }
0xc5: {  	[sflag:s0] =	ssyncadd.remote.s32 $0x1  }
0xc6: {  	_ =	sfence.sel $0xFFFF  }
0xc7: {  	[dreg:$0x0] =	wrdreg $0xFFFFFFFF;
	(pc) =	sbr.abs _section_cstart, $3  }
0xc8: {  	[dreg:$0x1] =	wrdreg $0xFFFFFFFF  }
0xc9: {  	_ =	task.clear_ibuf [dreg:s9], $0x2FFFF;
	_ =	strace $0x9FFFFFFF  }
0xca: {  	(tm) =	ssettm $0x7FFFFFFF  }
0xcb: {  	_ =	shalt  }
tec
execute0_lowered:
.L_overlay_start_1:
0x0: {  	(tag) =	ssettag $0x1  }
0x1: {  	s1 =	rddreg [dreg:$0x0]  }
0x2: {  	s0 =	rddreg [dreg:$0x1]  }
0x3: {  	s2 =	srdreg.scid;
	s4 =	rddreg [dreg:$0x2]  }
0x4: {  	s10 =	stileid.u32;
	s5 =	rddreg [dreg:$0x3];
	s15 =	simm.s32 $0xB  }
0x5: {  	s29 =	simm.s32 $0x16580;
	s30 =	simm.s32 $0x1;
	s8 =	smul.u32 $0x28000, s10  }
0x6: {  	s2 =	sand.u32 $0x1, s2;
	s3 =	sshll.u32 s10, $0x1;
	s10 =	smul.u32 $0x2A300, s10  }
0x7: {  	s31 =	simm.s32 $0x2;
	s6 =	sor.u32 s2, s3;
	s20 =	smul.u32 $0x14000, s2  }
0x8: {  	s3 =	simm.s32 $0x0;
	s11 =	ssub.s32 $0x2, s2;
	s2 =	smul.u32 $0x15180, s2  }
0x9: {  	s28 =	simm.s32 $0x7;
	s7 =	smul.u32 $0x1400, s6;
	[smem:$0x7FF] =	sst s3  }
0xa: {  	s8 =	sadd.s32 s8, s4;
	s12 =	sshrl.u32 s11, $0x1;
	s6 =	smul.u32 $0x1518, s6  }
0xb: {  	_ =	strace $0x80000047;
	s12 =	ssub.s32 s11, s12;
	s24 =	sadd.s32 s20, s8  }
0xc: {  	s20 =	simm.s32 $0x80;
	s8 =	simm.s32 $0x0;
	s7 =	sshrl.u32 s7, $0x3  }
0xd: {  	s23 =	sshrl.u32 s6, $0x3;
	s16 =	sadd.s32 $0x13E00, s24;
	s11 =	sadd.s32 $0x513E00, s24  }
0xe: {  	s12 =	smax.u32 s12, $0x1;
	s13 =	sadd.s32 $0x793E00, s24;
	s6 =	simm.s32 $0xA  }
0xf: {  	s9 =	sadd.s32 s7, s4;
	s4 =	sadd.s32 s10, s4;
	s0 =	sadd.s32 s0, s7  }
0x10: {  	s10 =	sadd.s32 $0x293E00, s24;
	s24 =	simm.s32 $0xE580;
	s7 =	simm.s32 $0x78  }
0x11: {  	[dreg:$0x5] =	wrdreg s0;
	s21 =	sadd.s32 $0xCE00, s9;
	s22 =	sadd.s32 $0x7E00, s9  }
0x12: {  	s25 =	sadd.s32 $0x2E00, s9;
	s0 =	sadd.s32 s5, s23;
	[dreg:$0x6] =	wrdreg s21  }
.Ltmp0:
0x13: {  	s26 =	sadd.s32 s2, s4;
	[dreg:$0x7] =	wrdreg s22;
	(pc) =	sbr.rel .LBB2_1-.Ltmp0, $4  }
0x14: {  	s2 =	simm.s32 $0x3;
	s23 =	simm.s32 $0x5;
	[dreg:$0x8] =	wrdreg s25  }
0x15: {  	s4 =	simm.s32 $0x8;
	s5 =	simm.s32 $0x9;
	[dreg:$0x9] =	wrdreg s0  }
0x16: {  	s14 =	sadd.s32 $0xA13C00, s26;
	s21 =	simm.s32 $0x6580;
	s22 =	simm.s32 $0xA580  }
0x17: {  	s26 =	simm.s32 $0x12580;
	s0 =	simm.s32 $0x4;
	s25 =	simm.s32 $0x6  }
.LBB2_16:
0x18: {  	_ =	swait.ge [sflag:s28], $0x3C00  }
0x19: {  	[sflag:s28] =	ssyncset.done $0x0  }
0x1a: {  	[sflag:s28] =	ssyncadd.s32 $0xFFFFC400  }
0x1b: {  	_ =	swait.ge [sflag:s4], $0x3C00  }
0x1c: {  	[sflag:s4] =	ssyncset.done $0x0  }
0x1d: {  	s8 =	sadd.s32 $0x1, s8;
	[sflag:s4] =	ssyncadd.s32 $0xFFFFC400  }
0x1e: {  	p0 =	sne.s32 s8, s12;
	_ =	swait.ge [sflag:s5], $0x3C00  }
.Ltmp1:
0x1f: {  	[sflag:s5] =	ssyncset.done $0x0;
	(pc) =	sbr.rel @!p0 .LBB2_17-.Ltmp1, $4  }
0x20: {  	[sflag:s5] =	ssyncadd.s32 $0xFFFFC400  }
0x21: {  	_ =	swait.ge [sflag:s6], $0x3C00  }
0x22: {  	[sflag:s6] =	ssyncset.done $0x0  }
0x23: {  	[sflag:s6] =	ssyncadd.s32 $0xFFFFC400  }
.LBB2_1:
0x24: {  	s9 =	rddreg [dreg:$0x5]  }
0x25: {  	[tilespmem:s3], [sflag:$0xB] =	stream.linear.gather [hbm4b:s9+s3], $0x1400, $0x38;
	[tilespmem:$0x1A580] =	vst v63  }
0x26: {  	_ =	swait.ge [sflag:s15], $0x1400  }
0x27: {  	[sflag:s15] =	ssyncset.done $0x0  }
0x28: {  	s17 =	simm.s32 $0x1400;
	s19 =	rddreg [dreg:$0x6];
	[sflag:s15] =	ssyncadd.s32 $0xFFFFEC00  }
0x29: {  	[tilespmem:s17], [sflag:$0xB] =	stream.linear.gather [hbm4b:s19+s3], $0x1400, $0x38;
	[tilespmem:$0x1A580] =	vst v63  }
0x2a: {  	_ =	swait.ge [sflag:s15], $0x1400  }
0x2b: {  	[sflag:s15] =	ssyncset.done $0x0  }
0x2c: {  	s19 =	simm.s32 $0x2800;
	s18 =	rddreg [dreg:$0x7];
	[sflag:s15] =	ssyncadd.s32 $0xFFFFEC00  }
0x2d: {  	[tilespmem:s19], [sflag:$0xB] =	stream.linear.gather [hbm4b:s18+s3], $0x1400, $0x38;
	[tilespmem:$0x1A580] =	vst v63  }
0x2e: {  	_ =	swait.ge [sflag:s15], $0x1400  }
0x2f: {  	[sflag:s15] =	ssyncset.done $0x0  }
0x30: {  	s19 =	simm.s32 $0x3C00;
	s18 =	rddreg [dreg:$0x8];
	[sflag:s15] =	ssyncadd.s32 $0xFFFFEC00  }
0x31: {  	[tilespmem:s19], [sflag:$0xB] =	stream.linear.gather [hbm4b:s18+s3], $0x1400, $0x38;
	[tilespmem:$0x1A580] =	vst v63  }
0x32: {  	_ =	swait.ge [sflag:s15], $0x1400  }
0x33: {  	[sflag:s15] =	ssyncset.done $0x0  }
0x34: {  	s19 =	simm.s32 $0x5000;
	s18 =	rddreg [dreg:$0x9];
	[sflag:s15] =	ssyncadd.s32 $0xFFFFEC00  }
0x35: {  	[tilespmem:s19], [sflag:$0xB] =	stream.linear.gather [hbm4b:s18+s3], $0x1518, $0x38;
	[tilespmem:$0x1A580] =	vst v63  }
0x36: {  	_ =	swait.ge [sflag:s15], $0x1518  }
0x37: {  	[sflag:s15] =	ssyncset.done $0x0  }
0x38: {  	[sflag:s15] =	ssyncadd.s32 $0xFFFFEAE8  }
0x39: {  	[tilespmem:s21], [sflag:$0x1] =	stream.indirect.gather [hbm4b:s1+s20], $0x80, s3, s20, $0xb8;
	[tilespmem:$0x1A580] =	vst v63  }
0x3a: {  	_ = 	snop  }
0x3b: {  	[tilespmem:s22], [sflag:$0x2] =	stream.indirect.gather [hbm4b:s1+s20], $0x80, s20, s20, $0xb8;
	[tilespmem:$0x1A580] =	vst v63  }
0x3c: {  	s17 =	simm.s32 $0x100  }
0x3d: {  	[tilespmem:s24], [sflag:$0x3] =	stream.indirect.gather [hbm4b:s1+s20], $0x80, s17, s20, $0xb8;
	[tilespmem:$0x1A580] =	vst v63  }
0x3e: {  	s18 =	simm.s32 $0x180  }
0x3f: {  	[tilespmem:s26], [sflag:$0x4] =	stream.indirect.gather [hbm4b:s1+s20], $0x80, s18, s20, $0xb8;
	[tilespmem:$0x1A580] =	vst v63  }
0x40: {  	s9 =	smov.u32 s16;
	s19 =	simm.s32 $0x200;
	s17 =	simm.s32 $0x0  }
0x41: {  	[tilespmem:s29], [sflag:$0x5] =	stream.indirect.gather [hbm4b:s1+s20], $0x80, s19, s20, $0xb8;
	[tilespmem:$0x1A580] =	vst v63  }
.LBB2_2:
0x42: {  	_ =	swait.ge [sflag:s30], $0x4000  }
0x43: {  	[sflag:s30] =	ssyncset.done $0x0  }
0x44: {  	s18 =	sadd.s32 $0xFFFFE000, s9;
	[sflag:s30] =	ssyncadd.s32 $0xFFFFC000  }
0x45: {  	[hbm4b:s18+s3] =	stream.linear.scatter [tilespmem:s21], [sflag:$0x6], $0x4000, $0x38;
	[tilespmem:$0x1A580] =	vst v63  }
0x46: {  	_ =	swait.ge [sflag:s31], $0x4000  }
0x47: {  	[sflag:s31] =	ssyncset.done $0x0  }
0x48: {  	s19 =	sadd.s32 $0xFFFFE800, s9;
	[sflag:s31] =	ssyncadd.s32 $0xFFFFC000  }
0x49: {  	[hbm4b:s19+s3] =	stream.linear.scatter [tilespmem:s22], [sflag:$0x7], $0x4000, $0x38;
	[tilespmem:$0x1A580] =	vst v63  }
0x4a: {  	_ =	swait.ge [sflag:s2], $0x4000  }
0x4b: {  	[sflag:s2] =	ssyncset.done $0x0  }
0x4c: {  	s19 =	sadd.s32 $0xFFFFF000, s9;
	[sflag:s2] =	ssyncadd.s32 $0xFFFFC000  }
0x4d: {  	[hbm4b:s19+s3] =	stream.linear.scatter [tilespmem:s24], [sflag:$0x8], $0x4000, $0x38;
	[tilespmem:$0x1A580] =	vst v63  }
0x4e: {  	_ =	swait.ge [sflag:s0], $0x4000  }
0x4f: {  	[sflag:s0] =	ssyncset.done $0x0  }
0x50: {  	s19 =	sadd.s32 $0xFFFFF800, s9;
	[sflag:s0] =	ssyncadd.s32 $0xFFFFC000  }
0x51: {  	[hbm4b:s19+s3] =	stream.linear.scatter [tilespmem:s26], [sflag:$0x9], $0x4000, $0x38;
	[tilespmem:$0x1A580] =	vst v63  }
0x52: {  	_ =	swait.ge [sflag:s23], $0x4000  }
0x53: {  	p0 =	seq.s32 s17, $0x4600;
	[sflag:s23] =	ssyncset.done $0x0  }
.Ltmp2:
0x54: {  	[sflag:s23] =	ssyncadd.s32 $0xFFFFC000;
	(pc) =	sbr.rel @p0 .LBB2_4-.Ltmp2, $4  }
0x55: {  	[hbm4b:s9+s3] =	stream.linear.scatter [tilespmem:s29], [sflag:$0xA], $0x4000, $0x38;
	[tilespmem:$0x1A580] =	vst v63  }
0x56: {  	_ =	swait.ge [sflag:s25], $0x4000  }
0x57: {  	[sflag:s25] =	ssyncset.done $0x0  }
0x58: {  	[sflag:s25] =	ssyncadd.s32 $0xFFFFC000  }
0x59: {  	s18 =	sshra.s32 s17, $0x2  }
0x5a: {  	s19 =	sadd.s32 $0x280, s18  }
0x5b: {  	[tilespmem:s21], [sflag:$0x1] =	stream.indirect.gather [hbm4b:s1+s20], $0x80, s19, s20, $0xb8;
	[tilespmem:$0x1A580] =	vst v63  }
0x5c: {  	_ =	swait.ge [sflag:s28], $0x4000  }
0x5d: {  	[sflag:s28] =	ssyncset.done $0x0  }
0x5e: {  	s19 =	sadd.s32 $0x300, s18;
	[sflag:s28] =	ssyncadd.s32 $0xFFFFC000  }
0x5f: {  	[tilespmem:s22], [sflag:$0x2] =	stream.indirect.gather [hbm4b:s1+s20], $0x80, s19, s20, $0xb8;
	[tilespmem:$0x1A580] =	vst v63  }
0x60: {  	_ =	swait.ge [sflag:s4], $0x4000  }
0x61: {  	[sflag:s4] =	ssyncset.done $0x0  }
0x62: {  	s19 =	sadd.s32 $0x380, s18;
	[sflag:s4] =	ssyncadd.s32 $0xFFFFC000  }
0x63: {  	[tilespmem:s24], [sflag:$0x3] =	stream.indirect.gather [hbm4b:s1+s20], $0x80, s19, s20, $0xb8;
	[tilespmem:$0x1A580] =	vst v63  }
0x64: {  	_ =	swait.ge [sflag:s5], $0x4000  }
0x65: {  	[sflag:s5] =	ssyncset.done $0x0  }
0x66: {  	s19 =	sadd.s32 $0x400, s18;
	[sflag:s5] =	ssyncadd.s32 $0xFFFFC000  }
0x67: {  	[tilespmem:s26], [sflag:$0x4] =	stream.indirect.gather [hbm4b:s1+s20], $0x80, s19, s20, $0xb8;
	[tilespmem:$0x1A580] =	vst v63  }
.Ltmp3:
0x68: {  	_ = 	snop;
	(pc) =	sbr.rel .LBB2_2-.Ltmp3, $4  }
0x69: {  	_ =	swait.ge [sflag:s6], $0x4000  }
0x6a: {  	s17 =	sadd.s32 $0xA00, s17;
	[sflag:s6] =	ssyncset.done $0x0  }
0x6b: {  	s9 =	sadd.s32 $0x2800, s9;
	s18 =	sadd.s32 $0x480, s18;
	[sflag:s6] =	ssyncadd.s32 $0xFFFFC000  }
0x6c: {  	[tilespmem:s29], [sflag:$0x5] =	stream.indirect.gather [hbm4b:s1+s20], $0x80, s18, s20, $0xb8;
	[tilespmem:$0x1A580] =	vst v63  }
.LBB2_4:
0x6d: {  	_ =	swait.ge [sflag:s28], $0x4000  }
0x6e: {  	[sflag:s28] =	ssyncset.done $0x0  }
0x6f: {  	[sflag:s28] =	ssyncadd.s32 $0xFFFFC000  }
0x70: {  	_ =	swait.ge [sflag:s4], $0x4000  }
0x71: {  	[sflag:s4] =	ssyncset.done $0x0  }
0x72: {  	[sflag:s4] =	ssyncadd.s32 $0xFFFFC000  }
0x73: {  	_ =	swait.ge [sflag:s5], $0x4000  }
0x74: {  	[sflag:s5] =	ssyncset.done $0x0  }
0x75: {  	[sflag:s5] =	ssyncadd.s32 $0xFFFFC000  }
0x76: {  	_ =	swait.ge [sflag:s6], $0x4000  }
0x77: {  	[sflag:s6] =	ssyncset.done $0x0  }
0x78: {  	s9 =	simm.s32 $0x1400;
	[sflag:s6] =	ssyncadd.s32 $0xFFFFC000  }
0x79: {  	[tilespmem:s21], [sflag:$0x1] =	stream.indirect.gather [hbm4b:s1+s20], $0x80, s9, s20, $0xb8;
	[tilespmem:$0x1A580] =	vst v63  }
0x7a: {  	s19 =	simm.s32 $0x1480  }
0x7b: {  	[tilespmem:s22], [sflag:$0x2] =	stream.indirect.gather [hbm4b:s1+s20], $0x80, s19, s20, $0xb8;
	[tilespmem:$0x1A580] =	vst v63  }
0x7c: {  	s17 =	simm.s32 $0x1500  }
0x7d: {  	[tilespmem:s24], [sflag:$0x3] =	stream.indirect.gather [hbm4b:s1+s20], $0x80, s17, s20, $0xb8;
	[tilespmem:$0x1A580] =	vst v63  }
0x7e: {  	s18 =	simm.s32 $0x1580  }
0x7f: {  	[tilespmem:s26], [sflag:$0x4] =	stream.indirect.gather [hbm4b:s1+s20], $0x80, s18, s20, $0xb8;
	[tilespmem:$0x1A580] =	vst v63  }
0x80: {  	s9 =	simm.s32 $0x0;
	s19 =	simm.s32 $0x1600;
	s17 =	smov.u32 s10  }
0x81: {  	[tilespmem:s29], [sflag:$0x5] =	stream.indirect.gather [hbm4b:s1+s20], $0x80, s19, s20, $0xb8;
	[tilespmem:$0x1A580] =	vst v63  }
.LBB2_5:
0x82: {  	_ =	swait.ge [sflag:s30], $0x4000  }
0x83: {  	[sflag:s30] =	ssyncset.done $0x0  }
0x84: {  	s18 =	sadd.s32 $0xFFFFE000, s17;
	[sflag:s30] =	ssyncadd.s32 $0xFFFFC000  }
0x85: {  	[hbm4b:s18+s3] =	stream.linear.scatter [tilespmem:s21], [sflag:$0x6], $0x4000, $0x38;
	[tilespmem:$0x1A580] =	vst v63  }
0x86: {  	_ =	swait.ge [sflag:s31], $0x4000  }
0x87: {  	[sflag:s31] =	ssyncset.done $0x0  }
0x88: {  	s19 =	sadd.s32 $0xFFFFE800, s17;
	[sflag:s31] =	ssyncadd.s32 $0xFFFFC000  }
0x89: {  	[hbm4b:s19+s3] =	stream.linear.scatter [tilespmem:s22], [sflag:$0x7], $0x4000, $0x38;
	[tilespmem:$0x1A580] =	vst v63  }
0x8a: {  	_ =	swait.ge [sflag:s2], $0x4000  }
0x8b: {  	[sflag:s2] =	ssyncset.done $0x0  }
0x8c: {  	s19 =	sadd.s32 $0xFFFFF000, s17;
	[sflag:s2] =	ssyncadd.s32 $0xFFFFC000  }
0x8d: {  	[hbm4b:s19+s3] =	stream.linear.scatter [tilespmem:s24], [sflag:$0x8], $0x4000, $0x38;
	[tilespmem:$0x1A580] =	vst v63  }
0x8e: {  	_ =	swait.ge [sflag:s0], $0x4000  }
0x8f: {  	[sflag:s0] =	ssyncset.done $0x0  }
0x90: {  	s19 =	sadd.s32 $0xFFFFF800, s17;
	[sflag:s0] =	ssyncadd.s32 $0xFFFFC000  }
0x91: {  	[hbm4b:s19+s3] =	stream.linear.scatter [tilespmem:s26], [sflag:$0x9], $0x4000, $0x38;
	[tilespmem:$0x1A580] =	vst v63  }
0x92: {  	_ =	swait.ge [sflag:s23], $0x4000  }
0x93: {  	p0 =	seq.s32 s9, $0x4600;
	[sflag:s23] =	ssyncset.done $0x0  }
.Ltmp4:
0x94: {  	[sflag:s23] =	ssyncadd.s32 $0xFFFFC000;
	(pc) =	sbr.rel @p0 .LBB2_7-.Ltmp4, $4  }
0x95: {  	[hbm4b:s17+s3] =	stream.linear.scatter [tilespmem:s29], [sflag:$0xA], $0x4000, $0x38;
	[tilespmem:$0x1A580] =	vst v63  }
0x96: {  	_ =	swait.ge [sflag:s25], $0x4000  }
0x97: {  	[sflag:s25] =	ssyncset.done $0x0  }
0x98: {  	[sflag:s25] =	ssyncadd.s32 $0xFFFFC000  }
0x99: {  	s18 =	sshra.s32 s9, $0x2  }
0x9a: {  	s19 =	sadd.s32 $0x1680, s18  }
0x9b: {  	[tilespmem:s21], [sflag:$0x1] =	stream.indirect.gather [hbm4b:s1+s20], $0x80, s19, s20, $0xb8;
	[tilespmem:$0x1A580] =	vst v63  }
0x9c: {  	_ =	swait.ge [sflag:s28], $0x4000  }
0x9d: {  	[sflag:s28] =	ssyncset.done $0x0  }
0x9e: {  	s19 =	sadd.s32 $0x1700, s18;
	[sflag:s28] =	ssyncadd.s32 $0xFFFFC000  }
0x9f: {  	[tilespmem:s22], [sflag:$0x2] =	stream.indirect.gather [hbm4b:s1+s20], $0x80, s19, s20, $0xb8;
	[tilespmem:$0x1A580] =	vst v63  }
0xa0: {  	_ =	swait.ge [sflag:s4], $0x4000  }
0xa1: {  	[sflag:s4] =	ssyncset.done $0x0  }
0xa2: {  	s19 =	sadd.s32 $0x1780, s18;
	[sflag:s4] =	ssyncadd.s32 $0xFFFFC000  }
0xa3: {  	[tilespmem:s24], [sflag:$0x3] =	stream.indirect.gather [hbm4b:s1+s20], $0x80, s19, s20, $0xb8;
	[tilespmem:$0x1A580] =	vst v63  }
0xa4: {  	_ =	swait.ge [sflag:s5], $0x4000  }
0xa5: {  	[sflag:s5] =	ssyncset.done $0x0  }
0xa6: {  	s19 =	sadd.s32 $0x1800, s18;
	[sflag:s5] =	ssyncadd.s32 $0xFFFFC000  }
0xa7: {  	[tilespmem:s26], [sflag:$0x4] =	stream.indirect.gather [hbm4b:s1+s20], $0x80, s19, s20, $0xb8;
	[tilespmem:$0x1A580] =	vst v63  }
.Ltmp5:
0xa8: {  	_ = 	snop;
	(pc) =	sbr.rel .LBB2_5-.Ltmp5, $4  }
0xa9: {  	_ =	swait.ge [sflag:s6], $0x4000  }
0xaa: {  	s9 =	sadd.s32 $0xA00, s9;
	[sflag:s6] =	ssyncset.done $0x0  }
0xab: {  	s17 =	sadd.s32 $0x2800, s17;
	s18 =	sadd.s32 $0x1880, s18;
	[sflag:s6] =	ssyncadd.s32 $0xFFFFC000  }
0xac: {  	[tilespmem:s29], [sflag:$0x5] =	stream.indirect.gather [hbm4b:s1+s20], $0x80, s18, s20, $0xb8;
	[tilespmem:$0x1A580] =	vst v63  }
.LBB2_7:
0xad: {  	_ =	swait.ge [sflag:s28], $0x4000  }
0xae: {  	[sflag:s28] =	ssyncset.done $0x0  }
0xaf: {  	[sflag:s28] =	ssyncadd.s32 $0xFFFFC000  }
0xb0: {  	_ =	swait.ge [sflag:s4], $0x4000  }
0xb1: {  	[sflag:s4] =	ssyncset.done $0x0  }
0xb2: {  	[sflag:s4] =	ssyncadd.s32 $0xFFFFC000  }
0xb3: {  	_ =	swait.ge [sflag:s5], $0x4000  }
0xb4: {  	[sflag:s5] =	ssyncset.done $0x0  }
0xb5: {  	[sflag:s5] =	ssyncadd.s32 $0xFFFFC000  }
0xb6: {  	_ =	swait.ge [sflag:s6], $0x4000  }
0xb7: {  	[sflag:s6] =	ssyncset.done $0x0  }
0xb8: {  	s9 =	simm.s32 $0x2800;
	[sflag:s6] =	ssyncadd.s32 $0xFFFFC000  }
0xb9: {  	[tilespmem:s21], [sflag:$0x1] =	stream.indirect.gather [hbm4b:s1+s20], $0x80, s9, s20, $0xb8;
	[tilespmem:$0x1A580] =	vst v63  }
0xba: {  	s19 =	simm.s32 $0x2880  }
0xbb: {  	[tilespmem:s22], [sflag:$0x2] =	stream.indirect.gather [hbm4b:s1+s20], $0x80, s19, s20, $0xb8;
	[tilespmem:$0x1A580] =	vst v63  }
0xbc: {  	s17 =	simm.s32 $0x2900  }
0xbd: {  	[tilespmem:s24], [sflag:$0x3] =	stream.indirect.gather [hbm4b:s1+s20], $0x80, s17, s20, $0xb8;
	[tilespmem:$0x1A580] =	vst v63  }
0xbe: {  	s18 =	simm.s32 $0x2980  }
0xbf: {  	[tilespmem:s26], [sflag:$0x4] =	stream.indirect.gather [hbm4b:s1+s20], $0x80, s18, s20, $0xb8;
	[tilespmem:$0x1A580] =	vst v63  }
0xc0: {  	s9 =	simm.s32 $0x0;
	s19 =	simm.s32 $0x2A00;
	s17 =	smov.u32 s11  }
0xc1: {  	[tilespmem:s29], [sflag:$0x5] =	stream.indirect.gather [hbm4b:s1+s20], $0x80, s19, s20, $0xb8;
	[tilespmem:$0x1A580] =	vst v63  }
.LBB2_8:
0xc2: {  	_ =	swait.ge [sflag:s30], $0x4000  }
0xc3: {  	[sflag:s30] =	ssyncset.done $0x0  }
0xc4: {  	s18 =	sadd.s32 $0xFFFFE000, s17;
	[sflag:s30] =	ssyncadd.s32 $0xFFFFC000  }
0xc5: {  	[hbm4b:s18+s3] =	stream.linear.scatter [tilespmem:s21], [sflag:$0x6], $0x4000, $0x38;
	[tilespmem:$0x1A580] =	vst v63  }
0xc6: {  	_ =	swait.ge [sflag:s31], $0x4000  }
0xc7: {  	[sflag:s31] =	ssyncset.done $0x0  }
0xc8: {  	s19 =	sadd.s32 $0xFFFFE800, s17;
	[sflag:s31] =	ssyncadd.s32 $0xFFFFC000  }
0xc9: {  	[hbm4b:s19+s3] =	stream.linear.scatter [tilespmem:s22], [sflag:$0x7], $0x4000, $0x38;
	[tilespmem:$0x1A580] =	vst v63  }
0xca: {  	_ =	swait.ge [sflag:s2], $0x4000  }
0xcb: {  	[sflag:s2] =	ssyncset.done $0x0  }
0xcc: {  	s19 =	sadd.s32 $0xFFFFF000, s17;
	[sflag:s2] =	ssyncadd.s32 $0xFFFFC000  }
0xcd: {  	[hbm4b:s19+s3] =	stream.linear.scatter [tilespmem:s24], [sflag:$0x8], $0x4000, $0x38;
	[tilespmem:$0x1A580] =	vst v63  }
0xce: {  	_ =	swait.ge [sflag:s0], $0x4000  }
0xcf: {  	[sflag:s0] =	ssyncset.done $0x0  }
0xd0: {  	s19 =	sadd.s32 $0xFFFFF800, s17;
	[sflag:s0] =	ssyncadd.s32 $0xFFFFC000  }
0xd1: {  	[hbm4b:s19+s3] =	stream.linear.scatter [tilespmem:s26], [sflag:$0x9], $0x4000, $0x38;
	[tilespmem:$0x1A580] =	vst v63  }
0xd2: {  	_ =	swait.ge [sflag:s23], $0x4000  }
0xd3: {  	p0 =	seq.s32 s9, $0x4600;
	[sflag:s23] =	ssyncset.done $0x0  }
.Ltmp6:
0xd4: {  	[sflag:s23] =	ssyncadd.s32 $0xFFFFC000;
	(pc) =	sbr.rel @p0 .LBB2_10-.Ltmp6, $4  }
0xd5: {  	[hbm4b:s17+s3] =	stream.linear.scatter [tilespmem:s29], [sflag:$0xA], $0x4000, $0x38;
	[tilespmem:$0x1A580] =	vst v63  }
0xd6: {  	_ =	swait.ge [sflag:s25], $0x4000  }
0xd7: {  	[sflag:s25] =	ssyncset.done $0x0  }
0xd8: {  	[sflag:s25] =	ssyncadd.s32 $0xFFFFC000  }
0xd9: {  	s18 =	sshra.s32 s9, $0x2  }
0xda: {  	s19 =	sadd.s32 $0x2A80, s18  }
0xdb: {  	[tilespmem:s21], [sflag:$0x1] =	stream.indirect.gather [hbm4b:s1+s20], $0x80, s19, s20, $0xb8;
	[tilespmem:$0x1A580] =	vst v63  }
0xdc: {  	_ =	swait.ge [sflag:s28], $0x4000  }
0xdd: {  	[sflag:s28] =	ssyncset.done $0x0  }
0xde: {  	s19 =	sadd.s32 $0x2B00, s18;
	[sflag:s28] =	ssyncadd.s32 $0xFFFFC000  }
0xdf: {  	[tilespmem:s22], [sflag:$0x2] =	stream.indirect.gather [hbm4b:s1+s20], $0x80, s19, s20, $0xb8;
	[tilespmem:$0x1A580] =	vst v63  }
0xe0: {  	_ =	swait.ge [sflag:s4], $0x4000  }
0xe1: {  	[sflag:s4] =	ssyncset.done $0x0  }
0xe2: {  	s19 =	sadd.s32 $0x2B80, s18;
	[sflag:s4] =	ssyncadd.s32 $0xFFFFC000  }
0xe3: {  	[tilespmem:s24], [sflag:$0x3] =	stream.indirect.gather [hbm4b:s1+s20], $0x80, s19, s20, $0xb8;
	[tilespmem:$0x1A580] =	vst v63  }
0xe4: {  	_ =	swait.ge [sflag:s5], $0x4000  }
0xe5: {  	[sflag:s5] =	ssyncset.done $0x0  }
0xe6: {  	s19 =	sadd.s32 $0x2C00, s18;
	[sflag:s5] =	ssyncadd.s32 $0xFFFFC000  }
0xe7: {  	[tilespmem:s26], [sflag:$0x4] =	stream.indirect.gather [hbm4b:s1+s20], $0x80, s19, s20, $0xb8;
	[tilespmem:$0x1A580] =	vst v63  }
.Ltmp7:
0xe8: {  	_ = 	snop;
	(pc) =	sbr.rel .LBB2_8-.Ltmp7, $4  }
0xe9: {  	_ =	swait.ge [sflag:s6], $0x4000  }
0xea: {  	s9 =	sadd.s32 $0xA00, s9;
	[sflag:s6] =	ssyncset.done $0x0  }
0xeb: {  	s17 =	sadd.s32 $0x2800, s17;
	s18 =	sadd.s32 $0x2C80, s18;
	[sflag:s6] =	ssyncadd.s32 $0xFFFFC000  }
0xec: {  	[tilespmem:s29], [sflag:$0x5] =	stream.indirect.gather [hbm4b:s1+s20], $0x80, s18, s20, $0xb8;
	[tilespmem:$0x1A580] =	vst v63  }
.LBB2_10:
0xed: {  	_ =	swait.ge [sflag:s28], $0x4000  }
0xee: {  	[sflag:s28] =	ssyncset.done $0x0  }
0xef: {  	[sflag:s28] =	ssyncadd.s32 $0xFFFFC000  }
0xf0: {  	_ =	swait.ge [sflag:s4], $0x4000  }
0xf1: {  	[sflag:s4] =	ssyncset.done $0x0  }
0xf2: {  	[sflag:s4] =	ssyncadd.s32 $0xFFFFC000  }
0xf3: {  	_ =	swait.ge [sflag:s5], $0x4000  }
0xf4: {  	[sflag:s5] =	ssyncset.done $0x0  }
0xf5: {  	[sflag:s5] =	ssyncadd.s32 $0xFFFFC000  }
0xf6: {  	_ =	swait.ge [sflag:s6], $0x4000  }
0xf7: {  	[sflag:s6] =	ssyncset.done $0x0  }
0xf8: {  	s9 =	simm.s32 $0x3C00;
	[sflag:s6] =	ssyncadd.s32 $0xFFFFC000  }
0xf9: {  	[tilespmem:s21], [sflag:$0x1] =	stream.indirect.gather [hbm4b:s1+s20], $0x80, s9, s20, $0xb8;
	[tilespmem:$0x1A580] =	vst v63  }
0xfa: {  	s19 =	simm.s32 $0x3C80  }
0xfb: {  	[tilespmem:s22], [sflag:$0x2] =	stream.indirect.gather [hbm4b:s1+s20], $0x80, s19, s20, $0xb8;
	[tilespmem:$0x1A580] =	vst v63  }
0xfc: {  	s17 =	simm.s32 $0x3D00  }
0xfd: {  	[tilespmem:s24], [sflag:$0x3] =	stream.indirect.gather [hbm4b:s1+s20], $0x80, s17, s20, $0xb8;
	[tilespmem:$0x1A580] =	vst v63  }
0xfe: {  	s18 =	simm.s32 $0x3D80  }
0xff: {  	[tilespmem:s26], [sflag:$0x4] =	stream.indirect.gather [hbm4b:s1+s20], $0x80, s18, s20, $0xb8;
	[tilespmem:$0x1A580] =	vst v63  }
0x100: {  	s9 =	simm.s32 $0x0;
	s19 =	simm.s32 $0x3E00;
	s17 =	smov.u32 s13  }
0x101: {  	[tilespmem:s29], [sflag:$0x5] =	stream.indirect.gather [hbm4b:s1+s20], $0x80, s19, s20, $0xb8;
	[tilespmem:$0x1A580] =	vst v63  }
.LBB2_11:
0x102: {  	_ =	swait.ge [sflag:s30], $0x4000  }
0x103: {  	[sflag:s30] =	ssyncset.done $0x0  }
0x104: {  	s18 =	sadd.s32 $0xFFFFE000, s17;
	[sflag:s30] =	ssyncadd.s32 $0xFFFFC000  }
0x105: {  	[hbm4b:s18+s3] =	stream.linear.scatter [tilespmem:s21], [sflag:$0x6], $0x4000, $0x38;
	[tilespmem:$0x1A580] =	vst v63  }
0x106: {  	_ =	swait.ge [sflag:s31], $0x4000  }
0x107: {  	[sflag:s31] =	ssyncset.done $0x0  }
0x108: {  	s19 =	sadd.s32 $0xFFFFE800, s17;
	[sflag:s31] =	ssyncadd.s32 $0xFFFFC000  }
0x109: {  	[hbm4b:s19+s3] =	stream.linear.scatter [tilespmem:s22], [sflag:$0x7], $0x4000, $0x38;
	[tilespmem:$0x1A580] =	vst v63  }
0x10a: {  	_ =	swait.ge [sflag:s2], $0x4000  }
0x10b: {  	[sflag:s2] =	ssyncset.done $0x0  }
0x10c: {  	s19 =	sadd.s32 $0xFFFFF000, s17;
	[sflag:s2] =	ssyncadd.s32 $0xFFFFC000  }
0x10d: {  	[hbm4b:s19+s3] =	stream.linear.scatter [tilespmem:s24], [sflag:$0x8], $0x4000, $0x38;
	[tilespmem:$0x1A580] =	vst v63  }
0x10e: {  	_ =	swait.ge [sflag:s0], $0x4000  }
0x10f: {  	[sflag:s0] =	ssyncset.done $0x0  }
0x110: {  	s19 =	sadd.s32 $0xFFFFF800, s17;
	[sflag:s0] =	ssyncadd.s32 $0xFFFFC000  }
0x111: {  	[hbm4b:s19+s3] =	stream.linear.scatter [tilespmem:s26], [sflag:$0x9], $0x4000, $0x38;
	[tilespmem:$0x1A580] =	vst v63  }
0x112: {  	_ =	swait.ge [sflag:s23], $0x4000  }
0x113: {  	p0 =	seq.s32 s9, $0x4600;
	[sflag:s23] =	ssyncset.done $0x0  }
.Ltmp8:
0x114: {  	[sflag:s23] =	ssyncadd.s32 $0xFFFFC000;
	(pc) =	sbr.rel @p0 .LBB2_13-.Ltmp8, $4  }
0x115: {  	[hbm4b:s17+s3] =	stream.linear.scatter [tilespmem:s29], [sflag:$0xA], $0x4000, $0x38;
	[tilespmem:$0x1A580] =	vst v63  }
0x116: {  	_ =	swait.ge [sflag:s25], $0x4000  }
0x117: {  	[sflag:s25] =	ssyncset.done $0x0  }
0x118: {  	[sflag:s25] =	ssyncadd.s32 $0xFFFFC000  }
0x119: {  	s18 =	sshra.s32 s9, $0x2  }
0x11a: {  	s19 =	sadd.s32 $0x3E80, s18  }
0x11b: {  	[tilespmem:s21], [sflag:$0x1] =	stream.indirect.gather [hbm4b:s1+s20], $0x80, s19, s20, $0xb8;
	[tilespmem:$0x1A580] =	vst v63  }
0x11c: {  	_ =	swait.ge [sflag:s28], $0x4000  }
0x11d: {  	[sflag:s28] =	ssyncset.done $0x0  }
0x11e: {  	s19 =	sadd.s32 $0x3F00, s18;
	[sflag:s28] =	ssyncadd.s32 $0xFFFFC000  }
0x11f: {  	[tilespmem:s22], [sflag:$0x2] =	stream.indirect.gather [hbm4b:s1+s20], $0x80, s19, s20, $0xb8;
	[tilespmem:$0x1A580] =	vst v63  }
0x120: {  	_ =	swait.ge [sflag:s4], $0x4000  }
0x121: {  	[sflag:s4] =	ssyncset.done $0x0  }
0x122: {  	s19 =	sadd.s32 $0x3F80, s18;
	[sflag:s4] =	ssyncadd.s32 $0xFFFFC000  }
0x123: {  	[tilespmem:s24], [sflag:$0x3] =	stream.indirect.gather [hbm4b:s1+s20], $0x80, s19, s20, $0xb8;
	[tilespmem:$0x1A580] =	vst v63  }
0x124: {  	_ =	swait.ge [sflag:s5], $0x4000  }
0x125: {  	[sflag:s5] =	ssyncset.done $0x0  }
0x126: {  	s19 =	sadd.s32 $0x4000, s18;
	[sflag:s5] =	ssyncadd.s32 $0xFFFFC000  }
0x127: {  	[tilespmem:s26], [sflag:$0x4] =	stream.indirect.gather [hbm4b:s1+s20], $0x80, s19, s20, $0xb8;
	[tilespmem:$0x1A580] =	vst v63  }
.Ltmp9:
0x128: {  	_ = 	snop;
	(pc) =	sbr.rel .LBB2_11-.Ltmp9, $4  }
0x129: {  	_ =	swait.ge [sflag:s6], $0x4000  }
0x12a: {  	s9 =	sadd.s32 $0xA00, s9;
	[sflag:s6] =	ssyncset.done $0x0  }
0x12b: {  	s17 =	sadd.s32 $0x2800, s17;
	s18 =	sadd.s32 $0x4080, s18;
	[sflag:s6] =	ssyncadd.s32 $0xFFFFC000  }
0x12c: {  	[tilespmem:s29], [sflag:$0x5] =	stream.indirect.gather [hbm4b:s1+s20], $0x80, s18, s20, $0xb8;
	[tilespmem:$0x1A580] =	vst v63  }
.LBB2_13:
0x12d: {  	_ =	swait.ge [sflag:s28], $0x4000  }
0x12e: {  	[sflag:s28] =	ssyncset.done $0x0  }
0x12f: {  	[sflag:s28] =	ssyncadd.s32 $0xFFFFC000  }
0x130: {  	_ =	swait.ge [sflag:s4], $0x4000  }
0x131: {  	[sflag:s4] =	ssyncset.done $0x0  }
0x132: {  	[sflag:s4] =	ssyncadd.s32 $0xFFFFC000  }
0x133: {  	_ =	swait.ge [sflag:s5], $0x4000  }
0x134: {  	[sflag:s5] =	ssyncset.done $0x0  }
0x135: {  	[sflag:s5] =	ssyncadd.s32 $0xFFFFC000  }
0x136: {  	_ =	swait.ge [sflag:s6], $0x4000  }
0x137: {  	[sflag:s6] =	ssyncset.done $0x0  }
0x138: {  	s9 =	simm.s32 $0x5000;
	[sflag:s6] =	ssyncadd.s32 $0xFFFFC000  }
0x139: {  	[tilespmem:s21], [sflag:$0x1] =	stream.indirect.gather [hbm4b:s1+s7], $0x80, s9, s7, $0xb8;
	[tilespmem:$0x1A580] =	vst v63  }
0x13a: {  	s19 =	simm.s32 $0x5078  }
0x13b: {  	[tilespmem:s22], [sflag:$0x2] =	stream.indirect.gather [hbm4b:s1+s7], $0x80, s19, s7, $0xb8;
	[tilespmem:$0x1A580] =	vst v63  }
0x13c: {  	s17 =	simm.s32 $0x50F0  }
0x13d: {  	[tilespmem:s24], [sflag:$0x3] =	stream.indirect.gather [hbm4b:s1+s7], $0x80, s17, s7, $0xb8;
	[tilespmem:$0x1A580] =	vst v63  }
0x13e: {  	s18 =	simm.s32 $0x5168  }
0x13f: {  	[tilespmem:s26], [sflag:$0x4] =	stream.indirect.gather [hbm4b:s1+s7], $0x80, s18, s7, $0xb8;
	[tilespmem:$0x1A580] =	vst v63  }
0x140: {  	s9 =	simm.s32 $0x0;
	s19 =	simm.s32 $0x51E0;
	s17 =	smov.u32 s14  }
0x141: {  	[tilespmem:s29], [sflag:$0x5] =	stream.indirect.gather [hbm4b:s1+s7], $0x80, s19, s7, $0xb8;
	[tilespmem:$0x1A580] =	vst v63  }
.LBB2_14:
0x142: {  	_ =	swait.ge [sflag:s30], $0x3C00  }
0x143: {  	[sflag:s30] =	ssyncset.done $0x0  }
0x144: {  	s18 =	sadd.s32 $0xFFFFE200, s17;
	[sflag:s30] =	ssyncadd.s32 $0xFFFFC400  }
0x145: {  	[hbm4b:s18+s3] =	stream.linear.scatter [tilespmem:s21], [sflag:$0x6], $0x3C00, $0x38;
	[tilespmem:$0x1A580] =	vst v63  }
0x146: {  	_ =	swait.ge [sflag:s31], $0x3C00  }
0x147: {  	[sflag:s31] =	ssyncset.done $0x0  }
0x148: {  	s19 =	sadd.s32 $0xFFFFE980, s17;
	[sflag:s31] =	ssyncadd.s32 $0xFFFFC400  }
0x149: {  	[hbm4b:s19+s3] =	stream.linear.scatter [tilespmem:s22], [sflag:$0x7], $0x3C00, $0x38;
	[tilespmem:$0x1A580] =	vst v63  }
0x14a: {  	_ =	swait.ge [sflag:s2], $0x3C00  }
0x14b: {  	[sflag:s2] =	ssyncset.done $0x0  }
0x14c: {  	s19 =	sadd.s32 $0xFFFFF100, s17;
	[sflag:s2] =	ssyncadd.s32 $0xFFFFC400  }
0x14d: {  	[hbm4b:s19+s3] =	stream.linear.scatter [tilespmem:s24], [sflag:$0x8], $0x3C00, $0x38;
	[tilespmem:$0x1A580] =	vst v63  }
0x14e: {  	_ =	swait.ge [sflag:s0], $0x3C00  }
0x14f: {  	[sflag:s0] =	ssyncset.done $0x0  }
0x150: {  	s19 =	sadd.s32 $0xFFFFF880, s17;
	[sflag:s0] =	ssyncadd.s32 $0xFFFFC400  }
0x151: {  	[hbm4b:s19+s3] =	stream.linear.scatter [tilespmem:s26], [sflag:$0x9], $0x3C00, $0x38;
	[tilespmem:$0x1A580] =	vst v63  }
0x152: {  	_ =	swait.ge [sflag:s23], $0x3C00  }
0x153: {  	p0 =	seq.s32 s9, $0x4B00;
	[sflag:s23] =	ssyncset.done $0x0  }
.Ltmp10:
0x154: {  	[sflag:s23] =	ssyncadd.s32 $0xFFFFC400;
	(pc) =	sbr.rel @p0 .LBB2_16-.Ltmp10, $4  }
0x155: {  	[hbm4b:s17+s3] =	stream.linear.scatter [tilespmem:s29], [sflag:$0xA], $0x3C00, $0x38;
	[tilespmem:$0x1A580] =	vst v63  }
0x156: {  	_ =	swait.ge [sflag:s25], $0x3C00  }
0x157: {  	[sflag:s25] =	ssyncset.done $0x0  }
0x158: {  	[sflag:s25] =	ssyncadd.s32 $0xFFFFC400  }
0x159: {  	s18 =	sshra.s32 s9, $0x2  }
0x15a: {  	s19 =	sadd.s32 $0x5258, s18  }
0x15b: {  	[tilespmem:s21], [sflag:$0x1] =	stream.indirect.gather [hbm4b:s1+s7], $0x80, s19, s7, $0xb8;
	[tilespmem:$0x1A580] =	vst v63  }
0x15c: {  	_ =	swait.ge [sflag:s28], $0x3C00  }
0x15d: {  	[sflag:s28] =	ssyncset.done $0x0  }
0x15e: {  	s19 =	sadd.s32 $0x52D0, s18;
	[sflag:s28] =	ssyncadd.s32 $0xFFFFC400  }
0x15f: {  	[tilespmem:s22], [sflag:$0x2] =	stream.indirect.gather [hbm4b:s1+s7], $0x80, s19, s7, $0xb8;
	[tilespmem:$0x1A580] =	vst v63  }
0x160: {  	_ =	swait.ge [sflag:s4], $0x3C00  }
0x161: {  	[sflag:s4] =	ssyncset.done $0x0  }
0x162: {  	s19 =	sadd.s32 $0x5348, s18;
	[sflag:s4] =	ssyncadd.s32 $0xFFFFC400  }
0x163: {  	[tilespmem:s24], [sflag:$0x3] =	stream.indirect.gather [hbm4b:s1+s7], $0x80, s19, s7, $0xb8;
	[tilespmem:$0x1A580] =	vst v63  }
0x164: {  	_ =	swait.ge [sflag:s5], $0x3C00  }
0x165: {  	[sflag:s5] =	ssyncset.done $0x0  }
0x166: {  	s19 =	sadd.s32 $0x53C0, s18;
	[sflag:s5] =	ssyncadd.s32 $0xFFFFC400  }
0x167: {  	[tilespmem:s26], [sflag:$0x4] =	stream.indirect.gather [hbm4b:s1+s7], $0x80, s19, s7, $0xb8;
	[tilespmem:$0x1A580] =	vst v63  }
.Ltmp11:
0x168: {  	_ = 	snop;
	(pc) =	sbr.rel .LBB2_14-.Ltmp11, $4  }
0x169: {  	_ =	swait.ge [sflag:s6], $0x3C00  }
0x16a: {  	s9 =	sadd.s32 $0x960, s9;
	[sflag:s6] =	ssyncset.done $0x0  }
0x16b: {  	s17 =	sadd.s32 $0x2580, s17;
	s18 =	sadd.s32 $0x5438, s18;
	[sflag:s6] =	ssyncadd.s32 $0xFFFFC400  }
0x16c: {  	[tilespmem:s29], [sflag:$0x5] =	stream.indirect.gather [hbm4b:s1+s7], $0x80, s18, s7, $0xb8;
	[tilespmem:$0x1A580] =	vst v63  }
.LBB2_17:
0x16d: {  	_ =	sfence.sel $0x180000  }
0x16e: {  	[bflag:$0x0] =	sbarrier.arrive $0xFFFF  }
0x16f: {  	_ =	strace $0x90000047  }
0x170: {  	s0 =	stileid.u32;
	[bflag:$0x2] =	sbarrier.arrive $0xFFFF  }
0x171: {  	p0 =	sne.s32 s0, $0x0;
	s0 =	rddreg [dreg:$0x4]  }
0x172: {  	s0 =	sadd.s32 @!p0 $0x100000, s0  }
0x173: {  	[sflag:s0] =	ssyncadd.tile.s32 @!p0 $0x1;
	_ =	shalt  }
.Lfunc_end2:
_tile_overlayer_lowered:
.L_overlay_start_2:
0x174: {  	(tag) =	ssettag $0x2  }
0x175: {  	s0 =	rddreg [dreg:$0x0];
	s2 =	stileid.u32  }
0x176: {  	s1 =	rddreg [dreg:$0x1];
	p0 =	sne.s32 s2, $0x0  }
0x177: {  	s3 =	rddreg [dreg:$0x2];
	[bflag:$0x3] =	sbarrier.arrive $0xFFFF;
	s2 =	simm.s32 @!p0 $0x1C0B  }
0x178: {  	[timem:s3], [sflag:s2] =	dma.local @!p0 [hbm:s0], s1  }
0x179: {  	s0 =	simm.s32 @!p0 $0xB  }
0x17a: {  	_ =	swait.ge @!p0 [sflag:s0], s1  }
0x17b: {  	s1 =	ssub.s32 @!p0 $0x0, s1;
	[sflag:s0] =	ssyncset.done @!p0 $0x0  }
0x17c: {  	[sflag:s0] =	ssyncadd.s32 @!p0 s1  }
0x17d: {  	[bflag:$0x3] =	sbarrier.arrive $0xFFFF  }
0x17e: {  	_ =	shalt  }

</sc_bundles>
